<compile_context>
chip_gen: v7x
topology: tpu7x:2x2x1
jax: 0.10.2.dev20260603
libtpu: 0.0.44.dev20260713+nightly
codegen_flags: <defaults>
</compile_context>

<pallas_src>
import jax
import jax.numpy as jnp
from jax import lax
from jax.experimental import pallas as pl
from jax.experimental.pallas import tpu as pltpu
from jax.experimental.pallas import tpu_sc as plsc

N = 10000
E = 160000
INP = 128
EMB = 128
NB = 4
NR = 20

NC = 2
NS = 16
NW = NC * NS
CHUNK = 128
NCHUNK = 40
EPAD = NW * NCHUNK * CHUNK
NPAD = 10240
ROWS_PER_TILE = NPAD // NS
NBLK = 10
BLK = N // NBLK



def _project_body(h_ref, wb_ref, wc_ref, sl_ref, out_ref):
    r = pl.program_id(0)

    @pl.when(r < NR)
    def _():
        w = (wc_ref[r, 0] * wb_ref[0]
             + wc_ref[r, 1] * wb_ref[1]
             + wc_ref[r, 2] * wb_ref[2]
             + wc_ref[r, 3] * wb_ref[3])
        out_ref[...] = jnp.dot(h_ref[...], w, preferred_element_type=jnp.float32)

    @pl.when(r == NR)
    def _():
        out_ref[...] = jnp.dot(h_ref[...], sl_ref[...],
                               preferred_element_type=jnp.float32)


def _project(h, wb, wc, sl):
    return pl.pallas_call(
        _project_body,
        grid=(NR + 1, NBLK),
        in_specs=[
            pl.BlockSpec((BLK, INP), lambda r, n: (n, 0)),
            pl.BlockSpec((NB, INP, EMB), lambda r, n: (0, 0, 0)),
            pl.BlockSpec(memory_space=pltpu.SMEM),
            pl.BlockSpec((INP, EMB), lambda r, n: (0, 0)),
        ],
        out_specs=pl.BlockSpec((BLK, EMB), lambda r, n: (r * NBLK + n, 0)),
        out_shape=jax.ShapeDtypeStruct(((NR + 1) * N, EMB), jnp.float32),
    )(h, wb, wc, sl)



_MESH = plsc.VectorSubcoreMesh(core_axis_name="c", subcore_axis_name="s")
_NZ = ROWS_PER_TILE // CHUNK


def _zero_stripe(zrow, rows_v, agg_sh, base):
    pltpu.sync_copy(zrow, rows_v)
    for k in range(_NZ):
        pltpu.sync_copy(rows_v, agg_sh.at[pl.ds(base + k * CHUNK, CHUNK)])


def _write_stripe(agg_sh, rows_v, agg_out, c, base):
    for k in range(_NZ):
        row = base + k * CHUNK
        pltpu.sync_copy(agg_sh.at[pl.ds(row, CHUNK)], rows_v)
        pltpu.sync_copy(rows_v, agg_out.at[c, pl.ds(row, CHUNK)])


def _aggregate_body(table, gidx, dst, zrow, agg_out, agg_sh, gix_v, dix_v,
                    rows_v, sem, gix2_v, dix2_v, rows2_v, sem2):
    c = lax.axis_index("c")
    s = lax.axis_index("s")
    slab = s * NC + c
    base = s * ROWS_PER_TILE

    _zero_stripe(zrow, rows_v, agg_sh, base)
    plsc.subcore_barrier()

    def step(j, carry):
        a = 2 * j
        pltpu.sync_copy(gidx.at[slab, a], gix_v)
        pltpu.sync_copy(dst.at[slab, a], dix_v)
        ca = pltpu.async_copy(table.at[gix_v], rows_v, sem)
        pltpu.sync_copy(gidx.at[slab, a + 1], gix2_v)
        pltpu.sync_copy(dst.at[slab, a + 1], dix2_v)
        cb = pltpu.async_copy(table.at[gix2_v], rows2_v, sem2)
        ca.wait()
        pltpu.sync_copy(rows_v, agg_sh.at[dix_v], add=True)
        cb.wait()
        pltpu.sync_copy(rows2_v, agg_sh.at[dix2_v], add=True)
        return carry

    lax.fori_loop(0, NCHUNK // 2, step, 0)
    plsc.subcore_barrier()
    _write_stripe(agg_sh, rows_v, agg_out, c, base)


_aggregate = pl.kernel(
    _aggregate_body,
    out_type=jax.ShapeDtypeStruct((NC, NPAD, EMB), jnp.float32),
    mesh=_MESH,
    scratch_types=[
        pltpu.VMEM_SHARED((NPAD, EMB), jnp.float32),
        pltpu.VMEM((CHUNK,), jnp.int32),
        pltpu.VMEM((CHUNK,), jnp.int32),
        pltpu.VMEM((CHUNK, EMB), jnp.float32),
        pltpu.SemaphoreType.DMA,
        pltpu.VMEM((CHUNK,), jnp.int32),
        pltpu.VMEM((CHUNK,), jnp.int32),
        pltpu.VMEM((CHUNK, EMB), jnp.float32),
        pltpu.SemaphoreType.DMA,
    ])


def _degree_body(dst, zrow, ones_row, deg_out, deg_sh, dix_v, rows_v):
    c = lax.axis_index("c")
    s = lax.axis_index("s")
    slab = s * NC + c
    base = s * ROWS_PER_TILE

    _zero_stripe(zrow, rows_v, deg_sh, base)
    pltpu.sync_copy(ones_row, rows_v)
    plsc.subcore_barrier()

    def step(j, carry):
        pltpu.sync_copy(dst.at[slab, j], dix_v)
        pltpu.sync_copy(rows_v, deg_sh.at[dix_v], add=True)
        return carry

    lax.fori_loop(0, NCHUNK, step, 0)
    plsc.subcore_barrier()
    _write_stripe(deg_sh, rows_v, deg_out, c, base)


_degree = pl.kernel(
    _degree_body,
    out_type=jax.ShapeDtypeStruct((NC, NPAD, EMB), jnp.float32),
    mesh=_MESH,
    scratch_types=[
        pltpu.VMEM_SHARED((NPAD, EMB), jnp.float32),
        pltpu.VMEM((CHUNK,), jnp.int32),
        pltpu.VMEM((CHUNK, EMB), jnp.float32),
    ])



def _combine_body(a_ref, m_ref, hrc_ref, out_ref):
    s = a_ref[0] + a_ref[1] + hrc_ref[...]
    m = m_ref[0, :, 0:1] + m_ref[1, :, 0:1]
    out_ref[...] = jnp.where(m > 0.0, jnp.maximum(s, 0.0), 0.0)


def _combine(agg_parts, deg_parts, hrc):
    return pl.pallas_call(
        _combine_body,
        grid=(NBLK,),
        in_specs=[
            pl.BlockSpec((NC, BLK, EMB), lambda n: (0, n, 0)),
            pl.BlockSpec((NC, BLK, EMB), lambda n: (0, n, 0)),
            pl.BlockSpec((BLK, EMB), lambda n: (NR * NBLK + n, 0)),
        ],
        out_specs=pl.BlockSpec((BLK, EMB), lambda n: (n, 0)),
        out_shape=jax.ShapeDtypeStruct((N, EMB), jnp.float32),
    )(agg_parts, deg_parts, hrc)



def kernel(x, edge_index, edge_type, weight0, w_comp0, self_loop0,
           weight1, w_comp1, self_loop1):
    src = edge_index[0]
    dst = edge_index[1]

    pad = EPAD - E
    gidx = edge_type * N + src
    pad_g = (jnp.arange(pad, dtype=jnp.int32) * 64) % (NR * N)
    pad_d = N + (jnp.arange(pad, dtype=jnp.int32) % (NPAD - N))
    gidx_p = jnp.concatenate([gidx, pad_g]).reshape(NW, NCHUNK, CHUNK)
    dst_p = jnp.concatenate([dst, pad_d]).reshape(NW, NCHUNK, CHUNK)

    zrow = jnp.zeros((CHUNK, EMB), jnp.float32)
    ones_row = jnp.ones((CHUNK, EMB), jnp.float32)

    deg = _degree(dst_p, zrow, ones_row)

    hrc0 = _project(x, weight0, w_comp0, self_loop0)
    agg0 = _aggregate(hrc0, gidx_p, dst_p, zrow)
    h1 = _combine(agg0, deg, hrc0)

    hrc1 = _project(h1, weight1, w_comp1, self_loop1)
    agg1 = _aggregate(hrc1, gidx_p, dst_p, zrow)
    h2 = _combine(agg1, deg, hrc1)
    return h2

# --- scband reference (transcript-rebuilt; emitter-appended) ---
"""Pipeline reference for scband-grail-37950331028075 (READ-ONLY COPY).

The authoritative reference and input builder live on the scoring server;
editing this copy changes nothing except your own understanding.
"""

import jax, jax.numpy as jnp
import numpy as np

N = 10000
E = 160000
INP = 128
EMB = 128
NB = 4
NR = 20


def setup_inputs(seed: int = 0) -> dict:
    key = jax.random.key(seed)
    ks = jax.random.split(key, 10)
    x = jax.random.normal(ks[0], (N, INP), dtype=jnp.float32)
    edge_index = jax.random.randint(ks[1], (2, E), 0, N, dtype=jnp.int32)
    edge_type = jax.random.randint(ks[2], (E,), 0, NR, dtype=jnp.int32)
    # RGCNBasisLayer 0 (input layer): basis weights, basis coefficients, self-loop weight
    weight0 = jax.random.normal(ks[3], (NB, INP, EMB), dtype=jnp.float32) * 0.05
    w_comp0 = jax.random.normal(ks[4], (NR, NB), dtype=jnp.float32) * 0.3
    self_loop0 = jax.random.normal(ks[5], (INP, EMB), dtype=jnp.float32) * 0.05
    # RGCNBasisLayer 1 (hidden layer)
    weight1 = jax.random.normal(ks[6], (NB, EMB, EMB), dtype=jnp.float32) * 0.05
    w_comp1 = jax.random.normal(ks[7], (NR, NB), dtype=jnp.float32) * 0.3
    self_loop1 = jax.random.normal(ks[8], (EMB, EMB), dtype=jnp.float32) * 0.05
    return {
        "x": x,
        "edge_index": edge_index,
        "edge_type": edge_type,
        "weight0": weight0,
        "w_comp0": w_comp0,
        "self_loop0": self_loop0,
        "weight1": weight1,
        "w_comp1": w_comp1,
        "self_loop1": self_loop1,
    }


def _rgcn_basis_layer(h, src, dst, etype, wb, wc, sl):
    # Per-relation weight W_r = sum_b w_comp[r,b] * weight_bases[b].
    # msg_e = x[src_e] @ W_{type_e}
    #       = sum_b w_comp[type_e, b] * (x[src_e] @ weight_bases[b])
    # Compute per-node basis projections once, then gather per edge (memory-bound gather).
    hb = jnp.einsum('ni,bio->nbo', h, wb)            # [N, NB, out]
    hb_src = hb[src]                                  # [E, NB, out] gather
    coeff = wc[etype]                                 # [E, NB] gather
    msg = jnp.einsum('eb,ebo->eo', coeff, hb_src)     # edge messages; alpha=1, w=1 (no attn / no edge dropout)
    agg = jax.ops.segment_sum(msg, dst, num_segments=N)  # SumAggregator: sum of alpha*msg over incoming edges
    deg = jax.ops.segment_sum(jnp.ones((msg.shape[0],), jnp.float32), dst, num_segments=N)
    curr = h @ sl                                     # curr_emb = dst_feat @ self_loop_weight (delivered via mailbox)
    out = jnp.where((deg > 0)[:, None], agg + curr, jnp.zeros_like(curr))  # zero in-degree nodes get no mailbox -> 0
    return jax.nn.relu(out)                           # activation=F.relu; bias=None; dropout=0 (eval)


def reference(x, edge_index, edge_type, weight0, w_comp0, self_loop0, weight1, w_comp1, self_loop1):
    src = edge_index[0]
    dst = edge_index[1]
    h = _rgcn_basis_layer(x, src, dst, edge_type, weight0, w_comp0, self_loop0)
    h = _rgcn_basis_layer(h, src, dst, edge_type, weight1, w_comp1, self_loop1)
    return h

if __name__ == "__main__":
    import jax
    _d = setup_inputs()
    print(jax.jit(kernel)(*tuple(_d.values())))

</pallas_src>

<mosaic_0001>
#map = affine_map<(d0, d1) -> (0, 0)>
#map1 = affine_map<(d0, d1) -> (0, 0, 0)>
module attributes {stable_mosaic.version = 14 : i64} {
  func.func @_aggregate_body(%arg0: i32, %arg1: i32, %arg2: memref<210000x128xf32, #tpu.memory_space<hbm>>, %arg3: memref<32x40x128xi32, #tpu.memory_space<hbm>>, %arg4: memref<32x40x128xi32, #tpu.memory_space<hbm>>, %arg5: memref<128x128xf32, #tpu.memory_space<hbm>>, %arg6: memref<2x10240x128xf32, #tpu.memory_space<hbm>>, %arg7: memref<10240x128xf32, #tpu.memory_space<vmem_shared>>, %arg8: memref<128xi32, #tpu.memory_space<vmem>>, %arg9: memref<128xi32, #tpu.memory_space<vmem>>, %arg10: memref<128x128xf32, #tpu.memory_space<vmem>>, %arg11: memref<!tpu.dma_semaphore, #tpu.memory_space<semaphore_mem>>, %arg12: memref<128xi32, #tpu.memory_space<vmem>>, %arg13: memref<128xi32, #tpu.memory_space<vmem>>, %arg14: memref<128x128xf32, #tpu.memory_space<vmem>>, %arg15: memref<!tpu.dma_semaphore, #tpu.memory_space<semaphore_mem>>) attributes {dimension_semantics = [#tpu.dimension_semantics<core_parallel>, #tpu.dimension_semantics<subcore_parallel>], iteration_bounds = array<i64: 2, 16>, scalar_prefetch = 0 : i64, scratch_operands = 9 : i64, tpu.core_type = #tpu.core_type<sc_vector_subcore>, window_params = [{transform_indices = #map}, {transform_indices = #map1}, {transform_indices = #map1}, {transform_indices = #map}, {transform_indices = #map1}]} {
    %mul3A = arith.constant 2 : i32
    %mul3A_0 = arith.muli %arg1, %mul3A : i32
    %add3A = arith.addi %mul3A_0, %arg0 : i32
    %mul3A_1 = arith.constant 640 : i32
    %mul3A_2 = arith.muli %arg1, %mul3A_1 : i32
    "tpu.region"() ({
      %run_scoped3A = tpu.sem_alloc : memref<!tpu.dma_semaphore, #tpu.memory_space<semaphore_mem>>
      tpu.enqueue_dma source(%arg5 : memref<128x128xf32, #tpu.memory_space<hbm>>) target(%arg10 : memref<128x128xf32, #tpu.memory_space<vmem>>) target_semaphore(%run_scoped3A : memref<!tpu.dma_semaphore, #tpu.memory_space<semaphore_mem>>)
      tpu.wait_dma2 semaphore(%run_scoped3A : memref<!tpu.dma_semaphore, #tpu.memory_space<semaphore_mem>>) src(%arg5 : memref<128x128xf32, #tpu.memory_space<hbm>>) dst(%arg10 : memref<128x128xf32, #tpu.memory_space<vmem>>)
      tpu.yield
    }) : () -> ()
    %add3A_3 = arith.constant 0 : i32
    %add3A_4 = arith.addi %mul3A_2, %add3A_3 : i32
    "tpu.region"() ({
      %run_scoped3A = tpu.sem_alloc : memref<!tpu.dma_semaphore, #tpu.memory_space<semaphore_mem>>
      %dma_start3A = arith.constant 0 : i32
      %dma_start3A_29 = tpu.memref_slice %arg7[%add3A_4, %dma_start3A] : memref<10240x128xf32, #tpu.memory_space<vmem_shared>> -> memref<128x128xf32, #tpu.memory_space<vmem_shared>>
      %dma_start3A_30 = arith.constant 0 : i32
      %dma_start3A_31 = tpu.memref_slice %arg7[%add3A_4, %dma_start3A_30] : memref<10240x128xf32, #tpu.memory_space<vmem_shared>> -> memref<128x128xf32, #tpu.memory_space<vmem_shared>>
      tpu.enqueue_dma source(%arg10 : memref<128x128xf32, #tpu.memory_space<vmem>>) target(%dma_start3A_31 : memref<128x128xf32, #tpu.memory_space<vmem_shared>>) target_semaphore(%run_scoped3A : memref<!tpu.dma_semaphore, #tpu.memory_space<semaphore_mem>>)
      %dma_wait3A = arith.constant 0 : i32
      %dma_wait3A_32 = tpu.memref_slice %arg7[%add3A_4, %dma_wait3A] : memref<10240x128xf32, #tpu.memory_space<vmem_shared>> -> memref<128x128xf32, #tpu.memory_space<vmem_shared>>
      %dma_wait3A_33 = arith.constant 0 : i32
      %dma_wait3A_34 = tpu.memref_slice %arg7[%add3A_4, %dma_wait3A_33] : memref<10240x128xf32, #tpu.memory_space<vmem_shared>> -> memref<128x128xf32, #tpu.memory_space<vmem_shared>>
      tpu.wait_dma2 semaphore(%run_scoped3A : memref<!tpu.dma_semaphore, #tpu.memory_space<semaphore_mem>>) src(%arg10 : memref<128x128xf32, #tpu.memory_space<vmem>>) dst(%dma_wait3A_34 : memref<128x128xf32, #tpu.memory_space<vmem_shared>>)
      tpu.yield
    }) : () -> ()
    %add3A_5 = arith.constant 128 : i32
    %add3A_6 = arith.addi %mul3A_2, %add3A_5 : i32
    "tpu.region"() ({
      %run_scoped3A = tpu.sem_alloc : memref<!tpu.dma_semaphore, #tpu.memory_space<semaphore_mem>>
      %dma_start3A = arith.constant 0 : i32
      %dma_start3A_29 = tpu.memref_slice %arg7[%add3A_6, %dma_start3A] : memref<10240x128xf32, #tpu.memory_space<vmem_shared>> -> memref<128x128xf32, #tpu.memory_space<vmem_shared>>
      %dma_start3A_30 = arith.constant 0 : i32
      %dma_start3A_31 = tpu.memref_slice %arg7[%add3A_6, %dma_start3A_30] : memref<10240x128xf32, #tpu.memory_space<vmem_shared>> -> memref<128x128xf32, #tpu.memory_space<vmem_shared>>
      tpu.enqueue_dma source(%arg10 : memref<128x128xf32, #tpu.memory_space<vmem>>) target(%dma_start3A_31 : memref<128x128xf32, #tpu.memory_space<vmem_shared>>) target_semaphore(%run_scoped3A : memref<!tpu.dma_semaphore, #tpu.memory_space<semaphore_mem>>)
      %dma_wait3A = arith.constant 0 : i32
      %dma_wait3A_32 = tpu.memref_slice %arg7[%add3A_6, %dma_wait3A] : memref<10240x128xf32, #tpu.memory_space<vmem_shared>> -> memref<128x128xf32, #tpu.memory_space<vmem_shared>>
      %dma_wait3A_33 = arith.constant 0 : i32
      %dma_wait3A_34 = tpu.memref_slice %arg7[%add3A_6, %dma_wait3A_33] : memref<10240x128xf32, #tpu.memory_space<vmem_shared>> -> memref<128x128xf32, #tpu.memory_space<vmem_shared>>
      tpu.wait_dma2 semaphore(%run_scoped3A : memref<!tpu.dma_semaphore, #tpu.memory_space<semaphore_mem>>) src(%arg10 : memref<128x128xf32, #tpu.memory_space<vmem>>) dst(%dma_wait3A_34 : memref<128x128xf32, #tpu.memory_space<vmem_shared>>)
      tpu.yield
    }) : () -> ()
    %add3A_7 = arith.constant 256 : i32
    %add3A_8 = arith.addi %mul3A_2, %add3A_7 : i32
    "tpu.region"() ({
      %run_scoped3A = tpu.sem_alloc : memref<!tpu.dma_semaphore, #tpu.memory_space<semaphore_mem>>
      %dma_start3A = arith.constant 0 : i32
      %dma_start3A_29 = tpu.memref_slice %arg7[%add3A_8, %dma_start3A] : memref<10240x128xf32, #tpu.memory_space<vmem_shared>> -> memref<128x128xf32, #tpu.memory_space<vmem_shared>>
      %dma_start3A_30 = arith.constant 0 : i32
      %dma_start3A_31 = tpu.memref_slice %arg7[%add3A_8, %dma_start3A_30] : memref<10240x128xf32, #tpu.memory_space<vmem_shared>> -> memref<128x128xf32, #tpu.memory_space<vmem_shared>>
      tpu.enqueue_dma source(%arg10 : memref<128x128xf32, #tpu.memory_space<vmem>>) target(%dma_start3A_31 : memref<128x128xf32, #tpu.memory_space<vmem_shared>>) target_semaphore(%run_scoped3A : memref<!tpu.dma_semaphore, #tpu.memory_space<semaphore_mem>>)
      %dma_wait3A = arith.constant 0 : i32
      %dma_wait3A_32 = tpu.memref_slice %arg7[%add3A_8, %dma_wait3A] : memref<10240x128xf32, #tpu.memory_space<vmem_shared>> -> memref<128x128xf32, #tpu.memory_space<vmem_shared>>
      %dma_wait3A_33 = arith.constant 0 : i32
      %dma_wait3A_34 = tpu.memref_slice %arg7[%add3A_8, %dma_wait3A_33] : memref<10240x128xf32, #tpu.memory_space<vmem_shared>> -> memref<128x128xf32, #tpu.memory_space<vmem_shared>>
      tpu.wait_dma2 semaphore(%run_scoped3A : memref<!tpu.dma_semaphore, #tpu.memory_space<semaphore_mem>>) src(%arg10 : memref<128x128xf32, #tpu.memory_space<vmem>>) dst(%dma_wait3A_34 : memref<128x128xf32, #tpu.memory_space<vmem_shared>>)
      tpu.yield
    }) : () -> ()
    %add3A_9 = arith.constant 384 : i32
    %add3A_10 = arith.addi %mul3A_2, %add3A_9 : i32
    "tpu.region"() ({
      %run_scoped3A = tpu.sem_alloc : memref<!tpu.dma_semaphore, #tpu.memory_space<semaphore_mem>>
      %dma_start3A = arith.constant 0 : i32
      %dma_start3A_29 = tpu.memref_slice %arg7[%add3A_10, %dma_start3A] : memref<10240x128xf32, #tpu.memory_space<vmem_shared>> -> memref<128x128xf32, #tpu.memory_space<vmem_shared>>
      %dma_start3A_30 = arith.constant 0 : i32
      %dma_start3A_31 = tpu.memref_slice %arg7[%add3A_10, %dma_start3A_30] : memref<10240x128xf32, #tpu.memory_space<vmem_shared>> -> memref<128x128xf32, #tpu.memory_space<vmem_shared>>
      tpu.enqueue_dma source(%arg10 : memref<128x128xf32, #tpu.memory_space<vmem>>) target(%dma_start3A_31 : memref<128x128xf32, #tpu.memory_space<vmem_shared>>) target_semaphore(%run_scoped3A : memref<!tpu.dma_semaphore, #tpu.memory_space<semaphore_mem>>)
      %dma_wait3A = arith.constant 0 : i32
      %dma_wait3A_32 = tpu.memref_slice %arg7[%add3A_10, %dma_wait3A] : memref<10240x128xf32, #tpu.memory_space<vmem_shared>> -> memref<128x128xf32, #tpu.memory_space<vmem_shared>>
      %dma_wait3A_33 = arith.constant 0 : i32
      %dma_wait3A_34 = tpu.memref_slice %arg7[%add3A_10, %dma_wait3A_33] : memref<10240x128xf32, #tpu.memory_space<vmem_shared>> -> memref<128x128xf32, #tpu.memory_space<vmem_shared>>
      tpu.wait_dma2 semaphore(%run_scoped3A : memref<!tpu.dma_semaphore, #tpu.memory_space<semaphore_mem>>) src(%arg10 : memref<128x128xf32, #tpu.memory_space<vmem>>) dst(%dma_wait3A_34 : memref<128x128xf32, #tpu.memory_space<vmem_shared>>)
      tpu.yield
    }) : () -> ()
    %add3A_11 = arith.constant 512 : i32
    %add3A_12 = arith.addi %mul3A_2, %add3A_11 : i32
    "tpu.region"() ({
      %run_scoped3A = tpu.sem_alloc : memref<!tpu.dma_semaphore, #tpu.memory_space<semaphore_mem>>
      %dma_start3A = arith.constant 0 : i32
      %dma_start3A_29 = tpu.memref_slice %arg7[%add3A_12, %dma_start3A] : memref<10240x128xf32, #tpu.memory_space<vmem_shared>> -> memref<128x128xf32, #tpu.memory_space<vmem_shared>>
      %dma_start3A_30 = arith.constant 0 : i32
      %dma_start3A_31 = tpu.memref_slice %arg7[%add3A_12, %dma_start3A_30] : memref<10240x128xf32, #tpu.memory_space<vmem_shared>> -> memref<128x128xf32, #tpu.memory_space<vmem_shared>>
      tpu.enqueue_dma source(%arg10 : memref<128x128xf32, #tpu.memory_space<vmem>>) target(%dma_start3A_31 : memref<128x128xf32, #tpu.memory_space<vmem_shared>>) target_semaphore(%run_scoped3A : memref<!tpu.dma_semaphore, #tpu.memory_space<semaphore_mem>>)
      %dma_wait3A = arith.constant 0 : i32
      %dma_wait3A_32 = tpu.memref_slice %arg7[%add3A_12, %dma_wait3A] : memref<10240x128xf32, #tpu.memory_space<vmem_shared>> -> memref<128x128xf32, #tpu.memory_space<vmem_shared>>
      %dma_wait3A_33 = arith.constant 0 : i32
      %dma_wait3A_34 = tpu.memref_slice %arg7[%add3A_12, %dma_wait3A_33] : memref<10240x128xf32, #tpu.memory_space<vmem_shared>> -> memref<128x128xf32, #tpu.memory_space<vmem_shared>>
      tpu.wait_dma2 semaphore(%run_scoped3A : memref<!tpu.dma_semaphore, #tpu.memory_space<semaphore_mem>>) src(%arg10 : memref<128x128xf32, #tpu.memory_space<vmem>>) dst(%dma_wait3A_34 : memref<128x128xf32, #tpu.memory_space<vmem_shared>>)
      tpu.yield
    }) : () -> ()
    %barrier3A = arith.constant 0 : index
    tpu.barrier barrier_id(%barrier3A)
    %scan3A = arith.constant 0 : i32
    %scan3A_13 = arith.constant 0 : i32
    %scan3A_14 = arith.constant 20 : i32
    %scan3A_15 = arith.addi %scan3A_13, %scan3A_14 : i32
    %scan3A_16 = arith.constant 1 : i32
    scf.for %scan3A_29 = %scan3A_13 to %scan3A_15 step %scan3A_16  : i32 {
      %mul3A_30 = arith.constant 2 : i32
      %mul3A_31 = arith.muli %mul3A_30, %scan3A_29 : i32
      "tpu.region"() ({
        %run_scoped3A = tpu.sem_alloc : memref<!tpu.dma_semaphore, #tpu.memory_space<semaphore_mem>>
        %dma_start3A_46 = arith.constant 0 : i32
        %dma_start3A_47 = tpu.memref_slice %arg3[%add3A, %mul3A_31, %dma_start3A_46] : memref<32x40x128xi32, #tpu.memory_space<hbm>> -> memref<1x1x128xi32, #tpu.memory_space<hbm>>
        %dma_start3A_48 = tpu.memref_squeeze %dma_start3A_47 : memref<1x1x128xi32, #tpu.memory_space<hbm>> -> memref<128xi32, #tpu.memory_space<hbm>>
        %dma_start3A_49 = arith.constant 0 : i32
        %dma_start3A_50 = tpu.memref_slice %arg3[%add3A, %mul3A_31, %dma_start3A_49] : memref<32x40x128xi32, #tpu.memory_space<hbm>> -> memref<1x1x128xi32, #tpu.memory_space<hbm>>
        %dma_start3A_51 = tpu.memref_squeeze %dma_start3A_50 : memref<1x1x128xi32, #tpu.memory_space<hbm>> -> memref<128xi32, #tpu.memory_space<hbm>>
        tpu.enqueue_dma source(%dma_start3A_51 : memref<128xi32, #tpu.memory_space<hbm>>) target(%arg8 : memref<128xi32, #tpu.memory_space<vmem>>) target_semaphore(%run_scoped3A : memref<!tpu.dma_semaphore, #tpu.memory_space<semaphore_mem>>)
        %dma_wait3A_52 = arith.constant 0 : i32
        %dma_wait3A_53 = tpu.memref_slice %arg3[%add3A, %mul3A_31, %dma_wait3A_52] : memref<32x40x128xi32, #tpu.memory_space<hbm>> -> memref<1x1x128xi32, #tpu.memory_space<hbm>>
        %dma_wait3A_54 = tpu.memref_squeeze %dma_wait3A_53 : memref<1x1x128xi32, #tpu.memory_space<hbm>> -> memref<128xi32, #tpu.memory_space<hbm>>
        %dma_wait3A_55 = arith.constant 0 : i32
        %dma_wait3A_56 = tpu.memref_slice %arg3[%add3A, %mul3A_31, %dma_wait3A_55] : memref<32x40x128xi32, #tpu.memory_space<hbm>> -> memref<1x1x128xi32, #tpu.memory_space<hbm>>
        %dma_wait3A_57 = tpu.memref_squeeze %dma_wait3A_56 : memref<1x1x128xi32, #tpu.memory_space<hbm>> -> memref<128xi32, #tpu.memory_space<hbm>>
        tpu.wait_dma2 semaphore(%run_scoped3A : memref<!tpu.dma_semaphore, #tpu.memory_space<semaphore_mem>>) src(%dma_wait3A_57 : memref<128xi32, #tpu.memory_space<hbm>>) dst(%arg8 : memref<128xi32, #tpu.memory_space<vmem>>)
        tpu.yield
      }) : () -> ()
      "tpu.region"() ({
        %run_scoped3A = tpu.sem_alloc : memref<!tpu.dma_semaphore, #tpu.memory_space<semaphore_mem>>
        %dma_start3A_46 = arith.constant 0 : i32
        %dma_start3A_47 = tpu.memref_slice %arg4[%add3A, %mul3A_31, %dma_start3A_46] : memref<32x40x128xi32, #tpu.memory_space<hbm>> -> memref<1x1x128xi32, #tpu.memory_space<hbm>>
        %dma_start3A_48 = tpu.memref_squeeze %dma_start3A_47 : memref<1x1x128xi32, #tpu.memory_space<hbm>> -> memref<128xi32, #tpu.memory_space<hbm>>
        %dma_start3A_49 = arith.constant 0 : i32
        %dma_start3A_50 = tpu.memref_slice %arg4[%add3A, %mul3A_31, %dma_start3A_49] : memref<32x40x128xi32, #tpu.memory_space<hbm>> -> memref<1x1x128xi32, #tpu.memory_space<hbm>>
        %dma_start3A_51 = tpu.memref_squeeze %dma_start3A_50 : memref<1x1x128xi32, #tpu.memory_space<hbm>> -> memref<128xi32, #tpu.memory_space<hbm>>
        tpu.enqueue_dma source(%dma_start3A_51 : memref<128xi32, #tpu.memory_space<hbm>>) target(%arg9 : memref<128xi32, #tpu.memory_space<vmem>>) target_semaphore(%run_scoped3A : memref<!tpu.dma_semaphore, #tpu.memory_space<semaphore_mem>>)
        %dma_wait3A_52 = arith.constant 0 : i32
        %dma_wait3A_53 = tpu.memref_slice %arg4[%add3A, %mul3A_31, %dma_wait3A_52] : memref<32x40x128xi32, #tpu.memory_space<hbm>> -> memref<1x1x128xi32, #tpu.memory_space<hbm>>
        %dma_wait3A_54 = tpu.memref_squeeze %dma_wait3A_53 : memref<1x1x128xi32, #tpu.memory_space<hbm>> -> memref<128xi32, #tpu.memory_space<hbm>>
        %dma_wait3A_55 = arith.constant 0 : i32
        %dma_wait3A_56 = tpu.memref_slice %arg4[%add3A, %mul3A_31, %dma_wait3A_55] : memref<32x40x128xi32, #tpu.memory_space<hbm>> -> memref<1x1x128xi32, #tpu.memory_space<hbm>>
        %dma_wait3A_57 = tpu.memref_squeeze %dma_wait3A_56 : memref<1x1x128xi32, #tpu.memory_space<hbm>> -> memref<128xi32, #tpu.memory_space<hbm>>
        tpu.wait_dma2 semaphore(%run_scoped3A : memref<!tpu.dma_semaphore, #tpu.memory_space<semaphore_mem>>) src(%dma_wait3A_57 : memref<128xi32, #tpu.memory_space<hbm>>) dst(%arg9 : memref<128xi32, #tpu.memory_space<vmem>>)
        tpu.yield
      }) : () -> ()
      %dma_start3A = arith.constant 0 : i32
      %dma_start3A_32 = arith.constant 0 : i32
      %dma_start3A_33 = tpu.memref_slice %arg2[%dma_start3A, %dma_start3A_32] : memref<210000x128xf32, #tpu.memory_space<hbm>> -> memref<210000x128xf32, #tpu.memory_space<hbm>>
      tpu.enqueue_indirect_dma source(%dma_start3A_33 : memref<210000x128xf32, #tpu.memory_space<hbm>>) target(%arg10 : memref<128x128xf32, #tpu.memory_space<vmem>>) offsets(%arg8 : memref<128xi32, #tpu.memory_space<vmem>>) semaphore(%arg11 : memref<!tpu.dma_semaphore, #tpu.memory_space<semaphore_mem>>)
      %add3A_34 = arith.constant 1 : i32
      %add3A_35 = arith.addi %mul3A_31, %add3A_34 : i32
      "tpu.region"() ({
        %run_scoped3A = tpu.sem_alloc : memref<!tpu.dma_semaphore, #tpu.memory_space<semaphore_mem>>
        %dma_start3A_46 = arith.constant 0 : i32
        %dma_start3A_47 = tpu.memref_slice %arg3[%add3A, %add3A_35, %dma_start3A_46] : memref<32x40x128xi32, #tpu.memory_space<hbm>> -> memref<1x1x128xi32, #tpu.memory_space<hbm>>
        %dma_start3A_48 = tpu.memref_squeeze %dma_start3A_47 : memref<1x1x128xi32, #tpu.memory_space<hbm>> -> memref<128xi32, #tpu.memory_space<hbm>>
        %dma_start3A_49 = arith.constant 0 : i32
        %dma_start3A_50 = tpu.memref_slice %arg3[%add3A, %add3A_35, %dma_start3A_49] : memref<32x40x128xi32, #tpu.memory_space<hbm>> -> memref<1x1x128xi32, #tpu.memory_space<hbm>>
        %dma_start3A_51 = tpu.memref_squeeze %dma_start3A_50 : memref<1x1x128xi32, #tpu.memory_space<hbm>> -> memref<128xi32, #tpu.memory_space<hbm>>
        tpu.enqueue_dma source(%dma_start3A_51 : memref<128xi32, #tpu.memory_space<hbm>>) target(%arg12 : memref<128xi32, #tpu.memory_space<vmem>>) target_semaphore(%run_scoped3A : memref<!tpu.dma_semaphore, #tpu.memory_space<semaphore_mem>>)
        %dma_wait3A_52 = arith.constant 0 : i32
        %dma_wait3A_53 = tpu.memref_slice %arg3[%add3A, %add3A_35, %dma_wait3A_52] : memref<32x40x128xi32, #tpu.memory_space<hbm>> -> memref<1x1x128xi32, #tpu.memory_space<hbm>>
        %dma_wait3A_54 = tpu.memref_squeeze %dma_wait3A_53 : memref<1x1x128xi32, #tpu.memory_space<hbm>> -> memref<128xi32, #tpu.memory_space<hbm>>
        %dma_wait3A_55 = arith.constant 0 : i32
        %dma_wait3A_56 = tpu.memref_slice %arg3[%add3A, %add3A_35, %dma_wait3A_55] : memref<32x40x128xi32, #tpu.memory_space<hbm>> -> memref<1x1x128xi32, #tpu.memory_space<hbm>>
        %dma_wait3A_57 = tpu.memref_squeeze %dma_wait3A_56 : memref<1x1x128xi32, #tpu.memory_space<hbm>> -> memref<128xi32, #tpu.memory_space<hbm>>
        tpu.wait_dma2 semaphore(%run_scoped3A : memref<!tpu.dma_semaphore, #tpu.memory_space<semaphore_mem>>) src(%dma_wait3A_57 : memref<128xi32, #tpu.memory_space<hbm>>) dst(%arg12 : memref<128xi32, #tpu.memory_space<vmem>>)
        tpu.yield
      }) : () -> ()
      %add3A_36 = arith.constant 1 : i32
      %add3A_37 = arith.addi %mul3A_31, %add3A_36 : i32
      "tpu.region"() ({
        %run_scoped3A = tpu.sem_alloc : memref<!tpu.dma_semaphore, #tpu.memory_space<semaphore_mem>>
        %dma_start3A_46 = arith.constant 0 : i32
        %dma_start3A_47 = tpu.memref_slice %arg4[%add3A, %add3A_37, %dma_start3A_46] : memref<32x40x128xi32, #tpu.memory_space<hbm>> -> memref<1x1x128xi32, #tpu.memory_space<hbm>>
        %dma_start3A_48 = tpu.memref_squeeze %dma_start3A_47 : memref<1x1x128xi32, #tpu.memory_space<hbm>> -> memref<128xi32, #tpu.memory_space<hbm>>
        %dma_start3A_49 = arith.constant 0 : i32
        %dma_start3A_50 = tpu.memref_slice %arg4[%add3A, %add3A_37, %dma_start3A_49] : memref<32x40x128xi32, #tpu.memory_space<hbm>> -> memref<1x1x128xi32, #tpu.memory_space<hbm>>
        %dma_start3A_51 = tpu.memref_squeeze %dma_start3A_50 : memref<1x1x128xi32, #tpu.memory_space<hbm>> -> memref<128xi32, #tpu.memory_space<hbm>>
        tpu.enqueue_dma source(%dma_start3A_51 : memref<128xi32, #tpu.memory_space<hbm>>) target(%arg13 : memref<128xi32, #tpu.memory_space<vmem>>) target_semaphore(%run_scoped3A : memref<!tpu.dma_semaphore, #tpu.memory_space<semaphore_mem>>)
        %dma_wait3A_52 = arith.constant 0 : i32
        %dma_wait3A_53 = tpu.memref_slice %arg4[%add3A, %add3A_37, %dma_wait3A_52] : memref<32x40x128xi32, #tpu.memory_space<hbm>> -> memref<1x1x128xi32, #tpu.memory_space<hbm>>
        %dma_wait3A_54 = tpu.memref_squeeze %dma_wait3A_53 : memref<1x1x128xi32, #tpu.memory_space<hbm>> -> memref<128xi32, #tpu.memory_space<hbm>>
        %dma_wait3A_55 = arith.constant 0 : i32
        %dma_wait3A_56 = tpu.memref_slice %arg4[%add3A, %add3A_37, %dma_wait3A_55] : memref<32x40x128xi32, #tpu.memory_space<hbm>> -> memref<1x1x128xi32, #tpu.memory_space<hbm>>
        %dma_wait3A_57 = tpu.memref_squeeze %dma_wait3A_56 : memref<1x1x128xi32, #tpu.memory_space<hbm>> -> memref<128xi32, #tpu.memory_space<hbm>>
        tpu.wait_dma2 semaphore(%run_scoped3A : memref<!tpu.dma_semaphore, #tpu.memory_space<semaphore_mem>>) src(%dma_wait3A_57 : memref<128xi32, #tpu.memory_space<hbm>>) dst(%arg13 : memref<128xi32, #tpu.memory_space<vmem>>)
        tpu.yield
      }) : () -> ()
      %dma_start3A_38 = arith.constant 0 : i32
      %dma_start3A_39 = arith.constant 0 : i32
      %dma_start3A_40 = tpu.memref_slice %arg2[%dma_start3A_38, %dma_start3A_39] : memref<210000x128xf32, #tpu.memory_space<hbm>> -> memref<210000x128xf32, #tpu.memory_space<hbm>>
      tpu.enqueue_indirect_dma source(%dma_start3A_40 : memref<210000x128xf32, #tpu.memory_space<hbm>>) target(%arg14 : memref<128x128xf32, #tpu.memory_space<vmem>>) offsets(%arg12 : memref<128xi32, #tpu.memory_space<vmem>>) semaphore(%arg15 : memref<!tpu.dma_semaphore, #tpu.memory_space<semaphore_mem>>)
      %dma_wait3A = arith.constant 0 : i32
      %dma_wait3A_41 = arith.constant 0 : i32
      %dma_wait3A_42 = tpu.memref_slice %arg2[%dma_wait3A, %dma_wait3A_41] : memref<210000x128xf32, #tpu.memory_space<hbm>> -> memref<210000x128xf32, #tpu.memory_space<hbm>>
      tpu.wait_indirect_dma semaphore(%arg11 : memref<!tpu.dma_semaphore, #tpu.memory_space<semaphore_mem>>) src(%dma_wait3A_42 : memref<210000x128xf32, #tpu.memory_space<hbm>>) dst(%arg10 : memref<128x128xf32, #tpu.memory_space<vmem>>)
      "tpu.region"() ({
        %run_scoped3A = tpu.sem_alloc : memref<!tpu.dma_semaphore, #tpu.memory_space<semaphore_mem>>
        %dma_start3A_46 = arith.constant 0 : i32
        %dma_start3A_47 = arith.constant 0 : i32
        %dma_start3A_48 = tpu.memref_slice %arg7[%dma_start3A_46, %dma_start3A_47] : memref<10240x128xf32, #tpu.memory_space<vmem_shared>> -> memref<10240x128xf32, #tpu.memory_space<vmem_shared>>
        tpu.enqueue_indirect_dma source(%arg10 : memref<128x128xf32, #tpu.memory_space<vmem>>) target(%dma_start3A_48 : memref<10240x128xf32, #tpu.memory_space<vmem_shared>>) offsets(%arg9 : memref<128xi32, #tpu.memory_space<vmem>>) semaphore(%run_scoped3A : memref<!tpu.dma_semaphore, #tpu.memory_space<semaphore_mem>>) {add = true}
        %dma_wait3A_49 = arith.constant 0 : i32
        %dma_wait3A_50 = arith.constant 0 : i32
        %dma_wait3A_51 = tpu.memref_slice %arg7[%dma_wait3A_49, %dma_wait3A_50] : memref<10240x128xf32, #tpu.memory_space<vmem_shared>> -> memref<10240x128xf32, #tpu.memory_space<vmem_shared>>
        tpu.wait_indirect_dma semaphore(%run_scoped3A : memref<!tpu.dma_semaphore, #tpu.memory_space<semaphore_mem>>) src(%arg10 : memref<128x128xf32, #tpu.memory_space<vmem>>) dst(%dma_wait3A_51 : memref<10240x128xf32, #tpu.memory_space<vmem_shared>>)
        tpu.yield
      }) : () -> ()
      %dma_wait3A_43 = arith.constant 0 : i32
      %dma_wait3A_44 = arith.constant 0 : i32
      %dma_wait3A_45 = tpu.memref_slice %arg2[%dma_wait3A_43, %dma_wait3A_44] : memref<210000x128xf32, #tpu.memory_space<hbm>> -> memref<210000x128xf32, #tpu.memory_space<hbm>>
      tpu.wait_indirect_dma semaphore(%arg15 : memref<!tpu.dma_semaphore, #tpu.memory_space<semaphore_mem>>) src(%dma_wait3A_45 : memref<210000x128xf32, #tpu.memory_space<hbm>>) dst(%arg14 : memref<128x128xf32, #tpu.memory_space<vmem>>)
      "tpu.region"() ({
        %run_scoped3A = tpu.sem_alloc : memref<!tpu.dma_semaphore, #tpu.memory_space<semaphore_mem>>
        %dma_start3A_46 = arith.constant 0 : i32
        %dma_start3A_47 = arith.constant 0 : i32
        %dma_start3A_48 = tpu.memref_slice %arg7[%dma_start3A_46, %dma_start3A_47] : memref<10240x128xf32, #tpu.memory_space<vmem_shared>> -> memref<10240x128xf32, #tpu.memory_space<vmem_shared>>
        tpu.enqueue_indirect_dma source(%arg14 : memref<128x128xf32, #tpu.memory_space<vmem>>) target(%dma_start3A_48 : memref<10240x128xf32, #tpu.memory_space<vmem_shared>>) offsets(%arg13 : memref<128xi32, #tpu.memory_space<vmem>>) semaphore(%run_scoped3A : memref<!tpu.dma_semaphore, #tpu.memory_space<semaphore_mem>>) {add = true}
        %dma_wait3A_49 = arith.constant 0 : i32
        %dma_wait3A_50 = arith.constant 0 : i32
        %dma_wait3A_51 = tpu.memref_slice %arg7[%dma_wait3A_49, %dma_wait3A_50] : memref<10240x128xf32, #tpu.memory_space<vmem_shared>> -> memref<10240x128xf32, #tpu.memory_space<vmem_shared>>
        tpu.wait_indirect_dma semaphore(%run_scoped3A : memref<!tpu.dma_semaphore, #tpu.memory_space<semaphore_mem>>) src(%arg14 : memref<128x128xf32, #tpu.memory_space<vmem>>) dst(%dma_wait3A_51 : memref<10240x128xf32, #tpu.memory_space<vmem_shared>>)
        tpu.yield
      }) : () -> ()
    }
    %scan3A_17 = arith.constant 20 : i32
    %barrier3A_18 = arith.constant 0 : index
    tpu.barrier barrier_id(%barrier3A_18)
    %add3A_19 = arith.constant 0 : i32
    %add3A_20 = arith.addi %mul3A_2, %add3A_19 : i32
    "tpu.region"() ({
      %run_scoped3A = tpu.sem_alloc : memref<!tpu.dma_semaphore, #tpu.memory_space<semaphore_mem>>
      %dma_start3A = arith.constant 0 : i32
      %dma_start3A_29 = tpu.memref_slice %arg7[%add3A_20, %dma_start3A] : memref<10240x128xf32, #tpu.memory_space<vmem_shared>> -> memref<128x128xf32, #tpu.memory_space<vmem_shared>>
      %dma_start3A_30 = arith.constant 0 : i32
      %dma_start3A_31 = tpu.memref_slice %arg7[%add3A_20, %dma_start3A_30] : memref<10240x128xf32, #tpu.memory_space<vmem_shared>> -> memref<128x128xf32, #tpu.memory_space<vmem_shared>>
      tpu.enqueue_dma source(%dma_start3A_31 : memref<128x128xf32, #tpu.memory_space<vmem_shared>>) target(%arg10 : memref<128x128xf32, #tpu.memory_space<vmem>>) target_semaphore(%run_scoped3A : memref<!tpu.dma_semaphore, #tpu.memory_space<semaphore_mem>>)
      %dma_wait3A = arith.constant 0 : i32
      %dma_wait3A_32 = tpu.memref_slice %arg7[%add3A_20, %dma_wait3A] : memref<10240x128xf32, #tpu.memory_space<vmem_shared>> -> memref<128x128xf32, #tpu.memory_space<vmem_shared>>
      %dma_wait3A_33 = arith.constant 0 : i32
      %dma_wait3A_34 = tpu.memref_slice %arg7[%add3A_20, %dma_wait3A_33] : memref<10240x128xf32, #tpu.memory_space<vmem_shared>> -> memref<128x128xf32, #tpu.memory_space<vmem_shared>>
      tpu.wait_dma2 semaphore(%run_scoped3A : memref<!tpu.dma_semaphore, #tpu.memory_space<semaphore_mem>>) src(%dma_wait3A_34 : memref<128x128xf32, #tpu.memory_space<vmem_shared>>) dst(%arg10 : memref<128x128xf32, #tpu.memory_space<vmem>>)
      tpu.yield
    }) : () -> ()
    "tpu.region"() ({
      %run_scoped3A = tpu.sem_alloc : memref<!tpu.dma_semaphore, #tpu.memory_space<semaphore_mem>>
      %dma_start3A = arith.constant 0 : i32
      %dma_start3A_29 = tpu.memref_slice %arg6[%arg0, %add3A_20, %dma_start3A] : memref<2x10240x128xf32, #tpu.memory_space<hbm>> -> memref<1x128x128xf32, #tpu.memory_space<hbm>>
      %dma_start3A_30 = tpu.memref_squeeze %dma_start3A_29 : memref<1x128x128xf32, #tpu.memory_space<hbm>> -> memref<128x128xf32, #tpu.memory_space<hbm>>
      %dma_start3A_31 = arith.constant 0 : i32
      %dma_start3A_32 = tpu.memref_slice %arg6[%arg0, %add3A_20, %dma_start3A_31] : memref<2x10240x128xf32, #tpu.memory_space<hbm>> -> memref<1x128x128xf32, #tpu.memory_space<hbm>>
      %dma_start3A_33 = tpu.memref_squeeze %dma_start3A_32 : memref<1x128x128xf32, #tpu.memory_space<hbm>> -> memref<128x128xf32, #tpu.memory_space<hbm>>
      tpu.enqueue_dma source(%arg10 : memref<128x128xf32, #tpu.memory_space<vmem>>) target(%dma_start3A_33 : memref<128x128xf32, #tpu.memory_space<hbm>>) target_semaphore(%run_scoped3A : memref<!tpu.dma_semaphore, #tpu.memory_space<semaphore_mem>>)
      %dma_wait3A = arith.constant 0 : i32
      %dma_wait3A_34 = tpu.memref_slice %arg6[%arg0, %add3A_20, %dma_wait3A] : memref<2x10240x128xf32, #tpu.memory_space<hbm>> -> memref<1x128x128xf32, #tpu.memory_space<hbm>>
      %dma_wait3A_35 = tpu.memref_squeeze %dma_wait3A_34 : memref<1x128x128xf32, #tpu.memory_space<hbm>> -> memref<128x128xf32, #tpu.memory_space<hbm>>
      %dma_wait3A_36 = arith.constant 0 : i32
      %dma_wait3A_37 = tpu.memref_slice %arg6[%arg0, %add3A_20, %dma_wait3A_36] : memref<2x10240x128xf32, #tpu.memory_space<hbm>> -> memref<1x128x128xf32, #tpu.memory_space<hbm>>
      %dma_wait3A_38 = tpu.memref_squeeze %dma_wait3A_37 : memref<1x128x128xf32, #tpu.memory_space<hbm>> -> memref<128x128xf32, #tpu.memory_space<hbm>>
      tpu.wait_dma2 semaphore(%run_scoped3A : memref<!tpu.dma_semaphore, #tpu.memory_space<semaphore_mem>>) src(%arg10 : memref<128x128xf32, #tpu.memory_space<vmem>>) dst(%dma_wait3A_38 : memref<128x128xf32, #tpu.memory_space<hbm>>)
      tpu.yield
    }) : () -> ()
    %add3A_21 = arith.constant 128 : i32
    %add3A_22 = arith.addi %mul3A_2, %add3A_21 : i32
    "tpu.region"() ({
      %run_scoped3A = tpu.sem_alloc : memref<!tpu.dma_semaphore, #tpu.memory_space<semaphore_mem>>
      %dma_start3A = arith.constant 0 : i32
      %dma_start3A_29 = tpu.memref_slice %arg7[%add3A_22, %dma_start3A] : memref<10240x128xf32, #tpu.memory_space<vmem_shared>> -> memref<128x128xf32, #tpu.memory_space<vmem_shared>>
      %dma_start3A_30 = arith.constant 0 : i32
      %dma_start3A_31 = tpu.memref_slice %arg7[%add3A_22, %dma_start3A_30] : memref<10240x128xf32, #tpu.memory_space<vmem_shared>> -> memref<128x128xf32, #tpu.memory_space<vmem_shared>>
      tpu.enqueue_dma source(%dma_start3A_31 : memref<128x128xf32, #tpu.memory_space<vmem_shared>>) target(%arg10 : memref<128x128xf32, #tpu.memory_space<vmem>>) target_semaphore(%run_scoped3A : memref<!tpu.dma_semaphore, #tpu.memory_space<semaphore_mem>>)
      %dma_wait3A = arith.constant 0 : i32
      %dma_wait3A_32 = tpu.memref_slice %arg7[%add3A_22, %dma_wait3A] : memref<10240x128xf32, #tpu.memory_space<vmem_shared>> -> memref<128x128xf32, #tpu.memory_space<vmem_shared>>
      %dma_wait3A_33 = arith.constant 0 : i32
      %dma_wait3A_34 = tpu.memref_slice %arg7[%add3A_22, %dma_wait3A_33] : memref<10240x128xf32, #tpu.memory_space<vmem_shared>> -> memref<128x128xf32, #tpu.memory_space<vmem_shared>>
      tpu.wait_dma2 semaphore(%run_scoped3A : memref<!tpu.dma_semaphore, #tpu.memory_space<semaphore_mem>>) src(%dma_wait3A_34 : memref<128x128xf32, #tpu.memory_space<vmem_shared>>) dst(%arg10 : memref<128x128xf32, #tpu.memory_space<vmem>>)
      tpu.yield
    }) : () -> ()
    "tpu.region"() ({
      %run_scoped3A = tpu.sem_alloc : memref<!tpu.dma_semaphore, #tpu.memory_space<semaphore_mem>>
      %dma_start3A = arith.constant 0 : i32
      %dma_start3A_29 = tpu.memref_slice %arg6[%arg0, %add3A_22, %dma_start3A] : memref<2x10240x128xf32, #tpu.memory_space<hbm>> -> memref<1x128x128xf32, #tpu.memory_space<hbm>>
      %dma_start3A_30 = tpu.memref_squeeze %dma_start3A_29 : memref<1x128x128xf32, #tpu.memory_space<hbm>> -> memref<128x128xf32, #tpu.memory_space<hbm>>
      %dma_start3A_31 = arith.constant 0 : i32
      %dma_start3A_32 = tpu.memref_slice %arg6[%arg0, %add3A_22, %dma_start3A_31] : memref<2x10240x128xf32, #tpu.memory_space<hbm>> -> memref<1x128x128xf32, #tpu.memory_space<hbm>>
      %dma_start3A_33 = tpu.memref_squeeze %dma_start3A_32 : memref<1x128x128xf32, #tpu.memory_space<hbm>> -> memref<128x128xf32, #tpu.memory_space<hbm>>
      tpu.enqueue_dma source(%arg10 : memref<128x128xf32, #tpu.memory_space<vmem>>) target(%dma_start3A_33 : memref<128x128xf32, #tpu.memory_space<hbm>>) target_semaphore(%run_scoped3A : memref<!tpu.dma_semaphore, #tpu.memory_space<semaphore_mem>>)
      %dma_wait3A = arith.constant 0 : i32
      %dma_wait3A_34 = tpu.memref_slice %arg6[%arg0, %add3A_22, %dma_wait3A] : memref<2x10240x128xf32, #tpu.memory_space<hbm>> -> memref<1x128x128xf32, #tpu.memory_space<hbm>>
      %dma_wait3A_35 = tpu.memref_squeeze %dma_wait3A_34 : memref<1x128x128xf32, #tpu.memory_space<hbm>> -> memref<128x128xf32, #tpu.memory_space<hbm>>
      %dma_wait3A_36 = arith.constant 0 : i32
      %dma_wait3A_37 = tpu.memref_slice %arg6[%arg0, %add3A_22, %dma_wait3A_36] : memref<2x10240x128xf32, #tpu.memory_space<hbm>> -> memref<1x128x128xf32, #tpu.memory_space<hbm>>
      %dma_wait3A_38 = tpu.memref_squeeze %dma_wait3A_37 : memref<1x128x128xf32, #tpu.memory_space<hbm>> -> memref<128x128xf32, #tpu.memory_space<hbm>>
      tpu.wait_dma2 semaphore(%run_scoped3A : memref<!tpu.dma_semaphore, #tpu.memory_space<semaphore_mem>>) src(%arg10 : memref<128x128xf32, #tpu.memory_space<vmem>>) dst(%dma_wait3A_38 : memref<128x128xf32, #tpu.memory_space<hbm>>)
      tpu.yield
    }) : () -> ()
    %add3A_23 = arith.constant 256 : i32
    %add3A_24 = arith.addi %mul3A_2, %add3A_23 : i32
    "tpu.region"() ({
      %run_scoped3A = tpu.sem_alloc : memref<!tpu.dma_semaphore, #tpu.memory_space<semaphore_mem>>
      %dma_start3A = arith.constant 0 : i32
      %dma_start3A_29 = tpu.memref_slice %arg7[%add3A_24, %dma_start3A] : memref<10240x128xf32, #tpu.memory_space<vmem_shared>> -> memref<128x128xf32, #tpu.memory_space<vmem_shared>>
      %dma_start3A_30 = arith.constant 0 : i32
      %dma_start3A_31 = tpu.memref_slice %arg7[%add3A_24, %dma_start3A_30] : memref<10240x128xf32, #tpu.memory_space<vmem_shared>> -> memref<128x128xf32, #tpu.memory_space<vmem_shared>>
      tpu.enqueue_dma source(%dma_start3A_31 : memref<128x128xf32, #tpu.memory_space<vmem_shared>>) target(%arg10 : memref<128x128xf32, #tpu.memory_space<vmem>>) target_semaphore(%run_scoped3A : memref<!tpu.dma_semaphore, #tpu.memory_space<semaphore_mem>>)
      %dma_wait3A = arith.constant 0 : i32
      %dma_wait3A_32 = tpu.memref_slice %arg7[%add3A_24, %dma_wait3A] : memref<10240x128xf32, #tpu.memory_space<vmem_shared>> -> memref<128x128xf32, #tpu.memory_space<vmem_shared>>
      %dma_wait3A_33 = arith.constant 0 : i32
      %dma_wait3A_34 = tpu.memref_slice %arg7[%add3A_24, %dma_wait3A_33] : memref<10240x128xf32, #tpu.memory_space<vmem_shared>> -> memref<128x128xf32, #tpu.memory_space<vmem_shared>>
      tpu.wait_dma2 semaphore(%run_scoped3A : memref<!tpu.dma_semaphore, #tpu.memory_space<semaphore_mem>>) src(%dma_wait3A_34 : memref<128x128xf32, #tpu.memory_space<vmem_shared>>) dst(%arg10 : memref<128x128xf32, #tpu.memory_space<vmem>>)
      tpu.yield
    }) : () -> ()
    "tpu.region"() ({
      %run_scoped3A = tpu.sem_alloc : memref<!tpu.dma_semaphore, #tpu.memory_space<semaphore_mem>>
      %dma_start3A = arith.constant 0 : i32
      %dma_start3A_29 = tpu.memref_slice %arg6[%arg0, %add3A_24, %dma_start3A] : memref<2x10240x128xf32, #tpu.memory_space<hbm>> -> memref<1x128x128xf32, #tpu.memory_space<hbm>>
      %dma_start3A_30 = tpu.memref_squeeze %dma_start3A_29 : memref<1x128x128xf32, #tpu.memory_space<hbm>> -> memref<128x128xf32, #tpu.memory_space<hbm>>
      %dma_start3A_31 = arith.constant 0 : i32
      %dma_start3A_32 = tpu.memref_slice %arg6[%arg0, %add3A_24, %dma_start3A_31] : memref<2x10240x128xf32, #tpu.memory_space<hbm>> -> memref<1x128x128xf32, #tpu.memory_space<hbm>>
      %dma_start3A_33 = tpu.memref_squeeze %dma_start3A_32 : memref<1x128x128xf32, #tpu.memory_space<hbm>> -> memref<128x128xf32, #tpu.memory_space<hbm>>
      tpu.enqueue_dma source(%arg10 : memref<128x128xf32, #tpu.memory_space<vmem>>) target(%dma_start3A_33 : memref<128x128xf32, #tpu.memory_space<hbm>>) target_semaphore(%run_scoped3A : memref<!tpu.dma_semaphore, #tpu.memory_space<semaphore_mem>>)
      %dma_wait3A = arith.constant 0 : i32
      %dma_wait3A_34 = tpu.memref_slice %arg6[%arg0, %add3A_24, %dma_wait3A] : memref<2x10240x128xf32, #tpu.memory_space<hbm>> -> memref<1x128x128xf32, #tpu.memory_space<hbm>>
      %dma_wait3A_35 = tpu.memref_squeeze %dma_wait3A_34 : memref<1x128x128xf32, #tpu.memory_space<hbm>> -> memref<128x128xf32, #tpu.memory_space<hbm>>
      %dma_wait3A_36 = arith.constant 0 : i32
      %dma_wait3A_37 = tpu.memref_slice %arg6[%arg0, %add3A_24, %dma_wait3A_36] : memref<2x10240x128xf32, #tpu.memory_space<hbm>> -> memref<1x128x128xf32, #tpu.memory_space<hbm>>
      %dma_wait3A_38 = tpu.memref_squeeze %dma_wait3A_37 : memref<1x128x128xf32, #tpu.memory_space<hbm>> -> memref<128x128xf32, #tpu.memory_space<hbm>>
      tpu.wait_dma2 semaphore(%run_scoped3A : memref<!tpu.dma_semaphore, #tpu.memory_space<semaphore_mem>>) src(%arg10 : memref<128x128xf32, #tpu.memory_space<vmem>>) dst(%dma_wait3A_38 : memref<128x128xf32, #tpu.memory_space<hbm>>)
      tpu.yield
    }) : () -> ()
    %add3A_25 = arith.constant 384 : i32
    %add3A_26 = arith.addi %mul3A_2, %add3A_25 : i32
    "tpu.region"() ({
      %run_scoped3A = tpu.sem_alloc : memref<!tpu.dma_semaphore, #tpu.memory_space<semaphore_mem>>
      %dma_start3A = arith.constant 0 : i32
      %dma_start3A_29 = tpu.memref_slice %arg7[%add3A_26, %dma_start3A] : memref<10240x128xf32, #tpu.memory_space<vmem_shared>> -> memref<128x128xf32, #tpu.memory_space<vmem_shared>>
      %dma_start3A_30 = arith.constant 0 : i32
      %dma_start3A_31 = tpu.memref_slice %arg7[%add3A_26, %dma_start3A_30] : memref<10240x128xf32, #tpu.memory_space<vmem_shared>> -> memref<128x128xf32, #tpu.memory_space<vmem_shared>>
      tpu.enqueue_dma source(%dma_start3A_31 : memref<128x128xf32, #tpu.memory_space<vmem_shared>>) target(%arg10 : memref<128x128xf32, #tpu.memory_space<vmem>>) target_semaphore(%run_scoped3A : memref<!tpu.dma_semaphore, #tpu.memory_space<semaphore_mem>>)
      %dma_wait3A = arith.constant 0 : i32
      %dma_wait3A_32 = tpu.memref_slice %arg7[%add3A_26, %dma_wait3A] : memref<10240x128xf32, #tpu.memory_space<vmem_shared>> -> memref<128x128xf32, #tpu.memory_space<vmem_shared>>
      %dma_wait3A_33 = arith.constant 0 : i32
      %dma_wait3A_34 = tpu.memref_slice %arg7[%add3A_26, %dma_wait3A_33] : memref<10240x128xf32, #tpu.memory_space<vmem_shared>> -> memref<128x128xf32, #tpu.memory_space<vmem_shared>>
      tpu.wait_dma2 semaphore(%run_scoped3A : memref<!tpu.dma_semaphore, #tpu.memory_space<semaphore_mem>>) src(%dma_wait3A_34 : memref<128x128xf32, #tpu.memory_space<vmem_shared>>) dst(%arg10 : memref<128x128xf32, #tpu.memory_space<vmem>>)
      tpu.yield
    }) : () -> ()
    "tpu.region"() ({
      %run_scoped3A = tpu.sem_alloc : memref<!tpu.dma_semaphore, #tpu.memory_space<semaphore_mem>>
      %dma_start3A = arith.constant 0 : i32
      %dma_start3A_29 = tpu.memref_slice %arg6[%arg0, %add3A_26, %dma_start3A] : memref<2x10240x128xf32, #tpu.memory_space<hbm>> -> memref<1x128x128xf32, #tpu.memory_space<hbm>>
      %dma_start3A_30 = tpu.memref_squeeze %dma_start3A_29 : memref<1x128x128xf32, #tpu.memory_space<hbm>> -> memref<128x128xf32, #tpu.memory_space<hbm>>
      %dma_start3A_31 = arith.constant 0 : i32
      %dma_start3A_32 = tpu.memref_slice %arg6[%arg0, %add3A_26, %dma_start3A_31] : memref<2x10240x128xf32, #tpu.memory_space<hbm>> -> memref<1x128x128xf32, #tpu.memory_space<hbm>>
      %dma_start3A_33 = tpu.memref_squeeze %dma_start3A_32 : memref<1x128x128xf32, #tpu.memory_space<hbm>> -> memref<128x128xf32, #tpu.memory_space<hbm>>
      tpu.enqueue_dma source(%arg10 : memref<128x128xf32, #tpu.memory_space<vmem>>) target(%dma_start3A_33 : memref<128x128xf32, #tpu.memory_space<hbm>>) target_semaphore(%run_scoped3A : memref<!tpu.dma_semaphore, #tpu.memory_space<semaphore_mem>>)
      %dma_wait3A = arith.constant 0 : i32
      %dma_wait3A_34 = tpu.memref_slice %arg6[%arg0, %add3A_26, %dma_wait3A] : memref<2x10240x128xf32, #tpu.memory_space<hbm>> -> memref<1x128x128xf32, #tpu.memory_space<hbm>>
      %dma_wait3A_35 = tpu.memref_squeeze %dma_wait3A_34 : memref<1x128x128xf32, #tpu.memory_space<hbm>> -> memref<128x128xf32, #tpu.memory_space<hbm>>
      %dma_wait3A_36 = arith.constant 0 : i32
      %dma_wait3A_37 = tpu.memref_slice %arg6[%arg0, %add3A_26, %dma_wait3A_36] : memref<2x10240x128xf32, #tpu.memory_space<hbm>> -> memref<1x128x128xf32, #tpu.memory_space<hbm>>
      %dma_wait3A_38 = tpu.memref_squeeze %dma_wait3A_37 : memref<1x128x128xf32, #tpu.memory_space<hbm>> -> memref<128x128xf32, #tpu.memory_space<hbm>>
      tpu.wait_dma2 semaphore(%run_scoped3A : memref<!tpu.dma_semaphore, #tpu.memory_space<semaphore_mem>>) src(%arg10 : memref<128x128xf32, #tpu.memory_space<vmem>>) dst(%dma_wait3A_38 : memref<128x128xf32, #tpu.memory_space<hbm>>)
      tpu.yield
    }) : () -> ()
    %add3A_27 = arith.constant 512 : i32
    %add3A_28 = arith.addi %mul3A_2, %add3A_27 : i32
    "tpu.region"() ({
      %run_scoped3A = tpu.sem_alloc : memref<!tpu.dma_semaphore, #tpu.memory_space<semaphore_mem>>
      %dma_start3A = arith.constant 0 : i32
      %dma_start3A_29 = tpu.memref_slice %arg7[%add3A_28, %dma_start3A] : memref<10240x128xf32, #tpu.memory_space<vmem_shared>> -> memref<128x128xf32, #tpu.memory_space<vmem_shared>>
      %dma_start3A_30 = arith.constant 0 : i32
      %dma_start3A_31 = tpu.memref_slice %arg7[%add3A_28, %dma_start3A_30] : memref<10240x128xf32, #tpu.memory_space<vmem_shared>> -> memref<128x128xf32, #tpu.memory_space<vmem_shared>>
      tpu.enqueue_dma source(%dma_start3A_31 : memref<128x128xf32, #tpu.memory_space<vmem_shared>>) target(%arg10 : memref<128x128xf32, #tpu.memory_space<vmem>>) target_semaphore(%run_scoped3A : memref<!tpu.dma_semaphore, #tpu.memory_space<semaphore_mem>>)
      %dma_wait3A = arith.constant 0 : i32
      %dma_wait3A_32 = tpu.memref_slice %arg7[%add3A_28, %dma_wait3A] : memref<10240x128xf32, #tpu.memory_space<vmem_shared>> -> memref<128x128xf32, #tpu.memory_space<vmem_shared>>
      %dma_wait3A_33 = arith.constant 0 : i32
      %dma_wait3A_34 = tpu.memref_slice %arg7[%add3A_28, %dma_wait3A_33] : memref<10240x128xf32, #tpu.memory_space<vmem_shared>> -> memref<128x128xf32, #tpu.memory_space<vmem_shared>>
      tpu.wait_dma2 semaphore(%run_scoped3A : memref<!tpu.dma_semaphore, #tpu.memory_space<semaphore_mem>>) src(%dma_wait3A_34 : memref<128x128xf32, #tpu.memory_space<vmem_shared>>) dst(%arg10 : memref<128x128xf32, #tpu.memory_space<vmem>>)
      tpu.yield
    }) : () -> ()
    "tpu.region"() ({
      %run_scoped3A = tpu.sem_alloc : memref<!tpu.dma_semaphore, #tpu.memory_space<semaphore_mem>>
      %dma_start3A = arith.constant 0 : i32
      %dma_start3A_29 = tpu.memref_slice %arg6[%arg0, %add3A_28, %dma_start3A] : memref<2x10240x128xf32, #tpu.memory_space<hbm>> -> memref<1x128x128xf32, #tpu.memory_space<hbm>>
      %dma_start3A_30 = tpu.memref_squeeze %dma_start3A_29 : memref<1x128x128xf32, #tpu.memory_space<hbm>> -> memref<128x128xf32, #tpu.memory_space<hbm>>
      %dma_start3A_31 = arith.constant 0 : i32
      %dma_start3A_32 = tpu.memref_slice %arg6[%arg0, %add3A_28, %dma_start3A_31] : memref<2x10240x128xf32, #tpu.memory_space<hbm>> -> memref<1x128x128xf32, #tpu.memory_space<hbm>>
      %dma_start3A_33 = tpu.memref_squeeze %dma_start3A_32 : memref<1x128x128xf32, #tpu.memory_space<hbm>> -> memref<128x128xf32, #tpu.memory_space<hbm>>
      tpu.enqueue_dma source(%arg10 : memref<128x128xf32, #tpu.memory_space<vmem>>) target(%dma_start3A_33 : memref<128x128xf32, #tpu.memory_space<hbm>>) target_semaphore(%run_scoped3A : memref<!tpu.dma_semaphore, #tpu.memory_space<semaphore_mem>>)
      %dma_wait3A = arith.constant 0 : i32
      %dma_wait3A_34 = tpu.memref_slice %arg6[%arg0, %add3A_28, %dma_wait3A] : memref<2x10240x128xf32, #tpu.memory_space<hbm>> -> memref<1x128x128xf32, #tpu.memory_space<hbm>>
      %dma_wait3A_35 = tpu.memref_squeeze %dma_wait3A_34 : memref<1x128x128xf32, #tpu.memory_space<hbm>> -> memref<128x128xf32, #tpu.memory_space<hbm>>
      %dma_wait3A_36 = arith.constant 0 : i32
      %dma_wait3A_37 = tpu.memref_slice %arg6[%arg0, %add3A_28, %dma_wait3A_36] : memref<2x10240x128xf32, #tpu.memory_space<hbm>> -> memref<1x128x128xf32, #tpu.memory_space<hbm>>
      %dma_wait3A_38 = tpu.memref_squeeze %dma_wait3A_37 : memref<1x128x128xf32, #tpu.memory_space<hbm>> -> memref<128x128xf32, #tpu.memory_space<hbm>>
      tpu.wait_dma2 semaphore(%run_scoped3A : memref<!tpu.dma_semaphore, #tpu.memory_space<semaphore_mem>>) src(%arg10 : memref<128x128xf32, #tpu.memory_space<vmem>>) dst(%dma_wait3A_38 : memref<128x128xf32, #tpu.memory_space<hbm>>)
      tpu.yield
    }) : () -> ()
    return
  }
}

#map = affine_map<(d0, d1) -> (0, 0)>
#map1 = affine_map<(d0, d1) -> (0, 0, 0)>
module attributes {stable_mosaic.version = 14 : i64} {
  func.func @_aggregate_body(%arg0: i32, %arg1: i32, %arg2: memref<210000x128xf32, #tpu.memory_space<hbm>>, %arg3: memref<32x40x128xi32, #tpu.memory_space<hbm>>, %arg4: memref<32x40x128xi32, #tpu.memory_space<hbm>>, %arg5: memref<128x128xf32, #tpu.memory_space<hbm>>, %arg6: memref<2x10240x128xf32, #tpu.memory_space<hbm>>, %arg7: memref<10240x128xf32, #tpu.memory_space<vmem_shared>>, %arg8: memref<128xi32, #tpu.memory_space<vmem>>, %arg9: memref<128xi32, #tpu.memory_space<vmem>>, %arg10: memref<128x128xf32, #tpu.memory_space<vmem>>, %arg11: memref<!tpu.dma_semaphore, #tpu.memory_space<semaphore_mem>>, %arg12: memref<128xi32, #tpu.memory_space<vmem>>, %arg13: memref<128xi32, #tpu.memory_space<vmem>>, %arg14: memref<128x128xf32, #tpu.memory_space<vmem>>, %arg15: memref<!tpu.dma_semaphore, #tpu.memory_space<semaphore_mem>>) attributes {dimension_semantics = [#tpu.dimension_semantics<core_parallel>, #tpu.dimension_semantics<subcore_parallel>], iteration_bounds = array<i64: 2, 16>, scalar_prefetch = 0 : i64, scratch_operands = 9 : i64, tpu.core_type = #tpu.core_type<sc_vector_subcore>, window_params = [{transform_indices = #map}, {transform_indices = #map1}, {transform_indices = #map1}, {transform_indices = #map}, {transform_indices = #map1}]} {
    %mul3A = arith.constant 2 : i32
    %mul3A_0 = arith.muli %arg1, %mul3A : i32
    %add3A = arith.addi %mul3A_0, %arg0 : i32
    %mul3A_1 = arith.constant 640 : i32
    %mul3A_2 = arith.muli %arg1, %mul3A_1 : i32
    "tpu.region"() ({
      %run_scoped3A = tpu.sem_alloc : memref<!tpu.dma_semaphore, #tpu.memory_space<semaphore_mem>>
      tpu.enqueue_dma source(%arg5 : memref<128x128xf32, #tpu.memory_space<hbm>>) target(%arg10 : memref<128x128xf32, #tpu.memory_space<vmem>>) target_semaphore(%run_scoped3A : memref<!tpu.dma_semaphore, #tpu.memory_space<semaphore_mem>>)
      tpu.wait_dma2 semaphore(%run_scoped3A : memref<!tpu.dma_semaphore, #tpu.memory_space<semaphore_mem>>) src(%arg5 : memref<128x128xf32, #tpu.memory_space<hbm>>) dst(%arg10 : memref<128x128xf32, #tpu.memory_space<vmem>>)
      tpu.yield
    }) : () -> ()
    %add3A_3 = arith.constant 0 : i32
    %add3A_4 = arith.addi %mul3A_2, %add3A_3 : i32
    "tpu.region"() ({
      %run_scoped3A = tpu.sem_alloc : memref<!tpu.dma_semaphore, #tpu.memory_space<semaphore_mem>>
      %dma_start3A = arith.constant 0 : i32
      %dma_start3A_29 = tpu.memref_slice %arg7[%add3A_4, %dma_start3A] : memref<10240x128xf32, #tpu.memory_space<vmem_shared>> -> memref<128x128xf32, #tpu.memory_space<vmem_shared>>
      %dma_start3A_30 = arith.constant 0 : i32
      %dma_start3A_31 = tpu.memref_slice %arg7[%add3A_4, %dma_start3A_30] : memref<10240x128xf32, #tpu.memory_space<vmem_shared>> -> memref<128x128xf32, #tpu.memory_space<vmem_shared>>
      tpu.enqueue_dma source(%arg10 : memref<128x128xf32, #tpu.memory_space<vmem>>) target(%dma_start3A_31 : memref<128x128xf32, #tpu.memory_space<vmem_shared>>) target_semaphore(%run_scoped3A : memref<!tpu.dma_semaphore, #tpu.memory_space<semaphore_mem>>)
      %dma_wait3A = arith.constant 0 : i32
      %dma_wait3A_32 = tpu.memref_slice %arg7[%add3A_4, %dma_wait3A] : memref<10240x128xf32, #tpu.memory_space<vmem_shared>> -> memref<128x128xf32, #tpu.memory_space<vmem_shared>>
      %dma_wait3A_33 = arith.constant 0 : i32
      %dma_wait3A_34 = tpu.memref_slice %arg7[%add3A_4, %dma_wait3A_33] : memref<10240x128xf32, #tpu.memory_space<vmem_shared>> -> memref<128x128xf32, #tpu.memory_space<vmem_shared>>
      tpu.wait_dma2 semaphore(%run_scoped3A : memref<!tpu.dma_semaphore, #tpu.memory_space<semaphore_mem>>) src(%arg10 : memref<128x128xf32, #tpu.memory_space<vmem>>) dst(%dma_wait3A_34 : memref<128x128xf32, #tpu.memory_space<vmem_shared>>)
      tpu.yield
    }) : () -> ()
    %add3A_5 = arith.constant 128 : i32
    %add3A_6 = arith.addi %mul3A_2, %add3A_5 : i32
    "tpu.region"() ({
      %run_scoped3A = tpu.sem_alloc : memref<!tpu.dma_semaphore, #tpu.memory_space<semaphore_mem>>
      %dma_start3A = arith.constant 0 : i32
      %dma_start3A_29 = tpu.memref_slice %arg7[%add3A_6, %dma_start3A] : memref<10240x128xf32, #tpu.memory_space<vmem_shared>> -> memref<128x128xf32, #tpu.memory_space<vmem_shared>>
      %dma_start3A_30 = arith.constant 0 : i32
      %dma_start3A_31 = tpu.memref_slice %arg7[%add3A_6, %dma_start3A_30] : memref<10240x128xf32, #tpu.memory_space<vmem_shared>> -> memref<128x128xf32, #tpu.memory_space<vmem_shared>>
      tpu.enqueue_dma source(%arg10 : memref<128x128xf32, #tpu.memory_space<vmem>>) target(%dma_start3A_31 : memref<128x128xf32, #tpu.memory_space<vmem_shared>>) target_semaphore(%run_scoped3A : memref<!tpu.dma_semaphore, #tpu.memory_space<semaphore_mem>>)
      %dma_wait3A = arith.constant 0 : i32
      %dma_wait3A_32 = tpu.memref_slice %arg7[%add3A_6, %dma_wait3A] : memref<10240x128xf32, #tpu.memory_space<vmem_shared>> -> memref<128x128xf32, #tpu.memory_space<vmem_shared>>
      %dma_wait3A_33 = arith.constant 0 : i32
      %dma_wait3A_34 = tpu.memref_slice %arg7[%add3A_6, %dma_wait3A_33] : memref<10240x128xf32, #tpu.memory_space<vmem_shared>> -> memref<128x128xf32, #tpu.memory_space<vmem_shared>>
      tpu.wait_dma2 semaphore(%run_scoped3A : memref<!tpu.dma_semaphore, #tpu.memory_space<semaphore_mem>>) src(%arg10 : memref<128x128xf32, #tpu.memory_space<vmem>>) dst(%dma_wait3A_34 : memref<128x128xf32, #tpu.memory_space<vmem_shared>>)
      tpu.yield
    }) : () -> ()
    %add3A_7 = arith.constant 256 : i32
    %add3A_8 = arith.addi %mul3A_2, %add3A_7 : i32
    "tpu.region"() ({
      %run_scoped3A = tpu.sem_alloc : memref<!tpu.dma_semaphore, #tpu.memory_space<semaphore_mem>>
      %dma_start3A = arith.constant 0 : i32
      %dma_start3A_29 = tpu.memref_slice %arg7[%add3A_8, %dma_start3A] : memref<10240x128xf32, #tpu.memory_space<vmem_shared>> -> memref<128x128xf32, #tpu.memory_space<vmem_shared>>
      %dma_start3A_30 = arith.constant 0 : i32
      %dma_start3A_31 = tpu.memref_slice %arg7[%add3A_8, %dma_start3A_30] : memref<10240x128xf32, #tpu.memory_space<vmem_shared>> -> memref<128x128xf32, #tpu.memory_space<vmem_shared>>
      tpu.enqueue_dma source(%arg10 : memref<128x128xf32, #tpu.memory_space<vmem>>) target(%dma_start3A_31 : memref<128x128xf32, #tpu.memory_space<vmem_shared>>) target_semaphore(%run_scoped3A : memref<!tpu.dma_semaphore, #tpu.memory_space<semaphore_mem>>)
      %dma_wait3A = arith.constant 0 : i32
      %dma_wait3A_32 = tpu.memref_slice %arg7[%add3A_8, %dma_wait3A] : memref<10240x128xf32, #tpu.memory_space<vmem_shared>> -> memref<128x128xf32, #tpu.memory_space<vmem_shared>>
      %dma_wait3A_33 = arith.constant 0 : i32
      %dma_wait3A_34 = tpu.memref_slice %arg7[%add3A_8, %dma_wait3A_33] : memref<10240x128xf32, #tpu.memory_space<vmem_shared>> -> memref<128x128xf32, #tpu.memory_space<vmem_shared>>
      tpu.wait_dma2 semaphore(%run_scoped3A : memref<!tpu.dma_semaphore, #tpu.memory_space<semaphore_mem>>) src(%arg10 : memref<128x128xf32, #tpu.memory_space<vmem>>) dst(%dma_wait3A_34 : memref<128x128xf32, #tpu.memory_space<vmem_shared>>)
      tpu.yield
    }) : () -> ()
    %add3A_9 = arith.constant 384 : i32
    %add3A_10 = arith.addi %mul3A_2, %add3A_9 : i32
    "tpu.region"() ({
      %run_scoped3A = tpu.sem_alloc : memref<!tpu.dma_semaphore, #tpu.memory_space<semaphore_mem>>
      %dma_start3A = arith.constant 0 : i32
      %dma_start3A_29 = tpu.memref_slice %arg7[%add3A_10, %dma_start3A] : memref<10240x128xf32, #tpu.memory_space<vmem_shared>> -> memref<128x128xf32, #tpu.memory_space<vmem_shared>>
      %dma_start3A_30 = arith.constant 0 : i32
      %dma_start3A_31 = tpu.memref_slice %arg7[%add3A_10, %dma_start3A_30] : memref<10240x128xf32, #tpu.memory_space<vmem_shared>> -> memref<128x128xf32, #tpu.memory_space<vmem_shared>>
      tpu.enqueue_dma source(%arg10 : memref<128x128xf32, #tpu.memory_space<vmem>>) target(%dma_start3A_31 : memref<128x128xf32, #tpu.memory_space<vmem_shared>>) target_semaphore(%run_scoped3A : memref<!tpu.dma_semaphore, #tpu.memory_space<semaphore_mem>>)
      %dma_wait3A = arith.constant 0 : i32
      %dma_wait3A_32 = tpu.memref_slice %arg7[%add3A_10, %dma_wait3A] : memref<10240x128xf32, #tpu.memory_space<vmem_shared>> -> memref<128x128xf32, #tpu.memory_space<vmem_shared>>
      %dma_wait3A_33 = arith.constant 0 : i32
      %dma_wait3A_34 = tpu.memref_slice %arg7[%add3A_10, %dma_wait3A_33] : memref<10240x128xf32, #tpu.memory_space<vmem_shared>> -> memref<128x128xf32, #tpu.memory_space<vmem_shared>>
      tpu.wait_dma2 semaphore(%run_scoped3A : memref<!tpu.dma_semaphore, #tpu.memory_space<semaphore_mem>>) src(%arg10 : memref<128x128xf32, #tpu.memory_space<vmem>>) dst(%dma_wait3A_34 : memref<128x128xf32, #tpu.memory_space<vmem_shared>>)
      tpu.yield
    }) : () -> ()
    %add3A_11 = arith.constant 512 : i32
    %add3A_12 = arith.addi %mul3A_2, %add3A_11 : i32
    "tpu.region"() ({
      %run_scoped3A = tpu.sem_alloc : memref<!tpu.dma_semaphore, #tpu.memory_space<semaphore_mem>>
      %dma_start3A = arith.constant 0 : i32
      %dma_start3A_29 = tpu.memref_slice %arg7[%add3A_12, %dma_start3A] : memref<10240x128xf32, #tpu.memory_space<vmem_shared>> -> memref<128x128xf32, #tpu.memory_space<vmem_shared>>
      %dma_start3A_30 = arith.constant 0 : i32
      %dma_start3A_31 = tpu.memref_slice %arg7[%add3A_12, %dma_start3A_30] : memref<10240x128xf32, #tpu.memory_space<vmem_shared>> -> memref<128x128xf32, #tpu.memory_space<vmem_shared>>
      tpu.enqueue_dma source(%arg10 : memref<128x128xf32, #tpu.memory_space<vmem>>) target(%dma_start3A_31 : memref<128x128xf32, #tpu.memory_space<vmem_shared>>) target_semaphore(%run_scoped3A : memref<!tpu.dma_semaphore, #tpu.memory_space<semaphore_mem>>)
      %dma_wait3A = arith.constant 0 : i32
      %dma_wait3A_32 = tpu.memref_slice %arg7[%add3A_12, %dma_wait3A] : memref<10240x128xf32, #tpu.memory_space<vmem_shared>> -> memref<128x128xf32, #tpu.memory_space<vmem_shared>>
      %dma_wait3A_33 = arith.constant 0 : i32
      %dma_wait3A_34 = tpu.memref_slice %arg7[%add3A_12, %dma_wait3A_33] : memref<10240x128xf32, #tpu.memory_space<vmem_shared>> -> memref<128x128xf32, #tpu.memory_space<vmem_shared>>
      tpu.wait_dma2 semaphore(%run_scoped3A : memref<!tpu.dma_semaphore, #tpu.memory_space<semaphore_mem>>) src(%arg10 : memref<128x128xf32, #tpu.memory_space<vmem>>) dst(%dma_wait3A_34 : memref<128x128xf32, #tpu.memory_space<vmem_shared>>)
      tpu.yield
    }) : () -> ()
    %barrier3A = arith.constant 0 : index
    tpu.barrier barrier_id(%barrier3A)
    %scan3A = arith.constant 0 : i32
    %scan3A_13 = arith.constant 0 : i32
    %scan3A_14 = arith.constant 20 : i32
    %scan3A_15 = arith.addi %scan3A_13, %scan3A_14 : i32
    %scan3A_16 = arith.constant 1 : i32
    scf.for %scan3A_29 = %scan3A_13 to %scan3A_15 step %scan3A_16  : i32 {
      %mul3A_30 = arith.constant 2 : i32
      %mul3A_31 = arith.muli %mul3A_30, %scan3A_29 : i32
      "tpu.region"() ({
        %run_scoped3A = tpu.sem_alloc : memref<!tpu.dma_semaphore, #tpu.memory_space<semaphore_mem>>
        %dma_start3A_46 = arith.constant 0 : i32
        %dma_start3A_47 = tpu.memref_slice %arg3[%add3A, %mul3A_31, %dma_start3A_46] : memref<32x40x128xi32, #tpu.memory_space<hbm>> -> memref<1x1x128xi32, #tpu.memory_space<hbm>>
        %dma_start3A_48 = tpu.memref_squeeze %dma_start3A_47 : memref<1x1x128xi32, #tpu.memory_space<hbm>> -> memref<128xi32, #tpu.memory_space<hbm>>
        %dma_start3A_49 = arith.constant 0 : i32
        %dma_start3A_50 = tpu.memref_slice %arg3[%add3A, %mul3A_31, %dma_start3A_49] : memref<32x40x128xi32, #tpu.memory_space<hbm>> -> memref<1x1x128xi32, #tpu.memory_space<hbm>>
        %dma_start3A_51 = tpu.memref_squeeze %dma_start3A_50 : memref<1x1x128xi32, #tpu.memory_space<hbm>> -> memref<128xi32, #tpu.memory_space<hbm>>
        tpu.enqueue_dma source(%dma_start3A_51 : memref<128xi32, #tpu.memory_space<hbm>>) target(%arg8 : memref<128xi32, #tpu.memory_space<vmem>>) target_semaphore(%run_scoped3A : memref<!tpu.dma_semaphore, #tpu.memory_space<semaphore_mem>>)
        %dma_wait3A_52 = arith.constant 0 : i32
        %dma_wait3A_53 = tpu.memref_slice %arg3[%add3A, %mul3A_31, %dma_wait3A_52] : memref<32x40x128xi32, #tpu.memory_space<hbm>> -> memref<1x1x128xi32, #tpu.memory_space<hbm>>
        %dma_wait3A_54 = tpu.memref_squeeze %dma_wait3A_53 : memref<1x1x128xi32, #tpu.memory_space<hbm>> -> memref<128xi32, #tpu.memory_space<hbm>>
        %dma_wait3A_55 = arith.constant 0 : i32
        %dma_wait3A_56 = tpu.memref_slice %arg3[%add3A, %mul3A_31, %dma_wait3A_55] : memref<32x40x128xi32, #tpu.memory_space<hbm>> -> memref<1x1x128xi32, #tpu.memory_space<hbm>>
        %dma_wait3A_57 = tpu.memref_squeeze %dma_wait3A_56 : memref<1x1x128xi32, #tpu.memory_space<hbm>> -> memref<128xi32, #tpu.memory_space<hbm>>
        tpu.wait_dma2 semaphore(%run_scoped3A : memref<!tpu.dma_semaphore, #tpu.memory_space<semaphore_mem>>) src(%dma_wait3A_57 : memref<128xi32, #tpu.memory_space<hbm>>) dst(%arg8 : memref<128xi32, #tpu.memory_space<vmem>>)
        tpu.yield
      }) : () -> ()
      "tpu.region"() ({
        %run_scoped3A = tpu.sem_alloc : memref<!tpu.dma_semaphore, #tpu.memory_space<semaphore_mem>>
        %dma_start3A_46 = arith.constant 0 : i32
        %dma_start3A_47 = tpu.memref_slice %arg4[%add3A, %mul3A_31, %dma_start3A_46] : memref<32x40x128xi32, #tpu.memory_space<hbm>> -> memref<1x1x128xi32, #tpu.memory_space<hbm>>
        %dma_start3A_48 = tpu.memref_squeeze %dma_start3A_47 : memref<1x1x128xi32, #tpu.memory_space<hbm>> -> memref<128xi32, #tpu.memory_space<hbm>>
        %dma_start3A_49 = arith.constant 0 : i32
        %dma_start3A_50 = tpu.memref_slice %arg4[%add3A, %mul3A_31, %dma_start3A_49] : memref<32x40x128xi32, #tpu.memory_space<hbm>> -> memref<1x1x128xi32, #tpu.memory_space<hbm>>
        %dma_start3A_51 = tpu.memref_squeeze %dma_start3A_50 : memref<1x1x128xi32, #tpu.memory_space<hbm>> -> memref<128xi32, #tpu.memory_space<hbm>>
        tpu.enqueue_dma source(%dma_start3A_51 : memref<128xi32, #tpu.memory_space<hbm>>) target(%arg9 : memref<128xi32, #tpu.memory_space<vmem>>) target_semaphore(%run_scoped3A : memref<!tpu.dma_semaphore, #tpu.memory_space<semaphore_mem>>)
        %dma_wait3A_52 = arith.constant 0 : i32
        %dma_wait3A_53 = tpu.memref_slice %arg4[%add3A, %mul3A_31, %dma_wait3A_52] : memref<32x40x128xi32, #tpu.memory_space<hbm>> -> memref<1x1x128xi32, #tpu.memory_space<hbm>>
        %dma_wait3A_54 = tpu.memref_squeeze %dma_wait3A_53 : memref<1x1x128xi32, #tpu.memory_space<hbm>> -> memref<128xi32, #tpu.memory_space<hbm>>
        %dma_wait3A_55 = arith.constant 0 : i32
        %dma_wait3A_56 = tpu.memref_slice %arg4[%add3A, %mul3A_31, %dma_wait3A_55] : memref<32x40x128xi32, #tpu.memory_space<hbm>> -> memref<1x1x128xi32, #tpu.memory_space<hbm>>
        %dma_wait3A_57 = tpu.memref_squeeze %dma_wait3A_56 : memref<1x1x128xi32, #tpu.memory_space<hbm>> -> memref<128xi32, #tpu.memory_space<hbm>>
        tpu.wait_dma2 semaphore(%run_scoped3A : memref<!tpu.dma_semaphore, #tpu.memory_space<semaphore_mem>>) src(%dma_wait3A_57 : memref<128xi32, #tpu.memory_space<hbm>>) dst(%arg9 : memref<128xi32, #tpu.memory_space<vmem>>)
        tpu.yield
      }) : () -> ()
      %dma_start3A = arith.constant 0 : i32
      %dma_start3A_32 = arith.constant 0 : i32
      %dma_start3A_33 = tpu.memref_slice %arg2[%dma_start3A, %dma_start3A_32] : memref<210000x128xf32, #tpu.memory_space<hbm>> -> memref<210000x128xf32, #tpu.memory_space<hbm>>
      tpu.enqueue_indirect_dma source(%dma_start3A_33 : memref<210000x128xf32, #tpu.memory_space<hbm>>) target(%arg10 : memref<128x128xf32, #tpu.memory_space<vmem>>) offsets(%arg8 : memref<128xi32, #tpu.memory_space<vmem>>) semaphore(%arg11 : memref<!tpu.dma_semaphore, #tpu.memory_space<semaphore_mem>>)
      %add3A_34 = arith.constant 1 : i32
      %add3A_35 = arith.addi %mul3A_31, %add3A_34 : i32
      "tpu.region"() ({
        %run_scoped3A = tpu.sem_alloc : memref<!tpu.dma_semaphore, #tpu.memory_space<semaphore_mem>>
        %dma_start3A_46 = arith.constant 0 : i32
        %dma_start3A_47 = tpu.memref_slice %arg3[%add3A, %add3A_35, %dma_start3A_46] : memref<32x40x128xi32, #tpu.memory_space<hbm>> -> memref<1x1x128xi32, #tpu.memory_space<hbm>>
        %dma_start3A_48 = tpu.memref_squeeze %dma_start3A_47 : memref<1x1x128xi32, #tpu.memory_space<hbm>> -> memref<128xi32, #tpu.memory_space<hbm>>
        %dma_start3A_49 = arith.constant 0 : i32
        %dma_start3A_50 = tpu.memref_slice %arg3[%add3A, %add3A_35, %dma_start3A_49] : memref<32x40x128xi32, #tpu.memory_space<hbm>> -> memref<1x1x128xi32, #tpu.memory_space<hbm>>
        %dma_start3A_51 = tpu.memref_squeeze %dma_start3A_50 : memref<1x1x128xi32, #tpu.memory_space<hbm>> -> memref<128xi32, #tpu.memory_space<hbm>>
        tpu.enqueue_dma source(%dma_start3A_51 : memref<128xi32, #tpu.memory_space<hbm>>) target(%arg12 : memref<128xi32, #tpu.memory_space<vmem>>) target_semaphore(%run_scoped3A : memref<!tpu.dma_semaphore, #tpu.memory_space<semaphore_mem>>)
        %dma_wait3A_52 = arith.constant 0 : i32
        %dma_wait3A_53 = tpu.memref_slice %arg3[%add3A, %add3A_35, %dma_wait3A_52] : memref<32x40x128xi32, #tpu.memory_space<hbm>> -> memref<1x1x128xi32, #tpu.memory_space<hbm>>
        %dma_wait3A_54 = tpu.memref_squeeze %dma_wait3A_53 : memref<1x1x128xi32, #tpu.memory_space<hbm>> -> memref<128xi32, #tpu.memory_space<hbm>>
        %dma_wait3A_55 = arith.constant 0 : i32
        %dma_wait3A_56 = tpu.memref_slice %arg3[%add3A, %add3A_35, %dma_wait3A_55] : memref<32x40x128xi32, #tpu.memory_space<hbm>> -> memref<1x1x128xi32, #tpu.memory_space<hbm>>
        %dma_wait3A_57 = tpu.memref_squeeze %dma_wait3A_56 : memref<1x1x128xi32, #tpu.memory_space<hbm>> -> memref<128xi32, #tpu.memory_space<hbm>>
        tpu.wait_dma2 semaphore(%run_scoped3A : memref<!tpu.dma_semaphore, #tpu.memory_space<semaphore_mem>>) src(%dma_wait3A_57 : memref<128xi32, #tpu.memory_space<hbm>>) dst(%arg12 : memref<128xi32, #tpu.memory_space<vmem>>)
        tpu.yield
      }) : () -> ()
      %add3A_36 = arith.constant 1 : i32
      %add3A_37 = arith.addi %mul3A_31, %add3A_36 : i32
      "tpu.region"() ({
        %run_scoped3A = tpu.sem_alloc : memref<!tpu.dma_semaphore, #tpu.memory_space<semaphore_mem>>
        %dma_start3A_46 = arith.constant 0 : i32
        %dma_start3A_47 = tpu.memref_slice %arg4[%add3A, %add3A_37, %dma_start3A_46] : memref<32x40x128xi32, #tpu.memory_space<hbm>> -> memref<1x1x128xi32, #tpu.memory_space<hbm>>
        %dma_start3A_48 = tpu.memref_squeeze %dma_start3A_47 : memref<1x1x128xi32, #tpu.memory_space<hbm>> -> memref<128xi32, #tpu.memory_space<hbm>>
        %dma_start3A_49 = arith.constant 0 : i32
        %dma_start3A_50 = tpu.memref_slice %arg4[%add3A, %add3A_37, %dma_start3A_49] : memref<32x40x128xi32, #tpu.memory_space<hbm>> -> memref<1x1x128xi32, #tpu.memory_space<hbm>>
        %dma_start3A_51 = tpu.memref_squeeze %dma_start3A_50 : memref<1x1x128xi32, #tpu.memory_space<hbm>> -> memref<128xi32, #tpu.memory_space<hbm>>
        tpu.enqueue_dma source(%dma_start3A_51 : memref<128xi32, #tpu.memory_space<hbm>>) target(%arg13 : memref<128xi32, #tpu.memory_space<vmem>>) target_semaphore(%run_scoped3A : memref<!tpu.dma_semaphore, #tpu.memory_space<semaphore_mem>>)
        %dma_wait3A_52 = arith.constant 0 : i32
        %dma_wait3A_53 = tpu.memref_slice %arg4[%add3A, %add3A_37, %dma_wait3A_52] : memref<32x40x128xi32, #tpu.memory_space<hbm>> -> memref<1x1x128xi32, #tpu.memory_space<hbm>>
        %dma_wait3A_54 = tpu.memref_squeeze %dma_wait3A_53 : memref<1x1x128xi32, #tpu.memory_space<hbm>> -> memref<128xi32, #tpu.memory_space<hbm>>
        %dma_wait3A_55 = arith.constant 0 : i32
        %dma_wait3A_56 = tpu.memref_slice %arg4[%add3A, %add3A_37, %dma_wait3A_55] : memref<32x40x128xi32, #tpu.memory_space<hbm>> -> memref<1x1x128xi32, #tpu.memory_space<hbm>>
        %dma_wait3A_57 = tpu.memref_squeeze %dma_wait3A_56 : memref<1x1x128xi32, #tpu.memory_space<hbm>> -> memref<128xi32, #tpu.memory_space<hbm>>
        tpu.wait_dma2 semaphore(%run_scoped3A : memref<!tpu.dma_semaphore, #tpu.memory_space<semaphore_mem>>) src(%dma_wait3A_57 : memref<128xi32, #tpu.memory_space<hbm>>) dst(%arg13 : memref<128xi32, #tpu.memory_space<vmem>>)
        tpu.yield
      }) : () -> ()
      %dma_start3A_38 = arith.constant 0 : i32
      %dma_start3A_39 = arith.constant 0 : i32
      %dma_start3A_40 = tpu.memref_slice %arg2[%dma_start3A_38, %dma_start3A_39] : memref<210000x128xf32, #tpu.memory_space<hbm>> -> memref<210000x128xf32, #tpu.memory_space<hbm>>
      tpu.enqueue_indirect_dma source(%dma_start3A_40 : memref<210000x128xf32, #tpu.memory_space<hbm>>) target(%arg14 : memref<128x128xf32, #tpu.memory_space<vmem>>) offsets(%arg12 : memref<128xi32, #tpu.memory_space<vmem>>) semaphore(%arg15 : memref<!tpu.dma_semaphore, #tpu.memory_space<semaphore_mem>>)
      %dma_wait3A = arith.constant 0 : i32
      %dma_wait3A_41 = arith.constant 0 : i32
      %dma_wait3A_42 = tpu.memref_slice %arg2[%dma_wait3A, %dma_wait3A_41] : memref<210000x128xf32, #tpu.memory_space<hbm>> -> memref<210000x128xf32, #tpu.memory_space<hbm>>
      tpu.wait_indirect_dma semaphore(%arg11 : memref<!tpu.dma_semaphore, #tpu.memory_space<semaphore_mem>>) src(%dma_wait3A_42 : memref<210000x128xf32, #tpu.memory_space<hbm>>) dst(%arg10 : memref<128x128xf32, #tpu.memory_space<vmem>>)
      "tpu.region"() ({
        %run_scoped3A = tpu.sem_alloc : memref<!tpu.dma_semaphore, #tpu.memory_space<semaphore_mem>>
        %dma_start3A_46 = arith.constant 0 : i32
        %dma_start3A_47 = arith.constant 0 : i32
        %dma_start3A_48 = tpu.memref_slice %arg7[%dma_start3A_46, %dma_start3A_47] : memref<10240x128xf32, #tpu.memory_space<vmem_shared>> -> memref<10240x128xf32, #tpu.memory_space<vmem_shared>>
        tpu.enqueue_indirect_dma source(%arg10 : memref<128x128xf32, #tpu.memory_space<vmem>>) target(%dma_start3A_48 : memref<10240x128xf32, #tpu.memory_space<vmem_shared>>) offsets(%arg9 : memref<128xi32, #tpu.memory_space<vmem>>) semaphore(%run_scoped3A : memref<!tpu.dma_semaphore, #tpu.memory_space<semaphore_mem>>) {add = true}
        %dma_wait3A_49 = arith.constant 0 : i32
        %dma_wait3A_50 = arith.constant 0 : i32
        %dma_wait3A_51 = tpu.memref_slice %arg7[%dma_wait3A_49, %dma_wait3A_50] : memref<10240x128xf32, #tpu.memory_space<vmem_shared>> -> memref<10240x128xf32, #tpu.memory_space<vmem_shared>>
        tpu.wait_indirect_dma semaphore(%run_scoped3A : memref<!tpu.dma_semaphore, #tpu.memory_space<semaphore_mem>>) src(%arg10 : memref<128x128xf32, #tpu.memory_space<vmem>>) dst(%dma_wait3A_51 : memref<10240x128xf32, #tpu.memory_space<vmem_shared>>)
        tpu.yield
      }) : () -> ()
      %dma_wait3A_43 = arith.constant 0 : i32
      %dma_wait3A_44 = arith.constant 0 : i32
      %dma_wait3A_45 = tpu.memref_slice %arg2[%dma_wait3A_43, %dma_wait3A_44] : memref<210000x128xf32, #tpu.memory_space<hbm>> -> memref<210000x128xf32, #tpu.memory_space<hbm>>
      tpu.wait_indirect_dma semaphore(%arg15 : memref<!tpu.dma_semaphore, #tpu.memory_space<semaphore_mem>>) src(%dma_wait3A_45 : memref<210000x128xf32, #tpu.memory_space<hbm>>) dst(%arg14 : memref<128x128xf32, #tpu.memory_space<vmem>>)
      "tpu.region"() ({
        %run_scoped3A = tpu.sem_alloc : memref<!tpu.dma_semaphore, #tpu.memory_space<semaphore_mem>>
        %dma_start3A_46 = arith.constant 0 : i32
        %dma_start3A_47 = arith.constant 0 : i32
        %dma_start3A_48 = tpu.memref_slice %arg7[%dma_start3A_46, %dma_start3A_47] : memref<10240x128xf32, #tpu.memory_space<vmem_shared>> -> memref<10240x128xf32, #tpu.memory_space<vmem_shared>>
        tpu.enqueue_indirect_dma source(%arg14 : memref<128x128xf32, #tpu.memory_space<vmem>>) target(%dma_start3A_48 : memref<10240x128xf32, #tpu.memory_space<vmem_shared>>) offsets(%arg13 : memref<128xi32, #tpu.memory_space<vmem>>) semaphore(%run_scoped3A : memref<!tpu.dma_semaphore, #tpu.memory_space<semaphore_mem>>) {add = true}
        %dma_wait3A_49 = arith.constant 0 : i32
        %dma_wait3A_50 = arith.constant 0 : i32
        %dma_wait3A_51 = tpu.memref_slice %arg7[%dma_wait3A_49, %dma_wait3A_50] : memref<10240x128xf32, #tpu.memory_space<vmem_shared>> -> memref<10240x128xf32, #tpu.memory_space<vmem_shared>>
        tpu.wait_indirect_dma semaphore(%run_scoped3A : memref<!tpu.dma_semaphore, #tpu.memory_space<semaphore_mem>>) src(%arg14 : memref<128x128xf32, #tpu.memory_space<vmem>>) dst(%dma_wait3A_51 : memref<10240x128xf32, #tpu.memory_space<vmem_shared>>)
        tpu.yield
      }) : () -> ()
    }
    %scan3A_17 = arith.constant 20 : i32
    %barrier3A_18 = arith.constant 0 : index
    tpu.barrier barrier_id(%barrier3A_18)
    %add3A_19 = arith.constant 0 : i32
    %add3A_20 = arith.addi %mul3A_2, %add3A_19 : i32
    "tpu.region"() ({
      %run_scoped3A = tpu.sem_alloc : memref<!tpu.dma_semaphore, #tpu.memory_space<semaphore_mem>>
      %dma_start3A = arith.constant 0 : i32
      %dma_start3A_29 = tpu.memref_slice %arg7[%add3A_20, %dma_start3A] : memref<10240x128xf32, #tpu.memory_space<vmem_shared>> -> memref<128x128xf32, #tpu.memory_space<vmem_shared>>
      %dma_start3A_30 = arith.constant 0 : i32
      %dma_start3A_31 = tpu.memref_slice %arg7[%add3A_20, %dma_start3A_30] : memref<10240x128xf32, #tpu.memory_space<vmem_shared>> -> memref<128x128xf32, #tpu.memory_space<vmem_shared>>
      tpu.enqueue_dma source(%dma_start3A_31 : memref<128x128xf32, #tpu.memory_space<vmem_shared>>) target(%arg10 : memref<128x128xf32, #tpu.memory_space<vmem>>) target_semaphore(%run_scoped3A : memref<!tpu.dma_semaphore, #tpu.memory_space<semaphore_mem>>)
      %dma_wait3A = arith.constant 0 : i32
      %dma_wait3A_32 = tpu.memref_slice %arg7[%add3A_20, %dma_wait3A] : memref<10240x128xf32, #tpu.memory_space<vmem_shared>> -> memref<128x128xf32, #tpu.memory_space<vmem_shared>>
      %dma_wait3A_33 = arith.constant 0 : i32
      %dma_wait3A_34 = tpu.memref_slice %arg7[%add3A_20, %dma_wait3A_33] : memref<10240x128xf32, #tpu.memory_space<vmem_shared>> -> memref<128x128xf32, #tpu.memory_space<vmem_shared>>
      tpu.wait_dma2 semaphore(%run_scoped3A : memref<!tpu.dma_semaphore, #tpu.memory_space<semaphore_mem>>) src(%dma_wait3A_34 : memref<128x128xf32, #tpu.memory_space<vmem_shared>>) dst(%arg10 : memref<128x128xf32, #tpu.memory_space<vmem>>)
      tpu.yield
    }) : () -> ()
    "tpu.region"() ({
      %run_scoped3A = tpu.sem_alloc : memref<!tpu.dma_semaphore, #tpu.memory_space<semaphore_mem>>
      %dma_start3A = arith.constant 0 : i32
      %dma_start3A_29 = tpu.memref_slice %arg6[%arg0, %add3A_20, %dma_start3A] : memref<2x10240x128xf32, #tpu.memory_space<hbm>> -> memref<1x128x128xf32, #tpu.memory_space<hbm>>
      %dma_start3A_30 = tpu.memref_squeeze %dma_start3A_29 : memref<1x128x128xf32, #tpu.memory_space<hbm>> -> memref<128x128xf32, #tpu.memory_space<hbm>>
      %dma_start3A_31 = arith.constant 0 : i32
      %dma_start3A_32 = tpu.memref_slice %arg6[%arg0, %add3A_20, %dma_start3A_31] : memref<2x10240x128xf32, #tpu.memory_space<hbm>> -> memref<1x128x128xf32, #tpu.memory_space<hbm>>
      %dma_start3A_33 = tpu.memref_squeeze %dma_start3A_32 : memref<1x128x128xf32, #tpu.memory_space<hbm>> -> memref<128x128xf32, #tpu.memory_space<hbm>>
      tpu.enqueue_dma source(%arg10 : memref<128x128xf32, #tpu.memory_space<vmem>>) target(%dma_start3A_33 : memref<128x128xf32, #tpu.memory_space<hbm>>) target_semaphore(%run_scoped3A : memref<!tpu.dma_semaphore, #tpu.memory_space<semaphore_mem>>)
      %dma_wait3A = arith.constant 0 : i32
      %dma_wait3A_34 = tpu.memref_slice %arg6[%arg0, %add3A_20, %dma_wait3A] : memref<2x10240x128xf32, #tpu.memory_space<hbm>> -> memref<1x128x128xf32, #tpu.memory_space<hbm>>
      %dma_wait3A_35 = tpu.memref_squeeze %dma_wait3A_34 : memref<1x128x128xf32, #tpu.memory_space<hbm>> -> memref<128x128xf32, #tpu.memory_space<hbm>>
      %dma_wait3A_36 = arith.constant 0 : i32
      %dma_wait3A_37 = tpu.memref_slice %arg6[%arg0, %add3A_20, %dma_wait3A_36] : memref<2x10240x128xf32, #tpu.memory_space<hbm>> -> memref<1x128x128xf32, #tpu.memory_space<hbm>>
      %dma_wait3A_38 = tpu.memref_squeeze %dma_wait3A_37 : memref<1x128x128xf32, #tpu.memory_space<hbm>> -> memref<128x128xf32, #tpu.memory_space<hbm>>
      tpu.wait_dma2 semaphore(%run_scoped3A : memref<!tpu.dma_semaphore, #tpu.memory_space<semaphore_mem>>) src(%arg10 : memref<128x128xf32, #tpu.memory_space<vmem>>) dst(%dma_wait3A_38 : memref<128x128xf32, #tpu.memory_space<hbm>>)
      tpu.yield
    }) : () -> ()
    %add3A_21 = arith.constant 128 : i32
    %add3A_22 = arith.addi %mul3A_2, %add3A_21 : i32
    "tpu.region"() ({
      %run_scoped3A = tpu.sem_alloc : memref<!tpu.dma_semaphore, #tpu.memory_space<semaphore_mem>>
      %dma_start3A = arith.constant 0 : i32
      %dma_start3A_29 = tpu.memref_slice %arg7[%add3A_22, %dma_start3A] : memref<10240x128xf32, #tpu.memory_space<vmem_shared>> -> memref<128x128xf32, #tpu.memory_space<vmem_shared>>
      %dma_start3A_30 = arith.constant 0 : i32
      %dma_start3A_31 = tpu.memref_slice %arg7[%add3A_22, %dma_start3A_30] : memref<10240x128xf32, #tpu.memory_space<vmem_shared>> -> memref<128x128xf32, #tpu.memory_space<vmem_shared>>
      tpu.enqueue_dma source(%dma_start3A_31 : memref<128x128xf32, #tpu.memory_space<vmem_shared>>) target(%arg10 : memref<128x128xf32, #tpu.memory_space<vmem>>) target_semaphore(%run_scoped3A : memref<!tpu.dma_semaphore, #tpu.memory_space<semaphore_mem>>)
      %dma_wait3A = arith.constant 0 : i32
      %dma_wait3A_32 = tpu.memref_slice %arg7[%add3A_22, %dma_wait3A] : memref<10240x128xf32, #tpu.memory_space<vmem_shared>> -> memref<128x128xf32, #tpu.memory_space<vmem_shared>>
      %dma_wait3A_33 = arith.constant 0 : i32
      %dma_wait3A_34 = tpu.memref_slice %arg7[%add3A_22, %dma_wait3A_33] : memref<10240x128xf32, #tpu.memory_space<vmem_shared>> -> memref<128x128xf32, #tpu.memory_space<vmem_shared>>
      tpu.wait_dma2 semaphore(%run_scoped3A : memref<!tpu.dma_semaphore, #tpu.memory_space<semaphore_mem>>) src(%dma_wait3A_34 : memref<128x128xf32, #tpu.memory_space<vmem_shared>>) dst(%arg10 : memref<128x128xf32, #tpu.memory_space<vmem>>)
      tpu.yield
    }) : () -> ()
    "tpu.region"() ({
      %run_scoped3A = tpu.sem_alloc : memref<!tpu.dma_semaphore, #tpu.memory_space<semaphore_mem>>
      %dma_start3A = arith.constant 0 : i32
      %dma_start3A_29 = tpu.memref_slice %arg6[%arg0, %add3A_22, %dma_start3A] : memref<2x10240x128xf32, #tpu.memory_space<hbm>> -> memref<1x128x128xf32, #tpu.memory_space<hbm>>
      %dma_start3A_30 = tpu.memref_squeeze %dma_start3A_29 : memref<1x128x128xf32, #tpu.memory_space<hbm>> -> memref<128x128xf32, #tpu.memory_space<hbm>>
      %dma_start3A_31 = arith.constant 0 : i32
      %dma_start3A_32 = tpu.memref_slice %arg6[%arg0, %add3A_22, %dma_start3A_31] : memref<2x10240x128xf32, #tpu.memory_space<hbm>> -> memref<1x128x128xf32, #tpu.memory_space<hbm>>
      %dma_start3A_33 = tpu.memref_squeeze %dma_start3A_32 : memref<1x128x128xf32, #tpu.memory_space<hbm>> -> memref<128x128xf32, #tpu.memory_space<hbm>>
      tpu.enqueue_dma source(%arg10 : memref<128x128xf32, #tpu.memory_space<vmem>>) target(%dma_start3A_33 : memref<128x128xf32, #tpu.memory_space<hbm>>) target_semaphore(%run_scoped3A : memref<!tpu.dma_semaphore, #tpu.memory_space<semaphore_mem>>)
      %dma_wait3A = arith.constant 0 : i32
      %dma_wait3A_34 = tpu.memref_slice %arg6[%arg0, %add3A_22, %dma_wait3A] : memref<2x10240x128xf32, #tpu.memory_space<hbm>> -> memref<1x128x128xf32, #tpu.memory_space<hbm>>
      %dma_wait3A_35 = tpu.memref_squeeze %dma_wait3A_34 : memref<1x128x128xf32, #tpu.memory_space<hbm>> -> memref<128x128xf32, #tpu.memory_space<hbm>>
      %dma_wait3A_36 = arith.constant 0 : i32
      %dma_wait3A_37 = tpu.memref_slice %arg6[%arg0, %add3A_22, %dma_wait3A_36] : memref<2x10240x128xf32, #tpu.memory_space<hbm>> -> memref<1x128x128xf32, #tpu.memory_space<hbm>>
      %dma_wait3A_38 = tpu.memref_squeeze %dma_wait3A_37 : memref<1x128x128xf32, #tpu.memory_space<hbm>> -> memref<128x128xf32, #tpu.memory_space<hbm>>
      tpu.wait_dma2 semaphore(%run_scoped3A : memref<!tpu.dma_semaphore, #tpu.memory_space<semaphore_mem>>) src(%arg10 : memref<128x128xf32, #tpu.memory_space<vmem>>) dst(%dma_wait3A_38 : memref<128x128xf32, #tpu.memory_space<hbm>>)
      tpu.yield
    }) : () -> ()
    %add3A_23 = arith.constant 256 : i32
    %add3A_24 = arith.addi %mul3A_2, %add3A_23 : i32
    "tpu.region"() ({
      %run_scoped3A = tpu.sem_alloc : memref<!tpu.dma_semaphore, #tpu.memory_space<semaphore_mem>>
      %dma_start3A = arith.constant 0 : i32
      %dma_start3A_29 = tpu.memref_slice %arg7[%add3A_24, %dma_start3A] : memref<10240x128xf32, #tpu.memory_space<vmem_shared>> -> memref<128x128xf32, #tpu.memory_space<vmem_shared>>
      %dma_start3A_30 = arith.constant 0 : i32
      %dma_start3A_31 = tpu.memref_slice %arg7[%add3A_24, %dma_start3A_30] : memref<10240x128xf32, #tpu.memory_space<vmem_shared>> -> memref<128x128xf32, #tpu.memory_space<vmem_shared>>
      tpu.enqueue_dma source(%dma_start3A_31 : memref<128x128xf32, #tpu.memory_space<vmem_shared>>) target(%arg10 : memref<128x128xf32, #tpu.memory_space<vmem>>) target_semaphore(%run_scoped3A : memref<!tpu.dma_semaphore, #tpu.memory_space<semaphore_mem>>)
      %dma_wait3A = arith.constant 0 : i32
      %dma_wait3A_32 = tpu.memref_slice %arg7[%add3A_24, %dma_wait3A] : memref<10240x128xf32, #tpu.memory_space<vmem_shared>> -> memref<128x128xf32, #tpu.memory_space<vmem_shared>>
      %dma_wait3A_33 = arith.constant 0 : i32
      %dma_wait3A_34 = tpu.memref_slice %arg7[%add3A_24, %dma_wait3A_33] : memref<10240x128xf32, #tpu.memory_space<vmem_shared>> -> memref<128x128xf32, #tpu.memory_space<vmem_shared>>
      tpu.wait_dma2 semaphore(%run_scoped3A : memref<!tpu.dma_semaphore, #tpu.memory_space<semaphore_mem>>) src(%dma_wait3A_34 : memref<128x128xf32, #tpu.memory_space<vmem_shared>>) dst(%arg10 : memref<128x128xf32, #tpu.memory_space<vmem>>)
      tpu.yield
    }) : () -> ()
    "tpu.region"() ({
      %run_scoped3A = tpu.sem_alloc : memref<!tpu.dma_semaphore, #tpu.memory_space<semaphore_mem>>
      %dma_start3A = arith.constant 0 : i32
      %dma_start3A_29 = tpu.memref_slice %arg6[%arg0, %add3A_24, %dma_start3A] : memref<2x10240x128xf32, #tpu.memory_space<hbm>> -> memref<1x128x128xf32, #tpu.memory_space<hbm>>
      %dma_start3A_30 = tpu.memref_squeeze %dma_start3A_29 : memref<1x128x128xf32, #tpu.memory_space<hbm>> -> memref<128x128xf32, #tpu.memory_space<hbm>>
      %dma_start3A_31 = arith.constant 0 : i32
      %dma_start3A_32 = tpu.memref_slice %arg6[%arg0, %add3A_24, %dma_start3A_31] : memref<2x10240x128xf32, #tpu.memory_space<hbm>> -> memref<1x128x128xf32, #tpu.memory_space<hbm>>
      %dma_start3A_33 = tpu.memref_squeeze %dma_start3A_32 : memref<1x128x128xf32, #tpu.memory_space<hbm>> -> memref<128x128xf32, #tpu.memory_space<hbm>>
      tpu.enqueue_dma source(%arg10 : memref<128x128xf32, #tpu.memory_space<vmem>>) target(%dma_start3A_33 : memref<128x128xf32, #tpu.memory_space<hbm>>) target_semaphore(%run_scoped3A : memref<!tpu.dma_semaphore, #tpu.memory_space<semaphore_mem>>)
      %dma_wait3A = arith.constant 0 : i32
      %dma_wait3A_34 = tpu.memref_slice %arg6[%arg0, %add3A_24, %dma_wait3A] : memref<2x10240x128xf32, #tpu.memory_space<hbm>> -> memref<1x128x128xf32, #tpu.memory_space<hbm>>
      %dma_wait3A_35 = tpu.memref_squeeze %dma_wait3A_34 : memref<1x128x128xf32, #tpu.memory_space<hbm>> -> memref<128x128xf32, #tpu.memory_space<hbm>>
      %dma_wait3A_36 = arith.constant 0 : i32
      %dma_wait3A_37 = tpu.memref_slice %arg6[%arg0, %add3A_24, %dma_wait3A_36] : memref<2x10240x128xf32, #tpu.memory_space<hbm>> -> memref<1x128x128xf32, #tpu.memory_space<hbm>>
      %dma_wait3A_38 = tpu.memref_squeeze %dma_wait3A_37 : memref<1x128x128xf32, #tpu.memory_space<hbm>> -> memref<128x128xf32, #tpu.memory_space<hbm>>
      tpu.wait_dma2 semaphore(%run_scoped3A : memref<!tpu.dma_semaphore, #tpu.memory_space<semaphore_mem>>) src(%arg10 : memref<128x128xf32, #tpu.memory_space<vmem>>) dst(%dma_wait3A_38 : memref<128x128xf32, #tpu.memory_space<hbm>>)
      tpu.yield
    }) : () -> ()
    %add3A_25 = arith.constant 384 : i32
    %add3A_26 = arith.addi %mul3A_2, %add3A_25 : i32
    "tpu.region"() ({
      %run_scoped3A = tpu.sem_alloc : memref<!tpu.dma_semaphore, #tpu.memory_space<semaphore_mem>>
      %dma_start3A = arith.constant 0 : i32
      %dma_start3A_29 = tpu.memref_slice %arg7[%add3A_26, %dma_start3A] : memref<10240x128xf32, #tpu.memory_space<vmem_shared>> -> memref<128x128xf32, #tpu.memory_space<vmem_shared>>
      %dma_start3A_30 = arith.constant 0 : i32
      %dma_start3A_31 = tpu.memref_slice %arg7[%add3A_26, %dma_start3A_30] : memref<10240x128xf32, #tpu.memory_space<vmem_shared>> -> memref<128x128xf32, #tpu.memory_space<vmem_shared>>
      tpu.enqueue_dma source(%dma_start3A_31 : memref<128x128xf32, #tpu.memory_space<vmem_shared>>) target(%arg10 : memref<128x128xf32, #tpu.memory_space<vmem>>) target_semaphore(%run_scoped3A : memref<!tpu.dma_semaphore, #tpu.memory_space<semaphore_mem>>)
      %dma_wait3A = arith.constant 0 : i32
      %dma_wait3A_32 = tpu.memref_slice %arg7[%add3A_26, %dma_wait3A] : memref<10240x128xf32, #tpu.memory_space<vmem_shared>> -> memref<128x128xf32, #tpu.memory_space<vmem_shared>>
      %dma_wait3A_33 = arith.constant 0 : i32
      %dma_wait3A_34 = tpu.memref_slice %arg7[%add3A_26, %dma_wait3A_33] : memref<10240x128xf32, #tpu.memory_space<vmem_shared>> -> memref<128x128xf32, #tpu.memory_space<vmem_shared>>
      tpu.wait_dma2 semaphore(%run_scoped3A : memref<!tpu.dma_semaphore, #tpu.memory_space<semaphore_mem>>) src(%dma_wait3A_34 : memref<128x128xf32, #tpu.memory_space<vmem_shared>>) dst(%arg10 : memref<128x128xf32, #tpu.memory_space<vmem>>)
      tpu.yield
    }) : () -> ()
    "tpu.region"() ({
      %run_scoped3A = tpu.sem_alloc : memref<!tpu.dma_semaphore, #tpu.memory_space<semaphore_mem>>
      %dma_start3A = arith.constant 0 : i32
      %dma_start3A_29 = tpu.memref_slice %arg6[%arg0, %add3A_26, %dma_start3A] : memref<2x10240x128xf32, #tpu.memory_space<hbm>> -> memref<1x128x128xf32, #tpu.memory_space<hbm>>
      %dma_start3A_30 = tpu.memref_squeeze %dma_start3A_29 : memref<1x128x128xf32, #tpu.memory_space<hbm>> -> memref<128x128xf32, #tpu.memory_space<hbm>>
      %dma_start3A_31 = arith.constant 0 : i32
      %dma_start3A_32 = tpu.memref_slice %arg6[%arg0, %add3A_26, %dma_start3A_31] : memref<2x10240x128xf32, #tpu.memory_space<hbm>> -> memref<1x128x128xf32, #tpu.memory_space<hbm>>
      %dma_start3A_33 = tpu.memref_squeeze %dma_start3A_32 : memref<1x128x128xf32, #tpu.memory_space<hbm>> -> memref<128x128xf32, #tpu.memory_space<hbm>>
      tpu.enqueue_dma source(%arg10 : memref<128x128xf32, #tpu.memory_space<vmem>>) target(%dma_start3A_33 : memref<128x128xf32, #tpu.memory_space<hbm>>) target_semaphore(%run_scoped3A : memref<!tpu.dma_semaphore, #tpu.memory_space<semaphore_mem>>)
      %dma_wait3A = arith.constant 0 : i32
      %dma_wait3A_34 = tpu.memref_slice %arg6[%arg0, %add3A_26, %dma_wait3A] : memref<2x10240x128xf32, #tpu.memory_space<hbm>> -> memref<1x128x128xf32, #tpu.memory_space<hbm>>
      %dma_wait3A_35 = tpu.memref_squeeze %dma_wait3A_34 : memref<1x128x128xf32, #tpu.memory_space<hbm>> -> memref<128x128xf32, #tpu.memory_space<hbm>>
      %dma_wait3A_36 = arith.constant 0 : i32
      %dma_wait3A_37 = tpu.memref_slice %arg6[%arg0, %add3A_26, %dma_wait3A_36] : memref<2x10240x128xf32, #tpu.memory_space<hbm>> -> memref<1x128x128xf32, #tpu.memory_space<hbm>>
      %dma_wait3A_38 = tpu.memref_squeeze %dma_wait3A_37 : memref<1x128x128xf32, #tpu.memory_space<hbm>> -> memref<128x128xf32, #tpu.memory_space<hbm>>
      tpu.wait_dma2 semaphore(%run_scoped3A : memref<!tpu.dma_semaphore, #tpu.memory_space<semaphore_mem>>) src(%arg10 : memref<128x128xf32, #tpu.memory_space<vmem>>) dst(%dma_wait3A_38 : memref<128x128xf32, #tpu.memory_space<hbm>>)
      tpu.yield
    }) : () -> ()
    %add3A_27 = arith.constant 512 : i32
    %add3A_28 = arith.addi %mul3A_2, %add3A_27 : i32
    "tpu.region"() ({
      %run_scoped3A = tpu.sem_alloc : memref<!tpu.dma_semaphore, #tpu.memory_space<semaphore_mem>>
      %dma_start3A = arith.constant 0 : i32
      %dma_start3A_29 = tpu.memref_slice %arg7[%add3A_28, %dma_start3A] : memref<10240x128xf32, #tpu.memory_space<vmem_shared>> -> memref<128x128xf32, #tpu.memory_space<vmem_shared>>
      %dma_start3A_30 = arith.constant 0 : i32
      %dma_start3A_31 = tpu.memref_slice %arg7[%add3A_28, %dma_start3A_30] : memref<10240x128xf32, #tpu.memory_space<vmem_shared>> -> memref<128x128xf32, #tpu.memory_space<vmem_shared>>
      tpu.enqueue_dma source(%dma_start3A_31 : memref<128x128xf32, #tpu.memory_space<vmem_shared>>) target(%arg10 : memref<128x128xf32, #tpu.memory_space<vmem>>) target_semaphore(%run_scoped3A : memref<!tpu.dma_semaphore, #tpu.memory_space<semaphore_mem>>)
      %dma_wait3A = arith.constant 0 : i32
      %dma_wait3A_32 = tpu.memref_slice %arg7[%add3A_28, %dma_wait3A] : memref<10240x128xf32, #tpu.memory_space<vmem_shared>> -> memref<128x128xf32, #tpu.memory_space<vmem_shared>>
      %dma_wait3A_33 = arith.constant 0 : i32
      %dma_wait3A_34 = tpu.memref_slice %arg7[%add3A_28, %dma_wait3A_33] : memref<10240x128xf32, #tpu.memory_space<vmem_shared>> -> memref<128x128xf32, #tpu.memory_space<vmem_shared>>
      tpu.wait_dma2 semaphore(%run_scoped3A : memref<!tpu.dma_semaphore, #tpu.memory_space<semaphore_mem>>) src(%dma_wait3A_34 : memref<128x128xf32, #tpu.memory_space<vmem_shared>>) dst(%arg10 : memref<128x128xf32, #tpu.memory_space<vmem>>)
      tpu.yield
    }) : () -> ()
    "tpu.region"() ({
      %run_scoped3A = tpu.sem_alloc : memref<!tpu.dma_semaphore, #tpu.memory_space<semaphore_mem>>
      %dma_start3A = arith.constant 0 : i32
      %dma_start3A_29 = tpu.memref_slice %arg6[%arg0, %add3A_28, %dma_start3A] : memref<2x10240x128xf32, #tpu.memory_space<hbm>> -> memref<1x128x128xf32, #tpu.memory_space<hbm>>
      %dma_start3A_30 = tpu.memref_squeeze %dma_start3A_29 : memref<1x128x128xf32, #tpu.memory_space<hbm>> -> memref<128x128xf32, #tpu.memory_space<hbm>>
      %dma_start3A_31 = arith.constant 0 : i32
      %dma_start3A_32 = tpu.memref_slice %arg6[%arg0, %add3A_28, %dma_start3A_31] : memref<2x10240x128xf32, #tpu.memory_space<hbm>> -> memref<1x128x128xf32, #tpu.memory_space<hbm>>
      %dma_start3A_33 = tpu.memref_squeeze %dma_start3A_32 : memref<1x128x128xf32, #tpu.memory_space<hbm>> -> memref<128x128xf32, #tpu.memory_space<hbm>>
      tpu.enqueue_dma source(%arg10 : memref<128x128xf32, #tpu.memory_space<vmem>>) target(%dma_start3A_33 : memref<128x128xf32, #tpu.memory_space<hbm>>) target_semaphore(%run_scoped3A : memref<!tpu.dma_semaphore, #tpu.memory_space<semaphore_mem>>)
      %dma_wait3A = arith.constant 0 : i32
      %dma_wait3A_34 = tpu.memref_slice %arg6[%arg0, %add3A_28, %dma_wait3A] : memref<2x10240x128xf32, #tpu.memory_space<hbm>> -> memref<1x128x128xf32, #tpu.memory_space<hbm>>
      %dma_wait3A_35 = tpu.memref_squeeze %dma_wait3A_34 : memref<1x128x128xf32, #tpu.memory_space<hbm>> -> memref<128x128xf32, #tpu.memory_space<hbm>>
      %dma_wait3A_36 = arith.constant 0 : i32
      %dma_wait3A_37 = tpu.memref_slice %arg6[%arg0, %add3A_28, %dma_wait3A_36] : memref<2x10240x128xf32, #tpu.memory_space<hbm>> -> memref<1x128x128xf32, #tpu.memory_space<hbm>>
      %dma_wait3A_38 = tpu.memref_squeeze %dma_wait3A_37 : memref<1x128x128xf32, #tpu.memory_space<hbm>> -> memref<128x128xf32, #tpu.memory_space<hbm>>
      tpu.wait_dma2 semaphore(%run_scoped3A : memref<!tpu.dma_semaphore, #tpu.memory_space<semaphore_mem>>) src(%arg10 : memref<128x128xf32, #tpu.memory_space<vmem>>) dst(%dma_wait3A_38 : memref<128x128xf32, #tpu.memory_space<hbm>>)
      tpu.yield
    }) : () -> ()
    return
  }
}

#map = affine_map<(d0, d1) -> (0, 0, 0)>
#map1 = affine_map<(d0, d1) -> (0, 0)>
module attributes {stable_mosaic.version = 14 : i64} {
  func.func @_degree_body(%arg0: i32, %arg1: i32, %arg2: memref<32x40x128xi32, #tpu.memory_space<hbm>>, %arg3: memref<128x128xf32, #tpu.memory_space<hbm>>, %arg4: memref<128x128xf32, #tpu.memory_space<hbm>>, %arg5: memref<2x10240x128xf32, #tpu.memory_space<hbm>>, %arg6: memref<10240x128xf32, #tpu.memory_space<vmem_shared>>, %arg7: memref<128xi32, #tpu.memory_space<vmem>>, %arg8: memref<128x128xf32, #tpu.memory_space<vmem>>) attributes {dimension_semantics = [#tpu.dimension_semantics<core_parallel>, #tpu.dimension_semantics<subcore_parallel>], iteration_bounds = array<i64: 2, 16>, scalar_prefetch = 0 : i64, scratch_operands = 3 : i64, tpu.core_type = #tpu.core_type<sc_vector_subcore>, window_params = [{transform_indices = #map}, {transform_indices = #map1}, {transform_indices = #map1}, {transform_indices = #map}]} {
    %mul3A = arith.constant 2 : i32
    %mul3A_0 = arith.muli %arg1, %mul3A : i32
    %add3A = arith.addi %mul3A_0, %arg0 : i32
    %mul3A_1 = arith.constant 640 : i32
    %mul3A_2 = arith.muli %arg1, %mul3A_1 : i32
    "tpu.region"() ({
      %run_scoped3A = tpu.sem_alloc : memref<!tpu.dma_semaphore, #tpu.memory_space<semaphore_mem>>
      tpu.enqueue_dma source(%arg3 : memref<128x128xf32, #tpu.memory_space<hbm>>) target(%arg8 : memref<128x128xf32, #tpu.memory_space<vmem>>) target_semaphore(%run_scoped3A : memref<!tpu.dma_semaphore, #tpu.memory_space<semaphore_mem>>)
      tpu.wait_dma2 semaphore(%run_scoped3A : memref<!tpu.dma_semaphore, #tpu.memory_space<semaphore_mem>>) src(%arg3 : memref<128x128xf32, #tpu.memory_space<hbm>>) dst(%arg8 : memref<128x128xf32, #tpu.memory_space<vmem>>)
      tpu.yield
    }) : () -> ()
    %add3A_3 = arith.constant 0 : i32
    %add3A_4 = arith.addi %mul3A_2, %add3A_3 : i32
    "tpu.region"() ({
      %run_scoped3A = tpu.sem_alloc : memref<!tpu.dma_semaphore, #tpu.memory_space<semaphore_mem>>
      %dma_start3A = arith.constant 0 : i32
      %dma_start3A_29 = tpu.memref_slice %arg6[%add3A_4, %dma_start3A] : memref<10240x128xf32, #tpu.memory_space<vmem_shared>> -> memref<128x128xf32, #tpu.memory_space<vmem_shared>>
      %dma_start3A_30 = arith.constant 0 : i32
      %dma_start3A_31 = tpu.memref_slice %arg6[%add3A_4, %dma_start3A_30] : memref<10240x128xf32, #tpu.memory_space<vmem_shared>> -> memref<128x128xf32, #tpu.memory_space<vmem_shared>>
      tpu.enqueue_dma source(%arg8 : memref<128x128xf32, #tpu.memory_space<vmem>>) target(%dma_start3A_31 : memref<128x128xf32, #tpu.memory_space<vmem_shared>>) target_semaphore(%run_scoped3A : memref<!tpu.dma_semaphore, #tpu.memory_space<semaphore_mem>>)
      %dma_wait3A = arith.constant 0 : i32
      %dma_wait3A_32 = tpu.memref_slice %arg6[%add3A_4, %dma_wait3A] : memref<10240x128xf32, #tpu.memory_space<vmem_shared>> -> memref<128x128xf32, #tpu.memory_space<vmem_shared>>
      %dma_wait3A_33 = arith.constant 0 : i32
      %dma_wait3A_34 = tpu.memref_slice %arg6[%add3A_4, %dma_wait3A_33] : memref<10240x128xf32, #tpu.memory_space<vmem_shared>> -> memref<128x128xf32, #tpu.memory_space<vmem_shared>>
      tpu.wait_dma2 semaphore(%run_scoped3A : memref<!tpu.dma_semaphore, #tpu.memory_space<semaphore_mem>>) src(%arg8 : memref<128x128xf32, #tpu.memory_space<vmem>>) dst(%dma_wait3A_34 : memref<128x128xf32, #tpu.memory_space<vmem_shared>>)
      tpu.yield
    }) : () -> ()
    %add3A_5 = arith.constant 128 : i32
    %add3A_6 = arith.addi %mul3A_2, %add3A_5 : i32
    "tpu.region"() ({
      %run_scoped3A = tpu.sem_alloc : memref<!tpu.dma_semaphore, #tpu.memory_space<semaphore_mem>>
      %dma_start3A = arith.constant 0 : i32
      %dma_start3A_29 = tpu.memref_slice %arg6[%add3A_6, %dma_start3A] : memref<10240x128xf32, #tpu.memory_space<vmem_shared>> -> memref<128x128xf32, #tpu.memory_space<vmem_shared>>
      %dma_start3A_30 = arith.constant 0 : i32
      %dma_start3A_31 = tpu.memref_slice %arg6[%add3A_6, %dma_start3A_30] : memref<10240x128xf32, #tpu.memory_space<vmem_shared>> -> memref<128x128xf32, #tpu.memory_space<vmem_shared>>
      tpu.enqueue_dma source(%arg8 : memref<128x128xf32, #tpu.memory_space<vmem>>) target(%dma_start3A_31 : memref<128x128xf32, #tpu.memory_space<vmem_shared>>) target_semaphore(%run_scoped3A : memref<!tpu.dma_semaphore, #tpu.memory_space<semaphore_mem>>)
      %dma_wait3A = arith.constant 0 : i32
      %dma_wait3A_32 = tpu.memref_slice %arg6[%add3A_6, %dma_wait3A] : memref<10240x128xf32, #tpu.memory_space<vmem_shared>> -> memref<128x128xf32, #tpu.memory_space<vmem_shared>>
      %dma_wait3A_33 = arith.constant 0 : i32
      %dma_wait3A_34 = tpu.memref_slice %arg6[%add3A_6, %dma_wait3A_33] : memref<10240x128xf32, #tpu.memory_space<vmem_shared>> -> memref<128x128xf32, #tpu.memory_space<vmem_shared>>
      tpu.wait_dma2 semaphore(%run_scoped3A : memref<!tpu.dma_semaphore, #tpu.memory_space<semaphore_mem>>) src(%arg8 : memref<128x128xf32, #tpu.memory_space<vmem>>) dst(%dma_wait3A_34 : memref<128x128xf32, #tpu.memory_space<vmem_shared>>)
      tpu.yield
    }) : () -> ()
    %add3A_7 = arith.constant 256 : i32
    %add3A_8 = arith.addi %mul3A_2, %add3A_7 : i32
    "tpu.region"() ({
      %run_scoped3A = tpu.sem_alloc : memref<!tpu.dma_semaphore, #tpu.memory_space<semaphore_mem>>
      %dma_start3A = arith.constant 0 : i32
      %dma_start3A_29 = tpu.memref_slice %arg6[%add3A_8, %dma_start3A] : memref<10240x128xf32, #tpu.memory_space<vmem_shared>> -> memref<128x128xf32, #tpu.memory_space<vmem_shared>>
      %dma_start3A_30 = arith.constant 0 : i32
      %dma_start3A_31 = tpu.memref_slice %arg6[%add3A_8, %dma_start3A_30] : memref<10240x128xf32, #tpu.memory_space<vmem_shared>> -> memref<128x128xf32, #tpu.memory_space<vmem_shared>>
      tpu.enqueue_dma source(%arg8 : memref<128x128xf32, #tpu.memory_space<vmem>>) target(%dma_start3A_31 : memref<128x128xf32, #tpu.memory_space<vmem_shared>>) target_semaphore(%run_scoped3A : memref<!tpu.dma_semaphore, #tpu.memory_space<semaphore_mem>>)
      %dma_wait3A = arith.constant 0 : i32
      %dma_wait3A_32 = tpu.memref_slice %arg6[%add3A_8, %dma_wait3A] : memref<10240x128xf32, #tpu.memory_space<vmem_shared>> -> memref<128x128xf32, #tpu.memory_space<vmem_shared>>
      %dma_wait3A_33 = arith.constant 0 : i32
      %dma_wait3A_34 = tpu.memref_slice %arg6[%add3A_8, %dma_wait3A_33] : memref<10240x128xf32, #tpu.memory_space<vmem_shared>> -> memref<128x128xf32, #tpu.memory_space<vmem_shared>>
      tpu.wait_dma2 semaphore(%run_scoped3A : memref<!tpu.dma_semaphore, #tpu.memory_space<semaphore_mem>>) src(%arg8 : memref<128x128xf32, #tpu.memory_space<vmem>>) dst(%dma_wait3A_34 : memref<128x128xf32, #tpu.memory_space<vmem_shared>>)
      tpu.yield
    }) : () -> ()
    %add3A_9 = arith.constant 384 : i32
    %add3A_10 = arith.addi %mul3A_2, %add3A_9 : i32
    "tpu.region"() ({
      %run_scoped3A = tpu.sem_alloc : memref<!tpu.dma_semaphore, #tpu.memory_space<semaphore_mem>>
      %dma_start3A = arith.constant 0 : i32
      %dma_start3A_29 = tpu.memref_slice %arg6[%add3A_10, %dma_start3A] : memref<10240x128xf32, #tpu.memory_space<vmem_shared>> -> memref<128x128xf32, #tpu.memory_space<vmem_shared>>
      %dma_start3A_30 = arith.constant 0 : i32
      %dma_start3A_31 = tpu.memref_slice %arg6[%add3A_10, %dma_start3A_30] : memref<10240x128xf32, #tpu.memory_space<vmem_shared>> -> memref<128x128xf32, #tpu.memory_space<vmem_shared>>
      tpu.enqueue_dma source(%arg8 : memref<128x128xf32, #tpu.memory_space<vmem>>) target(%dma_start3A_31 : memref<128x128xf32, #tpu.memory_space<vmem_shared>>) target_semaphore(%run_scoped3A : memref<!tpu.dma_semaphore, #tpu.memory_space<semaphore_mem>>)
      %dma_wait3A = arith.constant 0 : i32
      %dma_wait3A_32 = tpu.memref_slice %arg6[%add3A_10, %dma_wait3A] : memref<10240x128xf32, #tpu.memory_space<vmem_shared>> -> memref<128x128xf32, #tpu.memory_space<vmem_shared>>
      %dma_wait3A_33 = arith.constant 0 : i32
      %dma_wait3A_34 = tpu.memref_slice %arg6[%add3A_10, %dma_wait3A_33] : memref<10240x128xf32, #tpu.memory_space<vmem_shared>> -> memref<128x128xf32, #tpu.memory_space<vmem_shared>>
      tpu.wait_dma2 semaphore(%run_scoped3A : memref<!tpu.dma_semaphore, #tpu.memory_space<semaphore_mem>>) src(%arg8 : memref<128x128xf32, #tpu.memory_space<vmem>>) dst(%dma_wait3A_34 : memref<128x128xf32, #tpu.memory_space<vmem_shared>>)
      tpu.yield
    }) : () -> ()
    %add3A_11 = arith.constant 512 : i32
    %add3A_12 = arith.addi %mul3A_2, %add3A_11 : i32
    "tpu.region"() ({
      %run_scoped3A = tpu.sem_alloc : memref<!tpu.dma_semaphore, #tpu.memory_space<semaphore_mem>>
      %dma_start3A = arith.constant 0 : i32
      %dma_start3A_29 = tpu.memref_slice %arg6[%add3A_12, %dma_start3A] : memref<10240x128xf32, #tpu.memory_space<vmem_shared>> -> memref<128x128xf32, #tpu.memory_space<vmem_shared>>
      %dma_start3A_30 = arith.constant 0 : i32
      %dma_start3A_31 = tpu.memref_slice %arg6[%add3A_12, %dma_start3A_30] : memref<10240x128xf32, #tpu.memory_space<vmem_shared>> -> memref<128x128xf32, #tpu.memory_space<vmem_shared>>
      tpu.enqueue_dma source(%arg8 : memref<128x128xf32, #tpu.memory_space<vmem>>) target(%dma_start3A_31 : memref<128x128xf32, #tpu.memory_space<vmem_shared>>) target_semaphore(%run_scoped3A : memref<!tpu.dma_semaphore, #tpu.memory_space<semaphore_mem>>)
      %dma_wait3A = arith.constant 0 : i32
      %dma_wait3A_32 = tpu.memref_slice %arg6[%add3A_12, %dma_wait3A] : memref<10240x128xf32, #tpu.memory_space<vmem_shared>> -> memref<128x128xf32, #tpu.memory_space<vmem_shared>>
      %dma_wait3A_33 = arith.constant 0 : i32
      %dma_wait3A_34 = tpu.memref_slice %arg6[%add3A_12, %dma_wait3A_33] : memref<10240x128xf32, #tpu.memory_space<vmem_shared>> -> memref<128x128xf32, #tpu.memory_space<vmem_shared>>
      tpu.wait_dma2 semaphore(%run_scoped3A : memref<!tpu.dma_semaphore, #tpu.memory_space<semaphore_mem>>) src(%arg8 : memref<128x128xf32, #tpu.memory_space<vmem>>) dst(%dma_wait3A_34 : memref<128x128xf32, #tpu.memory_space<vmem_shared>>)
      tpu.yield
    }) : () -> ()
    "tpu.region"() ({
      %run_scoped3A = tpu.sem_alloc : memref<!tpu.dma_semaphore, #tpu.memory_space<semaphore_mem>>
      tpu.enqueue_dma source(%arg4 : memref<128x128xf32, #tpu.memory_space<hbm>>) target(%arg8 : memref<128x128xf32, #tpu.memory_space<vmem>>) target_semaphore(%run_scoped3A : memref<!tpu.dma_semaphore, #tpu.memory_space<semaphore_mem>>)
      tpu.wait_dma2 semaphore(%run_scoped3A : memref<!tpu.dma_semaphore, #tpu.memory_space<semaphore_mem>>) src(%arg4 : memref<128x128xf32, #tpu.memory_space<hbm>>) dst(%arg8 : memref<128x128xf32, #tpu.memory_space<vmem>>)
      tpu.yield
    }) : () -> ()
    %barrier3A = arith.constant 0 : index
    tpu.barrier barrier_id(%barrier3A)
    %scan3A = arith.constant 0 : i32
    %scan3A_13 = arith.constant 0 : i32
    %scan3A_14 = arith.constant 40 : i32
    %scan3A_15 = arith.addi %scan3A_13, %scan3A_14 : i32
    %scan3A_16 = arith.constant 1 : i32
    scf.for %scan3A_29 = %scan3A_13 to %scan3A_15 step %scan3A_16  : i32 {
      "tpu.region"() ({
        %run_scoped3A = tpu.sem_alloc : memref<!tpu.dma_semaphore, #tpu.memory_space<semaphore_mem>>
        %dma_start3A = arith.constant 0 : i32
        %dma_start3A_30 = tpu.memref_slice %arg2[%add3A, %scan3A_29, %dma_start3A] : memref<32x40x128xi32, #tpu.memory_space<hbm>> -> memref<1x1x128xi32, #tpu.memory_space<hbm>>
        %dma_start3A_31 = tpu.memref_squeeze %dma_start3A_30 : memref<1x1x128xi32, #tpu.memory_space<hbm>> -> memref<128xi32, #tpu.memory_space<hbm>>
        %dma_start3A_32 = arith.constant 0 : i32
        %dma_start3A_33 = tpu.memref_slice %arg2[%add3A, %scan3A_29, %dma_start3A_32] : memref<32x40x128xi32, #tpu.memory_space<hbm>> -> memref<1x1x128xi32, #tpu.memory_space<hbm>>
        %dma_start3A_34 = tpu.memref_squeeze %dma_start3A_33 : memref<1x1x128xi32, #tpu.memory_space<hbm>> -> memref<128xi32, #tpu.memory_space<hbm>>
        tpu.enqueue_dma source(%dma_start3A_34 : memref<128xi32, #tpu.memory_space<hbm>>) target(%arg7 : memref<128xi32, #tpu.memory_space<vmem>>) target_semaphore(%run_scoped3A : memref<!tpu.dma_semaphore, #tpu.memory_space<semaphore_mem>>)
        %dma_wait3A = arith.constant 0 : i32
        %dma_wait3A_35 = tpu.memref_slice %arg2[%add3A, %scan3A_29, %dma_wait3A] : memref<32x40x128xi32, #tpu.memory_space<hbm>> -> memref<1x1x128xi32, #tpu.memory_space<hbm>>
        %dma_wait3A_36 = tpu.memref_squeeze %dma_wait3A_35 : memref<1x1x128xi32, #tpu.memory_space<hbm>> -> memref<128xi32, #tpu.memory_space<hbm>>
        %dma_wait3A_37 = arith.constant 0 : i32
        %dma_wait3A_38 = tpu.memref_slice %arg2[%add3A, %scan3A_29, %dma_wait3A_37] : memref<32x40x128xi32, #tpu.memory_space<hbm>> -> memref<1x1x128xi32, #tpu.memory_space<hbm>>
        %dma_wait3A_39 = tpu.memref_squeeze %dma_wait3A_38 : memref<1x1x128xi32, #tpu.memory_space<hbm>> -> memref<128xi32, #tpu.memory_space<hbm>>
        tpu.wait_dma2 semaphore(%run_scoped3A : memref<!tpu.dma_semaphore, #tpu.memory_space<semaphore_mem>>) src(%dma_wait3A_39 : memref<128xi32, #tpu.memory_space<hbm>>) dst(%arg7 : memref<128xi32, #tpu.memory_space<vmem>>)
        tpu.yield
      }) : () -> ()
      "tpu.region"() ({
        %run_scoped3A = tpu.sem_alloc : memref<!tpu.dma_semaphore, #tpu.memory_space<semaphore_mem>>
        %dma_start3A = arith.constant 0 : i32
        %dma_start3A_30 = arith.constant 0 : i32
        %dma_start3A_31 = tpu.memref_slice %arg6[%dma_start3A, %dma_start3A_30] : memref<10240x128xf32, #tpu.memory_space<vmem_shared>> -> memref<10240x128xf32, #tpu.memory_space<vmem_shared>>
        tpu.enqueue_indirect_dma source(%arg8 : memref<128x128xf32, #tpu.memory_space<vmem>>) target(%dma_start3A_31 : memref<10240x128xf32, #tpu.memory_space<vmem_shared>>) offsets(%arg7 : memref<128xi32, #tpu.memory_space<vmem>>) semaphore(%run_scoped3A : memref<!tpu.dma_semaphore, #tpu.memory_space<semaphore_mem>>) {add = true}
        %dma_wait3A = arith.constant 0 : i32
        %dma_wait3A_32 = arith.constant 0 : i32
        %dma_wait3A_33 = tpu.memref_slice %arg6[%dma_wait3A, %dma_wait3A_32] : memref<10240x128xf32, #tpu.memory_space<vmem_shared>> -> memref<10240x128xf32, #tpu.memory_space<vmem_shared>>
        tpu.wait_indirect_dma semaphore(%run_scoped3A : memref<!tpu.dma_semaphore, #tpu.memory_space<semaphore_mem>>) src(%arg8 : memref<128x128xf32, #tpu.memory_space<vmem>>) dst(%dma_wait3A_33 : memref<10240x128xf32, #tpu.memory_space<vmem_shared>>)
        tpu.yield
      }) : () -> ()
    }
    %scan3A_17 = arith.constant 40 : i32
    %barrier3A_18 = arith.constant 0 : index
    tpu.barrier barrier_id(%barrier3A_18)
    %add3A_19 = arith.constant 0 : i32
    %add3A_20 = arith.addi %mul3A_2, %add3A_19 : i32
    "tpu.region"() ({
      %run_scoped3A = tpu.sem_alloc : memref<!tpu.dma_semaphore, #tpu.memory_space<semaphore_mem>>
      %dma_start3A = arith.constant 0 : i32
      %dma_start3A_29 = tpu.memref_slice %arg6[%add3A_20, %dma_start3A] : memref<10240x128xf32, #tpu.memory_space<vmem_shared>> -> memref<128x128xf32, #tpu.memory_space<vmem_shared>>
      %dma_start3A_30 = arith.constant 0 : i32
      %dma_start3A_31 = tpu.memref_slice %arg6[%add3A_20, %dma_start3A_30] : memref<10240x128xf32, #tpu.memory_space<vmem_shared>> -> memref<128x128xf32, #tpu.memory_space<vmem_shared>>
      tpu.enqueue_dma source(%dma_start3A_31 : memref<128x128xf32, #tpu.memory_space<vmem_shared>>) target(%arg8 : memref<128x128xf32, #tpu.memory_space<vmem>>) target_semaphore(%run_scoped3A : memref<!tpu.dma_semaphore, #tpu.memory_space<semaphore_mem>>)
      %dma_wait3A = arith.constant 0 : i32
      %dma_wait3A_32 = tpu.memref_slice %arg6[%add3A_20, %dma_wait3A] : memref<10240x128xf32, #tpu.memory_space<vmem_shared>> -> memref<128x128xf32, #tpu.memory_space<vmem_shared>>
      %dma_wait3A_33 = arith.constant 0 : i32
      %dma_wait3A_34 = tpu.memref_slice %arg6[%add3A_20, %dma_wait3A_33] : memref<10240x128xf32, #tpu.memory_space<vmem_shared>> -> memref<128x128xf32, #tpu.memory_space<vmem_shared>>
      tpu.wait_dma2 semaphore(%run_scoped3A : memref<!tpu.dma_semaphore, #tpu.memory_space<semaphore_mem>>) src(%dma_wait3A_34 : memref<128x128xf32, #tpu.memory_space<vmem_shared>>) dst(%arg8 : memref<128x128xf32, #tpu.memory_space<vmem>>)
      tpu.yield
    }) : () -> ()
    "tpu.region"() ({
      %run_scoped3A = tpu.sem_alloc : memref<!tpu.dma_semaphore, #tpu.memory_space<semaphore_mem>>
      %dma_start3A = arith.constant 0 : i32
      %dma_start3A_29 = tpu.memref_slice %arg5[%arg0, %add3A_20, %dma_start3A] : memref<2x10240x128xf32, #tpu.memory_space<hbm>> -> memref<1x128x128xf32, #tpu.memory_space<hbm>>
      %dma_start3A_30 = tpu.memref_squeeze %dma_start3A_29 : memref<1x128x128xf32, #tpu.memory_space<hbm>> -> memref<128x128xf32, #tpu.memory_space<hbm>>
      %dma_start3A_31 = arith.constant 0 : i32
      %dma_start3A_32 = tpu.memref_slice %arg5[%arg0, %add3A_20, %dma_start3A_31] : memref<2x10240x128xf32, #tpu.memory_space<hbm>> -> memref<1x128x128xf32, #tpu.memory_space<hbm>>
      %dma_start3A_33 = tpu.memref_squeeze %dma_start3A_32 : memref<1x128x128xf32, #tpu.memory_space<hbm>> -> memref<128x128xf32, #tpu.memory_space<hbm>>
      tpu.enqueue_dma source(%arg8 : memref<128x128xf32, #tpu.memory_space<vmem>>) target(%dma_start3A_33 : memref<128x128xf32, #tpu.memory_space<hbm>>) target_semaphore(%run_scoped3A : memref<!tpu.dma_semaphore, #tpu.memory_space<semaphore_mem>>)
      %dma_wait3A = arith.constant 0 : i32
      %dma_wait3A_34 = tpu.memref_slice %arg5[%arg0, %add3A_20, %dma_wait3A] : memref<2x10240x128xf32, #tpu.memory_space<hbm>> -> memref<1x128x128xf32, #tpu.memory_space<hbm>>
      %dma_wait3A_35 = tpu.memref_squeeze %dma_wait3A_34 : memref<1x128x128xf32, #tpu.memory_space<hbm>> -> memref<128x128xf32, #tpu.memory_space<hbm>>
      %dma_wait3A_36 = arith.constant 0 : i32
      %dma_wait3A_37 = tpu.memref_slice %arg5[%arg0, %add3A_20, %dma_wait3A_36] : memref<2x10240x128xf32, #tpu.memory_space<hbm>> -> memref<1x128x128xf32, #tpu.memory_space<hbm>>
      %dma_wait3A_38 = tpu.memref_squeeze %dma_wait3A_37 : memref<1x128x128xf32, #tpu.memory_space<hbm>> -> memref<128x128xf32, #tpu.memory_space<hbm>>
      tpu.wait_dma2 semaphore(%run_scoped3A : memref<!tpu.dma_semaphore, #tpu.memory_space<semaphore_mem>>) src(%arg8 : memref<128x128xf32, #tpu.memory_space<vmem>>) dst(%dma_wait3A_38 : memref<128x128xf32, #tpu.memory_space<hbm>>)
      tpu.yield
    }) : () -> ()
    %add3A_21 = arith.constant 128 : i32
    %add3A_22 = arith.addi %mul3A_2, %add3A_21 : i32
    "tpu.region"() ({
      %run_scoped3A = tpu.sem_alloc : memref<!tpu.dma_semaphore, #tpu.memory_space<semaphore_mem>>
      %dma_start3A = arith.constant 0 : i32
      %dma_start3A_29 = tpu.memref_slice %arg6[%add3A_22, %dma_start3A] : memref<10240x128xf32, #tpu.memory_space<vmem_shared>> -> memref<128x128xf32, #tpu.memory_space<vmem_shared>>
      %dma_start3A_30 = arith.constant 0 : i32
      %dma_start3A_31 = tpu.memref_slice %arg6[%add3A_22, %dma_start3A_30] : memref<10240x128xf32, #tpu.memory_space<vmem_shared>> -> memref<128x128xf32, #tpu.memory_space<vmem_shared>>
      tpu.enqueue_dma source(%dma_start3A_31 : memref<128x128xf32, #tpu.memory_space<vmem_shared>>) target(%arg8 : memref<128x128xf32, #tpu.memory_space<vmem>>) target_semaphore(%run_scoped3A : memref<!tpu.dma_semaphore, #tpu.memory_space<semaphore_mem>>)
      %dma_wait3A = arith.constant 0 : i32
      %dma_wait3A_32 = tpu.memref_slice %arg6[%add3A_22, %dma_wait3A] : memref<10240x128xf32, #tpu.memory_space<vmem_shared>> -> memref<128x128xf32, #tpu.memory_space<vmem_shared>>
      %dma_wait3A_33 = arith.constant 0 : i32
      %dma_wait3A_34 = tpu.memref_slice %arg6[%add3A_22, %dma_wait3A_33] : memref<10240x128xf32, #tpu.memory_space<vmem_shared>> -> memref<128x128xf32, #tpu.memory_space<vmem_shared>>
      tpu.wait_dma2 semaphore(%run_scoped3A : memref<!tpu.dma_semaphore, #tpu.memory_space<semaphore_mem>>) src(%dma_wait3A_34 : memref<128x128xf32, #tpu.memory_space<vmem_shared>>) dst(%arg8 : memref<128x128xf32, #tpu.memory_space<vmem>>)
      tpu.yield
    }) : () -> ()
    "tpu.region"() ({
      %run_scoped3A = tpu.sem_alloc : memref<!tpu.dma_semaphore, #tpu.memory_space<semaphore_mem>>
      %dma_start3A = arith.constant 0 : i32
      %dma_start3A_29 = tpu.memref_slice %arg5[%arg0, %add3A_22, %dma_start3A] : memref<2x10240x128xf32, #tpu.memory_space<hbm>> -> memref<1x128x128xf32, #tpu.memory_space<hbm>>
      %dma_start3A_30 = tpu.memref_squeeze %dma_start3A_29 : memref<1x128x128xf32, #tpu.memory_space<hbm>> -> memref<128x128xf32, #tpu.memory_space<hbm>>
      %dma_start3A_31 = arith.constant 0 : i32
      %dma_start3A_32 = tpu.memref_slice %arg5[%arg0, %add3A_22, %dma_start3A_31] : memref<2x10240x128xf32, #tpu.memory_space<hbm>> -> memref<1x128x128xf32, #tpu.memory_space<hbm>>
      %dma_start3A_33 = tpu.memref_squeeze %dma_start3A_32 : memref<1x128x128xf32, #tpu.memory_space<hbm>> -> memref<128x128xf32, #tpu.memory_space<hbm>>
      tpu.enqueue_dma source(%arg8 : memref<128x128xf32, #tpu.memory_space<vmem>>) target(%dma_start3A_33 : memref<128x128xf32, #tpu.memory_space<hbm>>) target_semaphore(%run_scoped3A : memref<!tpu.dma_semaphore, #tpu.memory_space<semaphore_mem>>)
      %dma_wait3A = arith.constant 0 : i32
      %dma_wait3A_34 = tpu.memref_slice %arg5[%arg0, %add3A_22, %dma_wait3A] : memref<2x10240x128xf32, #tpu.memory_space<hbm>> -> memref<1x128x128xf32, #tpu.memory_space<hbm>>
      %dma_wait3A_35 = tpu.memref_squeeze %dma_wait3A_34 : memref<1x128x128xf32, #tpu.memory_space<hbm>> -> memref<128x128xf32, #tpu.memory_space<hbm>>
      %dma_wait3A_36 = arith.constant 0 : i32
      %dma_wait3A_37 = tpu.memref_slice %arg5[%arg0, %add3A_22, %dma_wait3A_36] : memref<2x10240x128xf32, #tpu.memory_space<hbm>> -> memref<1x128x128xf32, #tpu.memory_space<hbm>>
      %dma_wait3A_38 = tpu.memref_squeeze %dma_wait3A_37 : memref<1x128x128xf32, #tpu.memory_space<hbm>> -> memref<128x128xf32, #tpu.memory_space<hbm>>
      tpu.wait_dma2 semaphore(%run_scoped3A : memref<!tpu.dma_semaphore, #tpu.memory_space<semaphore_mem>>) src(%arg8 : memref<128x128xf32, #tpu.memory_space<vmem>>) dst(%dma_wait3A_38 : memref<128x128xf32, #tpu.memory_space<hbm>>)
      tpu.yield
    }) : () -> ()
    %add3A_23 = arith.constant 256 : i32
    %add3A_24 = arith.addi %mul3A_2, %add3A_23 : i32
    "tpu.region"() ({
      %run_scoped3A = tpu.sem_alloc : memref<!tpu.dma_semaphore, #tpu.memory_space<semaphore_mem>>
      %dma_start3A = arith.constant 0 : i32
      %dma_start3A_29 = tpu.memref_slice %arg6[%add3A_24, %dma_start3A] : memref<10240x128xf32, #tpu.memory_space<vmem_shared>> -> memref<128x128xf32, #tpu.memory_space<vmem_shared>>
      %dma_start3A_30 = arith.constant 0 : i32
      %dma_start3A_31 = tpu.memref_slice %arg6[%add3A_24, %dma_start3A_30] : memref<10240x128xf32, #tpu.memory_space<vmem_shared>> -> memref<128x128xf32, #tpu.memory_space<vmem_shared>>
      tpu.enqueue_dma source(%dma_start3A_31 : memref<128x128xf32, #tpu.memory_space<vmem_shared>>) target(%arg8 : memref<128x128xf32, #tpu.memory_space<vmem>>) target_semaphore(%run_scoped3A : memref<!tpu.dma_semaphore, #tpu.memory_space<semaphore_mem>>)
      %dma_wait3A = arith.constant 0 : i32
      %dma_wait3A_32 = tpu.memref_slice %arg6[%add3A_24, %dma_wait3A] : memref<10240x128xf32, #tpu.memory_space<vmem_shared>> -> memref<128x128xf32, #tpu.memory_space<vmem_shared>>
      %dma_wait3A_33 = arith.constant 0 : i32
      %dma_wait3A_34 = tpu.memref_slice %arg6[%add3A_24, %dma_wait3A_33] : memref<10240x128xf32, #tpu.memory_space<vmem_shared>> -> memref<128x128xf32, #tpu.memory_space<vmem_shared>>
      tpu.wait_dma2 semaphore(%run_scoped3A : memref<!tpu.dma_semaphore, #tpu.memory_space<semaphore_mem>>) src(%dma_wait3A_34 : memref<128x128xf32, #tpu.memory_space<vmem_shared>>) dst(%arg8 : memref<128x128xf32, #tpu.memory_space<vmem>>)
      tpu.yield
    }) : () -> ()
    "tpu.region"() ({
      %run_scoped3A = tpu.sem_alloc : memref<!tpu.dma_semaphore, #tpu.memory_space<semaphore_mem>>
      %dma_start3A = arith.constant 0 : i32
      %dma_start3A_29 = tpu.memref_slice %arg5[%arg0, %add3A_24, %dma_start3A] : memref<2x10240x128xf32, #tpu.memory_space<hbm>> -> memref<1x128x128xf32, #tpu.memory_space<hbm>>
      %dma_start3A_30 = tpu.memref_squeeze %dma_start3A_29 : memref<1x128x128xf32, #tpu.memory_space<hbm>> -> memref<128x128xf32, #tpu.memory_space<hbm>>
      %dma_start3A_31 = arith.constant 0 : i32
      %dma_start3A_32 = tpu.memref_slice %arg5[%arg0, %add3A_24, %dma_start3A_31] : memref<2x10240x128xf32, #tpu.memory_space<hbm>> -> memref<1x128x128xf32, #tpu.memory_space<hbm>>
      %dma_start3A_33 = tpu.memref_squeeze %dma_start3A_32 : memref<1x128x128xf32, #tpu.memory_space<hbm>> -> memref<128x128xf32, #tpu.memory_space<hbm>>
      tpu.enqueue_dma source(%arg8 : memref<128x128xf32, #tpu.memory_space<vmem>>) target(%dma_start3A_33 : memref<128x128xf32, #tpu.memory_space<hbm>>) target_semaphore(%run_scoped3A : memref<!tpu.dma_semaphore, #tpu.memory_space<semaphore_mem>>)
      %dma_wait3A = arith.constant 0 : i32
      %dma_wait3A_34 = tpu.memref_slice %arg5[%arg0, %add3A_24, %dma_wait3A] : memref<2x10240x128xf32, #tpu.memory_space<hbm>> -> memref<1x128x128xf32, #tpu.memory_space<hbm>>
      %dma_wait3A_35 = tpu.memref_squeeze %dma_wait3A_34 : memref<1x128x128xf32, #tpu.memory_space<hbm>> -> memref<128x128xf32, #tpu.memory_space<hbm>>
      %dma_wait3A_36 = arith.constant 0 : i32
      %dma_wait3A_37 = tpu.memref_slice %arg5[%arg0, %add3A_24, %dma_wait3A_36] : memref<2x10240x128xf32, #tpu.memory_space<hbm>> -> memref<1x128x128xf32, #tpu.memory_space<hbm>>
      %dma_wait3A_38 = tpu.memref_squeeze %dma_wait3A_37 : memref<1x128x128xf32, #tpu.memory_space<hbm>> -> memref<128x128xf32, #tpu.memory_space<hbm>>
      tpu.wait_dma2 semaphore(%run_scoped3A : memref<!tpu.dma_semaphore, #tpu.memory_space<semaphore_mem>>) src(%arg8 : memref<128x128xf32, #tpu.memory_space<vmem>>) dst(%dma_wait3A_38 : memref<128x128xf32, #tpu.memory_space<hbm>>)
      tpu.yield
    }) : () -> ()
    %add3A_25 = arith.constant 384 : i32
    %add3A_26 = arith.addi %mul3A_2, %add3A_25 : i32
    "tpu.region"() ({
      %run_scoped3A = tpu.sem_alloc : memref<!tpu.dma_semaphore, #tpu.memory_space<semaphore_mem>>
      %dma_start3A = arith.constant 0 : i32
      %dma_start3A_29 = tpu.memref_slice %arg6[%add3A_26, %dma_start3A] : memref<10240x128xf32, #tpu.memory_space<vmem_shared>> -> memref<128x128xf32, #tpu.memory_space<vmem_shared>>
      %dma_start3A_30 = arith.constant 0 : i32
      %dma_start3A_31 = tpu.memref_slice %arg6[%add3A_26, %dma_start3A_30] : memref<10240x128xf32, #tpu.memory_space<vmem_shared>> -> memref<128x128xf32, #tpu.memory_space<vmem_shared>>
      tpu.enqueue_dma source(%dma_start3A_31 : memref<128x128xf32, #tpu.memory_space<vmem_shared>>) target(%arg8 : memref<128x128xf32, #tpu.memory_space<vmem>>) target_semaphore(%run_scoped3A : memref<!tpu.dma_semaphore, #tpu.memory_space<semaphore_mem>>)
      %dma_wait3A = arith.constant 0 : i32
      %dma_wait3A_32 = tpu.memref_slice %arg6[%add3A_26, %dma_wait3A] : memref<10240x128xf32, #tpu.memory_space<vmem_shared>> -> memref<128x128xf32, #tpu.memory_space<vmem_shared>>
      %dma_wait3A_33 = arith.constant 0 : i32
      %dma_wait3A_34 = tpu.memref_slice %arg6[%add3A_26, %dma_wait3A_33] : memref<10240x128xf32, #tpu.memory_space<vmem_shared>> -> memref<128x128xf32, #tpu.memory_space<vmem_shared>>
      tpu.wait_dma2 semaphore(%run_scoped3A : memref<!tpu.dma_semaphore, #tpu.memory_space<semaphore_mem>>) src(%dma_wait3A_34 : memref<128x128xf32, #tpu.memory_space<vmem_shared>>) dst(%arg8 : memref<128x128xf32, #tpu.memory_space<vmem>>)
      tpu.yield
    }) : () -> ()
    "tpu.region"() ({
      %run_scoped3A = tpu.sem_alloc : memref<!tpu.dma_semaphore, #tpu.memory_space<semaphore_mem>>
      %dma_start3A = arith.constant 0 : i32
      %dma_start3A_29 = tpu.memref_slice %arg5[%arg0, %add3A_26, %dma_start3A] : memref<2x10240x128xf32, #tpu.memory_space<hbm>> -> memref<1x128x128xf32, #tpu.memory_space<hbm>>
      %dma_start3A_30 = tpu.memref_squeeze %dma_start3A_29 : memref<1x128x128xf32, #tpu.memory_space<hbm>> -> memref<128x128xf32, #tpu.memory_space<hbm>>
      %dma_start3A_31 = arith.constant 0 : i32
      %dma_start3A_32 = tpu.memref_slice %arg5[%arg0, %add3A_26, %dma_start3A_31] : memref<2x10240x128xf32, #tpu.memory_space<hbm>> -> memref<1x128x128xf32, #tpu.memory_space<hbm>>
      %dma_start3A_33 = tpu.memref_squeeze %dma_start3A_32 : memref<1x128x128xf32, #tpu.memory_space<hbm>> -> memref<128x128xf32, #tpu.memory_space<hbm>>
      tpu.enqueue_dma source(%arg8 : memref<128x128xf32, #tpu.memory_space<vmem>>) target(%dma_start3A_33 : memref<128x128xf32, #tpu.memory_space<hbm>>) target_semaphore(%run_scoped3A : memref<!tpu.dma_semaphore, #tpu.memory_space<semaphore_mem>>)
      %dma_wait3A = arith.constant 0 : i32
      %dma_wait3A_34 = tpu.memref_slice %arg5[%arg0, %add3A_26, %dma_wait3A] : memref<2x10240x128xf32, #tpu.memory_space<hbm>> -> memref<1x128x128xf32, #tpu.memory_space<hbm>>
      %dma_wait3A_35 = tpu.memref_squeeze %dma_wait3A_34 : memref<1x128x128xf32, #tpu.memory_space<hbm>> -> memref<128x128xf32, #tpu.memory_space<hbm>>
      %dma_wait3A_36 = arith.constant 0 : i32
      %dma_wait3A_37 = tpu.memref_slice %arg5[%arg0, %add3A_26, %dma_wait3A_36] : memref<2x10240x128xf32, #tpu.memory_space<hbm>> -> memref<1x128x128xf32, #tpu.memory_space<hbm>>
      %dma_wait3A_38 = tpu.memref_squeeze %dma_wait3A_37 : memref<1x128x128xf32, #tpu.memory_space<hbm>> -> memref<128x128xf32, #tpu.memory_space<hbm>>
      tpu.wait_dma2 semaphore(%run_scoped3A : memref<!tpu.dma_semaphore, #tpu.memory_space<semaphore_mem>>) src(%arg8 : memref<128x128xf32, #tpu.memory_space<vmem>>) dst(%dma_wait3A_38 : memref<128x128xf32, #tpu.memory_space<hbm>>)
      tpu.yield
    }) : () -> ()
    %add3A_27 = arith.constant 512 : i32
    %add3A_28 = arith.addi %mul3A_2, %add3A_27 : i32
    "tpu.region"() ({
      %run_scoped3A = tpu.sem_alloc : memref<!tpu.dma_semaphore, #tpu.memory_space<semaphore_mem>>
      %dma_start3A = arith.constant 0 : i32
      %dma_start3A_29 = tpu.memref_slice %arg6[%add3A_28, %dma_start3A] : memref<10240x128xf32, #tpu.memory_space<vmem_shared>> -> memref<128x128xf32, #tpu.memory_space<vmem_shared>>
      %dma_start3A_30 = arith.constant 0 : i32
      %dma_start3A_31 = tpu.memref_slice %arg6[%add3A_28, %dma_start3A_30] : memref<10240x128xf32, #tpu.memory_space<vmem_shared>> -> memref<128x128xf32, #tpu.memory_space<vmem_shared>>
      tpu.enqueue_dma source(%dma_start3A_31 : memref<128x128xf32, #tpu.memory_space<vmem_shared>>) target(%arg8 : memref<128x128xf32, #tpu.memory_space<vmem>>) target_semaphore(%run_scoped3A : memref<!tpu.dma_semaphore, #tpu.memory_space<semaphore_mem>>)
      %dma_wait3A = arith.constant 0 : i32
      %dma_wait3A_32 = tpu.memref_slice %arg6[%add3A_28, %dma_wait3A] : memref<10240x128xf32, #tpu.memory_space<vmem_shared>> -> memref<128x128xf32, #tpu.memory_space<vmem_shared>>
      %dma_wait3A_33 = arith.constant 0 : i32
      %dma_wait3A_34 = tpu.memref_slice %arg6[%add3A_28, %dma_wait3A_33] : memref<10240x128xf32, #tpu.memory_space<vmem_shared>> -> memref<128x128xf32, #tpu.memory_space<vmem_shared>>
      tpu.wait_dma2 semaphore(%run_scoped3A : memref<!tpu.dma_semaphore, #tpu.memory_space<semaphore_mem>>) src(%dma_wait3A_34 : memref<128x128xf32, #tpu.memory_space<vmem_shared>>) dst(%arg8 : memref<128x128xf32, #tpu.memory_space<vmem>>)
      tpu.yield
    }) : () -> ()
    "tpu.region"() ({
      %run_scoped3A = tpu.sem_alloc : memref<!tpu.dma_semaphore, #tpu.memory_space<semaphore_mem>>
      %dma_start3A = arith.constant 0 : i32
      %dma_start3A_29 = tpu.memref_slice %arg5[%arg0, %add3A_28, %dma_start3A] : memref<2x10240x128xf32, #tpu.memory_space<hbm>> -> memref<1x128x128xf32, #tpu.memory_space<hbm>>
      %dma_start3A_30 = tpu.memref_squeeze %dma_start3A_29 : memref<1x128x128xf32, #tpu.memory_space<hbm>> -> memref<128x128xf32, #tpu.memory_space<hbm>>
      %dma_start3A_31 = arith.constant 0 : i32
      %dma_start3A_32 = tpu.memref_slice %arg5[%arg0, %add3A_28, %dma_start3A_31] : memref<2x10240x128xf32, #tpu.memory_space<hbm>> -> memref<1x128x128xf32, #tpu.memory_space<hbm>>
      %dma_start3A_33 = tpu.memref_squeeze %dma_start3A_32 : memref<1x128x128xf32, #tpu.memory_space<hbm>> -> memref<128x128xf32, #tpu.memory_space<hbm>>
      tpu.enqueue_dma source(%arg8 : memref<128x128xf32, #tpu.memory_space<vmem>>) target(%dma_start3A_33 : memref<128x128xf32, #tpu.memory_space<hbm>>) target_semaphore(%run_scoped3A : memref<!tpu.dma_semaphore, #tpu.memory_space<semaphore_mem>>)
      %dma_wait3A = arith.constant 0 : i32
      %dma_wait3A_34 = tpu.memref_slice %arg5[%arg0, %add3A_28, %dma_wait3A] : memref<2x10240x128xf32, #tpu.memory_space<hbm>> -> memref<1x128x128xf32, #tpu.memory_space<hbm>>
      %dma_wait3A_35 = tpu.memref_squeeze %dma_wait3A_34 : memref<1x128x128xf32, #tpu.memory_space<hbm>> -> memref<128x128xf32, #tpu.memory_space<hbm>>
      %dma_wait3A_36 = arith.constant 0 : i32
      %dma_wait3A_37 = tpu.memref_slice %arg5[%arg0, %add3A_28, %dma_wait3A_36] : memref<2x10240x128xf32, #tpu.memory_space<hbm>> -> memref<1x128x128xf32, #tpu.memory_space<hbm>>
      %dma_wait3A_38 = tpu.memref_squeeze %dma_wait3A_37 : memref<1x128x128xf32, #tpu.memory_space<hbm>> -> memref<128x128xf32, #tpu.memory_space<hbm>>
      tpu.wait_dma2 semaphore(%run_scoped3A : memref<!tpu.dma_semaphore, #tpu.memory_space<semaphore_mem>>) src(%arg8 : memref<128x128xf32, #tpu.memory_space<vmem>>) dst(%dma_wait3A_38 : memref<128x128xf32, #tpu.memory_space<hbm>>)
      tpu.yield
    }) : () -> ()
    return
  }
}

module attributes {stable_mosaic.version = 14 : i64} {
  func.func @_project_body(%arg0: i32, %arg1: i32, %arg2: memref<1000x128xf32, #tpu.memory_space<vmem>>, %arg3: memref<4x128x128xf32, #tpu.memory_space<vmem>>, %arg4: memref<20x4xf32, #tpu.memory_space<smem>>, %arg5: memref<128x128xf32, #tpu.memory_space<vmem>>, %arg6: memref<1000x128xf32, #tpu.memory_space<vmem>>) attributes {dimension_semantics = [#tpu.dimension_semantics<arbitrary>, #tpu.dimension_semantics<arbitrary>], iteration_bounds = array<i64: 21, 10>, scalar_prefetch = 0 : i64, scratch_operands = 0 : i64, tpu.core_type = #tpu.core_type<tc>, window_params = [{transform_indices = @transform_0, window_bounds = array<i64: 1000, 128>}, {pipeline_mode = #tpu.pipeline_mode<synchronous>, transform_indices = @transform_1, window_bounds = array<i64: 4, 128, 128>}, {transform_indices = @transform_2, window_bounds = array<i64: 20, 4>}, {pipeline_mode = #tpu.pipeline_mode<synchronous>, transform_indices = @transform_3, window_bounds = array<i64: 128, 128>}, {transform_indices = @transform_4, window_bounds = array<i64: 1000, 128>}]} {
    %lt3A = arith.constant 20 : i32
    %lt3A_0 = arith.cmpi slt, %arg0, %lt3A : i32
    %convert_element_type3A = arith.extui %lt3A_0 : i1 to i32
    %cond3A = arith.constant 0 : i32
    %cond3A_1 = arith.cmpi ne, %convert_element_type3A, %cond3A : i32
    scf.if %cond3A_1 {
      %get3A = arith.index_cast %arg0 : i32 to index
      %get3A_6 = arith.constant 0 : index
      %get3A_7 = memref.load %arg4[%get3A, %get3A_6] : memref<20x4xf32, #tpu.memory_space<smem>>
      %get3A_8 = arith.constant 0 : index
      %get3A_9 = arith.constant 0 : index
      %get3A_10 = arith.constant 0 : index
      %get3A_11 = vector.load %arg3[%get3A_8, %get3A_9, %get3A_10] : memref<4x128x128xf32, #tpu.memory_space<vmem>>, vector<1x128x128xf32>
      %get3A_12 = vector.shape_cast %get3A_11 : vector<1x128x128xf32> to vector<128x128xf32>
      %mul3A = vector.broadcast %get3A_7 : f32 to vector<128x128xf32>
      %mul3A_13 = arith.mulf %mul3A, %get3A_12 : vector<128x128xf32>
      %get3A_14 = arith.index_cast %arg0 : i32 to index
      %get3A_15 = arith.constant 1 : index
      %get3A_16 = memref.load %arg4[%get3A_14, %get3A_15] : memref<20x4xf32, #tpu.memory_space<smem>>
      %get3A_17 = arith.constant 1 : index
      %get3A_18 = arith.constant 0 : index
      %get3A_19 = arith.constant 0 : index
      %get3A_20 = vector.load %arg3[%get3A_17, %get3A_18, %get3A_19] : memref<4x128x128xf32, #tpu.memory_space<vmem>>, vector<1x128x128xf32>
      %get3A_21 = vector.shape_cast %get3A_20 : vector<1x128x128xf32> to vector<128x128xf32>
      %mul3A_22 = vector.broadcast %get3A_16 : f32 to vector<128x128xf32>
      %mul3A_23 = arith.mulf %mul3A_22, %get3A_21 : vector<128x128xf32>
      %add3A = arith.addf %mul3A_13, %mul3A_23 : vector<128x128xf32>
      %get3A_24 = arith.index_cast %arg0 : i32 to index
      %get3A_25 = arith.constant 2 : index
      %get3A_26 = memref.load %arg4[%get3A_24, %get3A_25] : memref<20x4xf32, #tpu.memory_space<smem>>
      %get3A_27 = arith.constant 2 : index
      %get3A_28 = arith.constant 0 : index
      %get3A_29 = arith.constant 0 : index
      %get3A_30 = vector.load %arg3[%get3A_27, %get3A_28, %get3A_29] : memref<4x128x128xf32, #tpu.memory_space<vmem>>, vector<1x128x128xf32>
      %get3A_31 = vector.shape_cast %get3A_30 : vector<1x128x128xf32> to vector<128x128xf32>
      %mul3A_32 = vector.broadcast %get3A_26 : f32 to vector<128x128xf32>
      %mul3A_33 = arith.mulf %mul3A_32, %get3A_31 : vector<128x128xf32>
      %add3A_34 = arith.addf %add3A, %mul3A_33 : vector<128x128xf32>
      %get3A_35 = arith.index_cast %arg0 : i32 to index
      %get3A_36 = arith.constant 3 : index
      %get3A_37 = memref.load %arg4[%get3A_35, %get3A_36] : memref<20x4xf32, #tpu.memory_space<smem>>
      %get3A_38 = arith.constant 3 : index
      %get3A_39 = arith.constant 0 : index
      %get3A_40 = arith.constant 0 : index
      %get3A_41 = vector.load %arg3[%get3A_38, %get3A_39, %get3A_40] : memref<4x128x128xf32, #tpu.memory_space<vmem>>, vector<1x128x128xf32>
      %get3A_42 = vector.shape_cast %get3A_41 : vector<1x128x128xf32> to vector<128x128xf32>
      %mul3A_43 = vector.broadcast %get3A_37 : f32 to vector<128x128xf32>
      %mul3A_44 = arith.mulf %mul3A_43, %get3A_42 : vector<128x128xf32>
      %add3A_45 = arith.addf %add3A_34, %mul3A_44 : vector<128x128xf32>
      %get3A_46 = arith.constant 0 : index
      %get3A_47 = arith.constant 0 : index
      %get3A_48 = vector.load %arg2[%get3A_46, %get3A_47] : memref<1000x128xf32, #tpu.memory_space<vmem>>, vector<1000x128xf32>
      %dot_general3A = arith.constant dense<0.000000e+00> : vector<1000x128xf32>
      %dot_general3A_49 = tpu.matmul %get3A_48, %add3A_45, %dot_general3A {dimension_numbers = #tpu.dot_dimension_numbers<[1], [0], [0], [1], [0, 0, 1, 1], [], []>, transpose_lhs_hint = false} : vector<1000x128xf32>, vector<128x128xf32>, vector<1000x128xf32> -> vector<1000x128xf32>
      %swap3A = arith.constant 0 : index
      %swap3A_50 = arith.constant 0 : index
      %swap3A_51 = vector.load %arg6[%swap3A, %swap3A_50] : memref<1000x128xf32, #tpu.memory_space<vmem>>, vector<1000x128xf32>
      tpu.vector_store %arg6[%swap3A, %swap3A_50], %dot_general3A_49 {strides = array<i32>} : memref<1000x128xf32, #tpu.memory_space<vmem>>, vector<1000x128xf32>,
    } else {
    }
    %eq3A = arith.constant 20 : i32
    %eq3A_2 = arith.cmpi eq, %arg0, %eq3A : i32
    %convert_element_type3A_3 = arith.extui %eq3A_2 : i1 to i32
    %cond3A_4 = arith.constant 0 : i32
    %cond3A_5 = arith.cmpi ne, %convert_element_type3A_3, %cond3A_4 : i32
    scf.if %cond3A_5 {
      %get3A = arith.constant 0 : index
      %get3A_6 = arith.constant 0 : index
      %get3A_7 = vector.load %arg2[%get3A, %get3A_6] : memref<1000x128xf32, #tpu.memory_space<vmem>>, vector<1000x128xf32>
      %get3A_8 = arith.constant 0 : index
      %get3A_9 = arith.constant 0 : index
      %get3A_10 = vector.load %arg5[%get3A_8, %get3A_9] : memref<128x128xf32, #tpu.memory_space<vmem>>, vector<128x128xf32>
      %dot_general3A = arith.constant dense<0.000000e+00> : vector<1000x128xf32>
      %dot_general3A_11 = tpu.matmul %get3A_7, %get3A_10, %dot_general3A {dimension_numbers = #tpu.dot_dimension_numbers<[1], [0], [0], [1], [0, 0, 1, 1], [], []>, transpose_lhs_hint = false} : vector<1000x128xf32>, vector<128x128xf32>, vector<1000x128xf32> -> vector<1000x128xf32>
      %swap3A = arith.constant 0 : index
      %swap3A_12 = arith.constant 0 : index
      %swap3A_13 = vector.load %arg6[%swap3A, %swap3A_12] : memref<1000x128xf32, #tpu.memory_space<vmem>>, vector<1000x128xf32>
      tpu.vector_store %arg6[%swap3A, %swap3A_12], %dot_general3A_11 {strides = array<i32>} : memref<1000x128xf32, #tpu.memory_space<vmem>>, vector<1000x128xf32>,
    } else {
    }
    return
  }
  func.func @transform_0(%arg0: i32, %arg1: i32) -> (i32, i32) {
    %c0_i32 = arith.constant 0 : i32
    %c0_i32_0 = arith.constant 0 : i32
    return %arg1, %c0_i32 : i32, i32
  }
  func.func @transform_1(%arg0: i32, %arg1: i32) -> (i32, i32, i32) {
    %c0_i32 = arith.constant 0 : i32
    %c0_i32_0 = arith.constant 0 : i32
    %c0_i32_1 = arith.constant 0 : i32
    %c0_i32_2 = arith.constant 0 : i32
    return %c0_i32, %c0_i32_0, %c0_i32_1 : i32, i32, i32
  }
  func.func @transform_2(%arg0: i32, %arg1: i32) -> (i32, i32) {
    %c0_i32 = arith.constant 0 : i32
    %c0_i32_0 = arith.constant 0 : i32
    %c0_i32_1 = arith.constant 0 : i32
    return %c0_i32, %c0_i32_0 : i32, i32
  }
  func.func @transform_3(%arg0: i32, %arg1: i32) -> (i32, i32) {
    %c0_i32 = arith.constant 0 : i32
    %c0_i32_0 = arith.constant 0 : i32
    %c0_i32_1 = arith.constant 0 : i32
    return %c0_i32, %c0_i32_0 : i32, i32
  }
  func.func @transform_4(%arg0: i32, %arg1: i32) -> (i32, i32) {
    %mul3A = arith.constant 10 : i32
    %mul3A_0 = arith.muli %arg0, %mul3A : i32
    %add3A = arith.addi %mul3A_0, %arg1 : i32
    %c0_i32 = arith.constant 0 : i32
    %c0_i32_1 = arith.constant 0 : i32
    return %add3A, %c0_i32 : i32, i32
  }
}

module attributes {stable_mosaic.version = 14 : i64} {
  func.func @_combine_body(%arg0: i32, %arg1: memref<2x1000x128xf32, #tpu.memory_space<vmem>>, %arg2: memref<2x1000x128xf32, #tpu.memory_space<vmem>>, %arg3: memref<1000x128xf32, #tpu.memory_space<vmem>>, %arg4: memref<1000x128xf32, #tpu.memory_space<vmem>>) attributes {dimension_semantics = [#tpu.dimension_semantics<arbitrary>], iteration_bounds = array<i64: 10>, scalar_prefetch = 0 : i64, scratch_operands = 0 : i64, tpu.core_type = #tpu.core_type<tc>, window_params = [{transform_indices = @transform_0, window_bounds = array<i64: 2, 1000, 128>}, {transform_indices = @transform_1, window_bounds = array<i64: 2, 1000, 128>}, {transform_indices = @transform_2, window_bounds = array<i64: 1000, 128>}, {transform_indices = @transform_3, window_bounds = array<i64: 1000, 128>}]} {
    %get3A = arith.constant 0 : index
    %get3A_0 = arith.constant 0 : index
    %get3A_1 = arith.constant 0 : index
    %get3A_2 = vector.load %arg1[%get3A, %get3A_0, %get3A_1] : memref<2x1000x128xf32, #tpu.memory_space<vmem>>, vector<1x1000x128xf32>
    %get3A_3 = vector.shape_cast %get3A_2 : vector<1x1000x128xf32> to vector<1000x128xf32>
    %get3A_4 = arith.constant 1 : index
    %get3A_5 = arith.constant 0 : index
    %get3A_6 = arith.constant 0 : index
    %get3A_7 = vector.load %arg1[%get3A_4, %get3A_5, %get3A_6] : memref<2x1000x128xf32, #tpu.memory_space<vmem>>, vector<1x1000x128xf32>
    %get3A_8 = vector.shape_cast %get3A_7 : vector<1x1000x128xf32> to vector<1000x128xf32>
    %add3A = arith.addf %get3A_3, %get3A_8 : vector<1000x128xf32>
    %get3A_9 = arith.constant 0 : index
    %get3A_10 = arith.constant 0 : index
    %get3A_11 = vector.load %arg3[%get3A_9, %get3A_10] : memref<1000x128xf32, #tpu.memory_space<vmem>>, vector<1000x128xf32>
    %add3A_12 = arith.addf %add3A, %get3A_11 : vector<1000x128xf32>
    %get3A_13 = arith.constant 0 : index
    %get3A_14 = arith.constant 0 : index
    %get3A_15 = arith.constant 0 : index
    %get3A_16 = vector.load %arg2[%get3A_13, %get3A_14, %get3A_15] : memref<2x1000x128xf32, #tpu.memory_space<vmem>>, vector<1x1000x1xf32>
    %get3A_17 = vector.shape_cast %get3A_16 : vector<1x1000x1xf32> to vector<1000x1xf32>
    %get3A_18 = arith.constant 1 : index
    %get3A_19 = arith.constant 0 : index
    %get3A_20 = arith.constant 0 : index
    %get3A_21 = vector.load %arg2[%get3A_18, %get3A_19, %get3A_20] : memref<2x1000x128xf32, #tpu.memory_space<vmem>>, vector<1x1000x1xf32>
    %get3A_22 = vector.shape_cast %get3A_21 : vector<1x1000x1xf32> to vector<1000x1xf32>
    %add3A_23 = arith.addf %get3A_17, %get3A_22 : vector<1000x1xf32>
    %gt3A = arith.constant 0.000000e+00 : f32
    %gt3A_24 = vector.broadcast %gt3A : f32 to vector<1000x1xf32>
    %gt3A_25 = arith.cmpf ogt, %add3A_23, %gt3A_24 : vector<1000x1xf32>
    %max3A = arith.constant 0.000000e+00 : f32
    %max3A_26 = vector.broadcast %max3A : f32 to vector<1000x128xf32>
    %max3A_27 = arith.maximumf %add3A_12, %max3A_26 : vector<1000x128xf32>
    %jit3A = arith.constant 0.000000e+00 : f32
    %broadcast_in_dim3A = vector.shape_cast %gt3A_25 : vector<1000x1xi1> to vector<1000x1xi1>
    %broadcast_in_dim3A_28 = vector.broadcast %broadcast_in_dim3A : vector<1000x1xi1> to vector<1000x128xi1>
    %broadcast_in_dim3A_29 = vector.broadcast %jit3A : f32 to vector<1000x128xf32>
    %select_n3A = arith.select %broadcast_in_dim3A_28, %max3A_27, %broadcast_in_dim3A_29 : vector<1000x128xi1>, vector<1000x128xf32>
    %swap3A = arith.constant 0 : index
    %swap3A_30 = arith.constant 0 : index
    %swap3A_31 = vector.load %arg4[%swap3A, %swap3A_30] : memref<1000x128xf32, #tpu.memory_space<vmem>>, vector<1000x128xf32>
    tpu.vector_store %arg4[%swap3A, %swap3A_30], %select_n3A {strides = array<i32>} : memref<1000x128xf32, #tpu.memory_space<vmem>>, vector<1000x128xf32>,
    return
  }
  func.func @transform_0(%arg0: i32) -> (i32, i32, i32) {
    %c0_i32 = arith.constant 0 : i32
    %c0_i32_0 = arith.constant 0 : i32
    %c0_i32_1 = arith.constant 0 : i32
    return %c0_i32, %arg0, %c0_i32_0 : i32, i32, i32
  }
  func.func @transform_1(%arg0: i32) -> (i32, i32, i32) {
    %c0_i32 = arith.constant 0 : i32
    %c0_i32_0 = arith.constant 0 : i32
    %c0_i32_1 = arith.constant 0 : i32
    return %c0_i32, %arg0, %c0_i32_0 : i32, i32, i32
  }
  func.func @transform_2(%arg0: i32) -> (i32, i32) {
    %add3A = arith.constant 200 : i32
    %add3A_0 = arith.addi %add3A, %arg0 : i32
    %c0_i32 = arith.constant 0 : i32
    %c0_i32_1 = arith.constant 0 : i32
    return %add3A_0, %c0_i32 : i32, i32
  }
  func.func @transform_3(%arg0: i32) -> (i32, i32) {
    %c0_i32 = arith.constant 0 : i32
    %c0_i32_0 = arith.constant 0 : i32
    return %arg0, %c0_i32 : i32, i32
  }
}

module attributes {stable_mosaic.version = 14 : i64} {
  func.func @_combine_body(%arg0: i32, %arg1: memref<2x1000x128xf32, #tpu.memory_space<vmem>>, %arg2: memref<2x1000x128xf32, #tpu.memory_space<vmem>>, %arg3: memref<1000x128xf32, #tpu.memory_space<vmem>>, %arg4: memref<1000x128xf32, #tpu.memory_space<vmem>>) attributes {dimension_semantics = [#tpu.dimension_semantics<arbitrary>], iteration_bounds = array<i64: 10>, scalar_prefetch = 0 : i64, scratch_operands = 0 : i64, tpu.core_type = #tpu.core_type<tc>, window_params = [{transform_indices = @transform_0, window_bounds = array<i64: 2, 1000, 128>}, {transform_indices = @transform_1, window_bounds = array<i64: 2, 1000, 128>}, {transform_indices = @transform_2, window_bounds = array<i64: 1000, 128>}, {transform_indices = @transform_3, window_bounds = array<i64: 1000, 128>}]} {
    %get3A = arith.constant 0 : index
    %get3A_0 = arith.constant 0 : index
    %get3A_1 = arith.constant 0 : index
    %get3A_2 = vector.load %arg1[%get3A, %get3A_0, %get3A_1] : memref<2x1000x128xf32, #tpu.memory_space<vmem>>, vector<1x1000x128xf32>
    %get3A_3 = vector.shape_cast %get3A_2 : vector<1x1000x128xf32> to vector<1000x128xf32>
    %get3A_4 = arith.constant 1 : index
    %get3A_5 = arith.constant 0 : index
    %get3A_6 = arith.constant 0 : index
    %get3A_7 = vector.load %arg1[%get3A_4, %get3A_5, %get3A_6] : memref<2x1000x128xf32, #tpu.memory_space<vmem>>, vector<1x1000x128xf32>
    %get3A_8 = vector.shape_cast %get3A_7 : vector<1x1000x128xf32> to vector<1000x128xf32>
    %add3A = arith.addf %get3A_3, %get3A_8 : vector<1000x128xf32>
    %get3A_9 = arith.constant 0 : index
    %get3A_10 = arith.constant 0 : index
    %get3A_11 = vector.load %arg3[%get3A_9, %get3A_10] : memref<1000x128xf32, #tpu.memory_space<vmem>>, vector<1000x128xf32>
    %add3A_12 = arith.addf %add3A, %get3A_11 : vector<1000x128xf32>
    %get3A_13 = arith.constant 0 : index
    %get3A_14 = arith.constant 0 : index
    %get3A_15 = arith.constant 0 : index
    %get3A_16 = vector.load %arg2[%get3A_13, %get3A_14, %get3A_15] : memref<2x1000x128xf32, #tpu.memory_space<vmem>>, vector<1x1000x1xf32>
    %get3A_17 = vector.shape_cast %get3A_16 : vector<1x1000x1xf32> to vector<1000x1xf32>
    %get3A_18 = arith.constant 1 : index
    %get3A_19 = arith.constant 0 : index
    %get3A_20 = arith.constant 0 : index
    %get3A_21 = vector.load %arg2[%get3A_18, %get3A_19, %get3A_20] : memref<2x1000x128xf32, #tpu.memory_space<vmem>>, vector<1x1000x1xf32>
    %get3A_22 = vector.shape_cast %get3A_21 : vector<1x1000x1xf32> to vector<1000x1xf32>
    %add3A_23 = arith.addf %get3A_17, %get3A_22 : vector<1000x1xf32>
    %gt3A = arith.constant 0.000000e+00 : f32
    %gt3A_24 = vector.broadcast %gt3A : f32 to vector<1000x1xf32>
    %gt3A_25 = arith.cmpf ogt, %add3A_23, %gt3A_24 : vector<1000x1xf32>
    %max3A = arith.constant 0.000000e+00 : f32
    %max3A_26 = vector.broadcast %max3A : f32 to vector<1000x128xf32>
    %max3A_27 = arith.maximumf %add3A_12, %max3A_26 : vector<1000x128xf32>
    %jit3A = arith.constant 0.000000e+00 : f32
    %broadcast_in_dim3A = vector.shape_cast %gt3A_25 : vector<1000x1xi1> to vector<1000x1xi1>
    %broadcast_in_dim3A_28 = vector.broadcast %broadcast_in_dim3A : vector<1000x1xi1> to vector<1000x128xi1>
    %broadcast_in_dim3A_29 = vector.broadcast %jit3A : f32 to vector<1000x128xf32>
    %select_n3A = arith.select %broadcast_in_dim3A_28, %max3A_27, %broadcast_in_dim3A_29 : vector<1000x128xi1>, vector<1000x128xf32>
    %swap3A = arith.constant 0 : index
    %swap3A_30 = arith.constant 0 : index
    %swap3A_31 = vector.load %arg4[%swap3A, %swap3A_30] : memref<1000x128xf32, #tpu.memory_space<vmem>>, vector<1000x128xf32>
    tpu.vector_store %arg4[%swap3A, %swap3A_30], %select_n3A {strides = array<i32>} : memref<1000x128xf32, #tpu.memory_space<vmem>>, vector<1000x128xf32>,
    return
  }
  func.func @transform_0(%arg0: i32) -> (i32, i32, i32) {
    %c0_i32 = arith.constant 0 : i32
    %c0_i32_0 = arith.constant 0 : i32
    %c0_i32_1 = arith.constant 0 : i32
    return %c0_i32, %arg0, %c0_i32_0 : i32, i32, i32
  }
  func.func @transform_1(%arg0: i32) -> (i32, i32, i32) {
    %c0_i32 = arith.constant 0 : i32
    %c0_i32_0 = arith.constant 0 : i32
    %c0_i32_1 = arith.constant 0 : i32
    return %c0_i32, %arg0, %c0_i32_0 : i32, i32, i32
  }
  func.func @transform_2(%arg0: i32) -> (i32, i32) {
    %add3A = arith.constant 200 : i32
    %add3A_0 = arith.addi %add3A, %arg0 : i32
    %c0_i32 = arith.constant 0 : i32
    %c0_i32_1 = arith.constant 0 : i32
    return %add3A_0, %c0_i32 : i32, i32
  }
  func.func @transform_3(%arg0: i32) -> (i32, i32) {
    %c0_i32 = arith.constant 0 : i32
    %c0_i32_0 = arith.constant 0 : i32
    return %arg0, %c0_i32 : i32, i32
  }
}

</mosaic_0001>

<sc_bundles>
// kernel: kernel.12.cloned.1.call-start
scs
__scs_entry_jumppad:
0x0: {  	(pc) =	sbr.rel $0x88, $3  }
0x1: {  	(tag) =	ssettag $0x0;
	lr =	simm.s32 $0x1  }
0x2: {  	[smem:$0x3F98] =	sst lr;
	_ =	strace $0xD0000000  }
0x3: {  	_ = 	snop  }
0x4: {  	_ = 	snop  }
0x5: {  	_ = 	snop  }
0x6: {  	_ = 	snop  }
0x7: {  	_ = 	snop  }
__scs_overlays_trampoline_lowered:
0x8: {  	[smem:$0x3FA7] =	sst s0  }
0x9: {  	[smem:$0x3FA8] =	sst s1  }
0xa: {  	[smem:$0x3FA9] =	sst s2  }
0xb: {  	[smem:$0x3FAA] =	sst s3  }
0xc: {  	[smem:$0x3FAB] =	sst s4  }
0xd: {  	[smem:$0x3FAC] =	sst s5  }
0xe: {  	[smem:$0x3FAD] =	sst s6  }
0xf: {  	[smem:$0x3FAE] =	sst s7  }
0x10: {  	[smem:$0x3FAF] =	sst s8  }
0x11: {  	[smem:$0x3FB0] =	sst s9;
	s0 =	simm.s32 @!p0 $0x0  }
0x12: {  	s1 =	sld [smem:$0x3F96];
	s0 =	simm.s32 @p0 $0x1  }
0x13: {  	[smem:$0x3FB1] =	sst s0;
	s0 =	simm.s32 @!p1 $0x0  }
0x14: {  	s2 =	sld [smem:$0x3F95];
	s0 =	simm.s32 @p1 $0x1  }
0x15: {  	[smem:$0x3FB2] =	sst s0;
	s0 =	simm.s32 @!p2 $0x0  }
0x16: {  	s3 =	sld [smem:$0x3FDB];
	s0 =	simm.s32 @p2 $0x1  }
0x17: {  	s4 =	simm.s32 $0x1BF5;
	[smem:$0x3FB4] =	sst s0  }
0x18: {  	s0 =	sld [smem:$0x3F97];
	_ =	swait.ge [sflag:s4], $0x0  }
0x19: {  	s7 =	sld [smem:$0x3F98]  }
0x1a: {  	s8 =	sadd.s32 $0xFFFFE003, lr  }
0x1b: {  	s9 =	sadd.s32 $0xFFFFFEF7, lr;
	s5 =	simm.s32 $0xFFFFFFFF;
	p2 =	slt.u32 s8, $0xFFFFF086  }
0x1c: {  	p1 =	slt.u32 s9, $0xF7A;
	s5 =	simm.s32 @!p2 $0x0  }
0x1d: {  	s5 =	simm.s32 @p1 $0x1;
	p0 =	seq.s32 s7, s2  }
0x1e: {  	s7 =	smul.u32 @!p0 $0xF7A, s2;
	p2 =	seq.s32 @!p0 s5, $0x0  }
0x1f: {  	s9 =	smul.u32 $0xF7A, s1;
	s8 =	simm.s32 @!p0 $0x1BF5;
	p2 =	por !p2, p0  }
0x20: {  	[sflag:s8] =	ssyncset.s32 @!p0 $0xFFFFF086;
	s6 =	sadd.s32 @!p0 s3, s7;
	s7 =	simm.s32 @!p0 $0x108  }
0x21: {  	s3 =	sadd.s32 s3, s9;
	s6 =	sadd.s32 @!p0 $0x88, s6;
	s7 =	simm.s32 @p2 $0x1082  }
0x22: {  	[simem:s7], [sflag:s8] =	dma.local @!p0 [hbm:s6], $0xF7A  }
0x23: {  	s9 =	sor.u32 $0xD0000000, s2;
	s6 =	simm.s32 $0x108;
	_ =	swait.ge @!p0 [sflag:s8], $0x0  }
0x24: {  	s3 =	sadd.s32 $0x88, s3;
	s6 =	simm.s32 @!p1 $0x1082;
	[sflag:s4] =	ssyncset.s32 $0xFFFFF086  }
0x25: {  	[simem:s6], [sflag:s4] =	dma.local [hbm:s3], $0xF7A  }
0x26: {  	[smem:$0x3F98] =	sst s1;
	(tag) =	ssettag s2;
	_ =	strace s9  }
0x27: {  	s1 =	sld [smem:$0x3FA8]  }
0x28: {  	s2 =	sld [smem:$0x3FA9]  }
0x29: {  	s4 =	sld [smem:$0x3FAB]  }
0x2a: {  	p0 =	seq.s32 s5, $0x0;
	s5 =	sld [smem:$0x3FAC]  }
0x2b: {  	s6 =	sld [smem:$0x3FAD]  }
0x2c: {  	s7 =	sld [smem:$0x3FAE]  }
0x2d: {  	s3 =	simm.s32 $0x108;
	s8 =	sld [smem:$0x3FAF]  }
0x2e: {  	s3 =	simm.s32 @!p0 $0x1082;
	s9 =	sld [smem:$0x3FB0]  }
0x2f: {  	lr =	sadd.s32 s0, s3;
	s0 =	sld [smem:$0x3FA7]  }
0x30: {  	s3 =	sld [smem:$0x3FAA]  }
0x31: {  	[smem:$0x3FB3] =	sst s10  }
0x32: {  	s10 =	sld [smem:$0x3FB1];
	_ =	sdelay $0x3  }
0x33: {  	p0 =	seq.s32 s10, $0x1;
	s10 =	sld [smem:$0x3FB3];
	_ =	sdelay $0x3  }
0x34: {  	[smem:$0x3FB3] =	sst s10  }
0x35: {  	s10 =	sld [smem:$0x3FB2];
	_ =	sdelay $0x3  }
0x36: {  	p1 =	seq.s32 s10, $0x1;
	s10 =	sld [smem:$0x3FB3];
	_ =	sdelay $0x3  }
0x37: {  	[smem:$0x3FB3] =	sst s10  }
0x38: {  	s10 =	sld [smem:$0x3FB4]  }
0x39: {  	_ = 	snop;
	(pc) =	sbr.ind lr, $3  }
0x3a: {  	_ = 	snop  }
0x3b: {  	_ = 	snop  }
0x3c: {  	p2 =	seq.s32 s10, $0x1;
	s10 =	sld [smem:$0x3FB3]  }
0x3d: {  	_ =	shalt  }
0x3e: {  	_ =	shalt  }
0x3f: {  	_ =	shalt  }
0x40: {  	_ =	shalt  }
0x41: {  	_ =	shalt  }
0x42: {  	_ =	shalt  }
0x43: {  	_ =	shalt  }
0x44: {  	_ =	shalt  }
0x45: {  	_ =	shalt  }
0x46: {  	_ =	shalt  }
0x47: {  	_ =	shalt  }
0x48: {  	_ =	shalt  }
0x49: {  	_ =	shalt  }
0x4a: {  	_ =	shalt  }
0x4b: {  	_ =	shalt  }
0x4c: {  	_ =	shalt  }
0x4d: {  	_ =	shalt  }
0x4e: {  	_ =	shalt  }
0x4f: {  	_ =	shalt  }
0x50: {  	_ =	shalt  }
0x51: {  	_ =	shalt  }
0x52: {  	_ =	shalt  }
0x53: {  	_ =	shalt  }
0x54: {  	_ =	shalt  }
0x55: {  	_ =	shalt  }
0x56: {  	_ =	shalt  }
0x57: {  	_ =	shalt  }
0x58: {  	_ =	shalt  }
0x59: {  	_ =	shalt  }
0x5a: {  	_ =	shalt  }
0x5b: {  	_ =	shalt  }
0x5c: {  	_ =	shalt  }
0x5d: {  	_ =	shalt  }
0x5e: {  	_ =	shalt  }
0x5f: {  	_ =	shalt  }
0x60: {  	_ =	shalt  }
0x61: {  	_ =	shalt  }
0x62: {  	_ =	shalt  }
0x63: {  	_ =	shalt  }
0x64: {  	_ =	shalt  }
0x65: {  	_ =	shalt  }
0x66: {  	_ =	shalt  }
0x67: {  	_ =	shalt  }
0x68: {  	_ =	shalt  }
0x69: {  	_ =	shalt  }
0x6a: {  	_ =	shalt  }
0x6b: {  	_ =	shalt  }
0x6c: {  	_ =	shalt  }
0x6d: {  	_ =	shalt  }
0x6e: {  	_ =	shalt  }
0x6f: {  	_ =	shalt  }
0x70: {  	_ =	shalt  }
0x71: {  	_ =	shalt  }
0x72: {  	_ =	shalt  }
0x73: {  	_ =	shalt  }
0x74: {  	_ =	shalt  }
0x75: {  	_ =	shalt  }
0x76: {  	_ =	shalt  }
0x77: {  	_ =	shalt  }
0x78: {  	_ =	shalt  }
0x79: {  	_ =	shalt  }
0x7a: {  	_ =	shalt  }
0x7b: {  	_ =	shalt  }
0x7c: {  	_ =	shalt  }
0x7d: {  	_ =	shalt  }
0x7e: {  	_ =	shalt  }
0x7f: {  	_ =	shalt  }
0x80: {  	_ =	shalt  }
0x81: {  	_ =	shalt  }
0x82: {  	_ =	shalt  }
0x83: {  	_ =	shalt  }
0x84: {  	_ =	shalt  }
0x85: {  	_ =	shalt  }
0x86: {  	_ =	shalt  }
0x87: {  	_ =	shalt  }
.Lfunc_end0:
.L_simem_size_0:
called_computation.1_lowered:
.L_overlay_start_0:
0x88: {  	s2 =	sld [smem:$0x3FD9]  }
0x89: {  	s3 =	sld [smem:$0x3FFE];
	_ =	sdelay $0x1  }
0x8a: {  	s1 =	srdreg.scid  }
0x8b: {  	s0 =	sand.u32 $0x1, s1  }
0x8c: {  	s17 =	sshll.u32 s0, $0xA;
	s2 =	sadd.s32 s3, s2  }
0x8d: {  	s2 =	sadd.s32 s2, s17  }
0x8e: {  	[smem:$0x3FBF] =	sst s2  }
0x8f: {  	_ = 	snop  }
0x90: {  	s2 =	sld [smem:$0x3FD0];
	(tm) =	ssettm $0x1  }
0x91: {  	s18 =	sld [smem:$0x3FFB];
	_ =	sdelay $0x3  }
0x92: {  	_ =	strace s18  }
0x93: {  	s3 =	sld [smem:$0x3FFC];
	_ =	sdelay $0x3  }
0x94: {  	_ =	strace s3  }
0x95: {  	s3 =	sld [smem:$0x3FFD];
	_ =	sdelay $0x3  }
0x96: {  	_ =	strace s3  }
0x97: {  	_ =	strace $0x8FFFFFFF  }
0x98: {  	s19 =	sld [smem:$0x3FDB];
	_ =	sdelay $0x1  }
0x99: {  	s4 =	simm.s32 $_scs_section_size  }
0x9a: {  	s5 =	simm.s32 $_size__tile_overlayer_lowered;
	s6 =	simm.s32 $_tile_overlayer_lowered  }
0x9b: {  	s22 =	simm.s32 $0x1BFF;
	s21 =	sshll.u32 s6, $0x1;
	s3 =	sadd.s32 s4, s19  }
0x9c: {  	s7 =	simm.s32 $0x0;
	s20 =	sshll.u32 s5, $0x1;
	s5 =	sadd.s32 s21, s3  }
0x9d: {  	[timem:s7], [sflag:s22] =	dma.local [hbm:s5], s20  }
0x9e: {  	_ =	swait.ge [sflag:s22], s20  }
0x9f: {  	s4 =	ssub.s32 $0x0, s20;
	[sflag:s22] =	ssyncset.done $0x0  }
0xa0: {  	[sflag:s22] =	ssyncadd.s32 s4;
	_ =	sdelay $0x1  }
0xa1: {  	s23 =	simm.s32 $0x1B8B  }
0xa2: {  	_ =	swait.ge [sflag:s23], $0x1  }
0xa3: {  	[sflag:s23] =	ssyncset.done $0x0  }
0xa4: {  	s25 =	simm.s32 $0x1B8E;
	s24 =	sld [smem:$0x3FFE];
	[sflag:s23] =	ssyncadd.s32 $0xFFFFFFFF  }
0xa5: {  	s26 =	simm.s32 $execute0_lowered;
	[smem:$0x3FD2] =	sst s25  }
0xa6: {  	s5 =	sshll.u32 s26, $0x1;
	_ =	strace $0x80000046;
	[dreg:$0x1] =	wrdreg $0xFFFFFFFF  }
0xa7: {  	s28 =	simm.s32 $_size_execute0_lowered;
	s3 =	sadd.s32 s3, s5;
	[dreg:$0x0] =	wrdreg $0x0  }
0xa8: {  	s5 =	sshll.u32 s28, $0x1;
	[dreg:$0x2] =	wrdreg s3  }
0xa9: {  	[dreg:$0x3] =	wrdreg s5  }
0xaa: {  	[dreg:$0x4] =	wrdreg $0xC0  }
0xab: {  	_ =	task [dreg:s7], $0x5FFFF  }
0xac: {  	[dreg:$0x1] =	wrdreg $0xFFFFFFFF  }
0xad: {  	[dreg:$0x0] =	wrdreg $0x60  }
0xae: {  	[dreg:$0x2] =	wrdreg s24  }
0xaf: {  	[dreg:$0x3] =	wrdreg s2  }
0xb0: {  	[dreg:$0x4] =	wrdreg $0x0  }
0xb1: {  	[dreg:$0x5] =	wrdreg $0xA  }
0xb2: {  	_ =	task.clear_ibuf [dreg:s7], $0x6FFFF;
	_ =	strace $0x90000046  }
0xb3: {  	s29 =	simm.s32 $0xA;
	_ =	strace $0x80000048  }
0xb4: {  	_ =	swait.ge [sflag:s29], $0x1  }
0xb5: {  	[sflag:s29] =	ssyncadd.s32 $0xFFFFFFFF  }
0xb6: {  	_ =	strace $0x90000048  }
0xb7: {  	_ =	sfence  }
0xb8: {  	s30 =	sld [smem:$0x0];
	_ =	sdelay $0x2  }
0xb9: {  	s31 =	sshll.u32 s1, $0xD;
	s1 =	sshrl.u32 s1, $0x2  }
0xba: {  	s3 =	sand.u32 $0x4000, s31;
	s1 =	sadd.s32 s1, s30  }
0xbb: {  	s0 =	sor.u32 s3, s0;
	s1 =	sshll.u32 s1, $0x11  }
0xbc: {  	s0 =	sor.u32 s1, s0  }
0xbd: {  	s0 =	sadd.s32 $0x8F2B, s0  }
0xbe: {  	[sflag:s0] =	ssyncadd.remote.s32 $0x1  }
0xbf: {  	_ =	sfence.sel $0xFFFF  }
0xc0: {  	[dreg:$0x0] =	wrdreg $0xFFFFFFFF;
	(pc) =	sbr.abs _section_cstart, $3  }
0xc1: {  	[dreg:$0x1] =	wrdreg $0xFFFFFFFF  }
0xc2: {  	_ =	task.clear_ibuf [dreg:s7], $0x2FFFF;
	_ =	strace $0x9FFFFFFF  }
0xc3: {  	(tm) =	ssettm $0x7FFFFFFF  }
tec
execute0_lowered:
.L_overlay_start_1:
0x0: {  	(tag) =	ssettag $0x1  }
0x1: {  	s0 =	rddreg [dreg:$0x0]  }
0x2: {  	s1 =	rddreg [dreg:$0x1]  }
0x3: {  	s2 =	rddreg [dreg:$0x2];
	s3 =	simm.s32 $0x0  }
0x4: {  	s4 =	srdreg.scid;
	s10 =	stileid.u32;
	s20 =	simm.s32 $0x14100  }
0x5: {  	s21 =	simm.s32 $0x3;
	s22 =	simm.s32 $0x14000;
	s23 =	simm.s32 $0x14080  }
0x6: {  	s28 =	simm.s32 $0x18200;
	s29 =	simm.s32 $0x1;
	s30 =	simm.s32 $0x2  }
0x7: {  	s31 =	simm.s32 $0x0;
	[smem:$0x7FF] =	sst s3;
	s5 =	sadd.s32 $0x7000, s0  }
0x8: {  	s6 =	sadd.s32 $0x2000, s0;
	s7 =	sadd.s32 $0x33B600, s0;
	s8 =	smul.u32 $0x50000, s10  }
0x9: {  	s4 =	sand.u32 $0x1, s4;
	s0 =	sadd.s32 $0x33BE00, s0;
	s12 =	smul.u32 $0x14000, s10  }
0xa: {  	s25 =	sshll.u32 s10, $0x1;
	_ =	strace $0x80000047;
	[dreg:$0x4] =	wrdreg s7  }
0xb: {  	s24 =	ssub.s32 $0x2, s4;
	s13 =	sor.u32 s4, s25;
	s4 =	smul.u32 $0x140000, s4  }
0xc: {  	s25 =	simm.s32 $0x18100;
	s9 =	sshrl.u32 s24, $0x1;
	s8 =	sshrl.u32 s8, $0x2  }
0xd: {  	s14 =	sadd.s32 $0x4000, s12;
	s16 =	sadd.s32 $0x8000, s12;
	s17 =	sadd.s32 $0xC000, s12  }
0xe: {  	s18 =	sadd.s32 $0x10000, s12;
	s13 =	smul.u32 $0x1400, s13;
	s7 =	ssub.s32 s24, s9  }
0xf: {  	s8 =	sadd.s32 s8, s2;
	s9 =	sadd.s32 s14, s2;
	s10 =	sadd.s32 s16, s2  }
0x10: {  	s11 =	sadd.s32 s17, s2;
	s15 =	sadd.s32 s12, s4;
	s14 =	sadd.s32 s4, s14  }
0x11: {  	s12 =	sadd.s32 s18, s2;
	s16 =	sadd.s32 s4, s16;
	s17 =	sadd.s32 s4, s17  }
0x12: {  	s4 =	sadd.s32 s4, s18;
	s24 =	simm.s32 $0x80;
	s15 =	sshrl.u32 s15, $0x3  }
0x13: {  	s19 =	sshrl.u32 s14, $0x3;
	s16 =	sshrl.u32 s16, $0x3;
	s17 =	sshrl.u32 s17, $0x3  }
0x14: {  	s4 =	sshrl.u32 s4, $0x3;
	s26 =	sadd.s32 s0, s15;
	s15 =	sadd.s32 s0, s19  }
0x15: {  	s16 =	sadd.s32 s0, s16;
	s17 =	sadd.s32 s0, s17;
	s18 =	sadd.s32 s0, s4  }
0x16: {  	s19 =	smax.u32 s7, $0x1;
	[dreg:$0x5] =	wrdreg s26;
	s26 =	simm.s32 $0x18180  }
.LBB2_1:
0x17: {  	s0 =	rddreg [dreg:$0x4]  }
0x18: {  	[tilespmem:s20], [sflag:$0x3] =	stream.linear.gather [hbm4b:s0+s3], $0x4000, $0x38;
	[tilespmem:$0x1C200] =	vst v63  }
0x19: {  	_ =	swait.ge [sflag:s21], $0x4000  }
0x1a: {  	[sflag:s21] =	ssyncset.done $0x0  }
0x1b: {  	[sflag:s21] =	ssyncadd.s32 $0xFFFFC000  }
0x1c: {  	[spmem:s8] =	stream.linear.scatter [tilespmem:s20], [sflag:$0x3], $0x4000, $0x38;
	[tilespmem:$0x1C200] =	vst v63  }
0x1d: {  	_ =	swait.ge [sflag:s21], $0x4000  }
0x1e: {  	[sflag:s21] =	ssyncset.done $0x0  }
0x1f: {  	[sflag:s21] =	ssyncadd.s32 $0xFFFFC000  }
0x20: {  	[spmem:s9] =	stream.linear.scatter [tilespmem:s20], [sflag:$0x3], $0x4000, $0x38;
	[tilespmem:$0x1C200] =	vst v63  }
0x21: {  	_ =	swait.ge [sflag:s21], $0x4000  }
0x22: {  	[sflag:s21] =	ssyncset.done $0x0  }
0x23: {  	[sflag:s21] =	ssyncadd.s32 $0xFFFFC000  }
0x24: {  	[spmem:s10] =	stream.linear.scatter [tilespmem:s20], [sflag:$0x3], $0x4000, $0x38;
	[tilespmem:$0x1C200] =	vst v63  }
0x25: {  	_ =	swait.ge [sflag:s21], $0x4000  }
0x26: {  	[sflag:s21] =	ssyncset.done $0x0  }
0x27: {  	[sflag:s21] =	ssyncadd.s32 $0xFFFFC000  }
0x28: {  	[spmem:s11] =	stream.linear.scatter [tilespmem:s20], [sflag:$0x3], $0x4000, $0x38;
	[tilespmem:$0x1C200] =	vst v63  }
0x29: {  	_ =	swait.ge [sflag:s21], $0x4000  }
0x2a: {  	[sflag:s21] =	ssyncset.done $0x0  }
0x2b: {  	s7 =	sand.u32 $0x1C00, s3;
	[sflag:s21] =	ssyncadd.s32 $0xFFFFC000  }
0x2c: {  	[spmem:s12] =	stream.linear.scatter [tilespmem:s20], [sflag:$0x3], $0x4000, $0x38;
	[tilespmem:$0x1C200] =	vst v63  }
0x2d: {  	s4 =	sand.u32 $0x300, s3;
	s0 =	sadd.s32 s13, s7;
	_ =	swait.ge [sflag:s21], $0x4000  }
0x2e: {  	s0 =	sor.u32 s4, s0;
	[sflag:s21] =	ssyncset.done $0x0  }
0x2f: {  	s0 =	sshrl.u32 s0, $0x3;
	[sflag:s21] =	ssyncadd.s32 $0xFFFFC000  }
0x30: {  	s14 =	sadd.s32 s1, s0;
	[bflag:$0x0] =	sbarrier.arrive $0xFFFF  }
0x31: {  	[tilespmem:s22], [sflag:$0x3] =	stream.linear.gather [hbm4b:s14+s3], $0x80, $0x38;
	[tilespmem:$0x1C200] =	vst v63  }
0x32: {  	_ =	swait.ge [sflag:s21], $0x80  }
0x33: {  	[sflag:s21] =	ssyncset.done $0x0  }
0x34: {  	s7 =	sadd.s32 s6, s0;
	[sflag:s21] =	ssyncadd.s32 $0xFFFFFF80  }
0x35: {  	[tilespmem:s23], [sflag:$0x3] =	stream.linear.gather [hbm4b:s7+s3], $0x80, $0x38;
	[tilespmem:$0x1C200] =	vst v63  }
0x36: {  	_ =	swait.ge [sflag:s21], $0x80  }
0x37: {  	[sflag:s21] =	ssyncset.done $0x0  }
0x38: {  	s0 =	sor.u32 $0x10, s0;
	[sflag:s21] =	ssyncadd.s32 $0xFFFFFF80  }
0x39: {  	[tilespmem:s20], [sflag:$0x1] =	stream.indirect.gather [hbm4b:s5+s24], $0x80, s22, s24, $0xb8;
	[tilespmem:$0x1C200] =	vst v63  }
0x3a: {  	s14 =	sadd.s32 s1, s0  }
0x3b: {  	[tilespmem:s25], [sflag:$0x3] =	stream.linear.gather [hbm4b:s14+s3], $0x80, $0x38;
	[tilespmem:$0x1C200] =	vst v63  }
0x3c: {  	_ =	swait.ge [sflag:s21], $0x80  }
0x3d: {  	[sflag:s21] =	ssyncset.done $0x0  }
0x3e: {  	s0 =	sadd.s32 s6, s0;
	[sflag:s21] =	ssyncadd.s32 $0xFFFFFF80  }
0x3f: {  	[tilespmem:s26], [sflag:$0x3] =	stream.linear.gather [hbm4b:s0+s3], $0x80, $0x38;
	[tilespmem:$0x1C200] =	vst v63  }
0x40: {  	_ =	swait.ge [sflag:s21], $0x80  }
0x41: {  	[sflag:s21] =	ssyncset.done $0x0  }
0x42: {  	[sflag:s21] =	ssyncadd.s32 $0xFFFFFF80  }
0x43: {  	[tilespmem:s28], [sflag:$0x2] =	stream.indirect.gather [hbm4b:s5+s24], $0x80, s25, s24, $0xb8;
	[tilespmem:$0x1C200] =	vst v63  }
0x44: {  	_ =	swait.ge [sflag:s29], $0x4000  }
0x45: {  	[sflag:s29] =	ssyncset.done $0x0  }
0x46: {  	[sflag:s29] =	ssyncadd.s32 $0xFFFFC000  }
0x47: {  	[spmem:s2] =	stream.indirect.scatter.add.f32 [tilespmem:s20], [sflag:$0x3], $0x80, s23, s24, $0xb8;
	[tilespmem:$0x1C200] =	vst v63  }
0x48: {  	_ =	swait.ge [sflag:s21], $0x4000  }
0x49: {  	s7 =	simm.s32 $0x100;
	[sflag:s21] =	ssyncset.done $0x0  }
0x4a: {  	s14 =	sand.u32 $0x1C00, s7;
	[sflag:s21] =	ssyncadd.s32 $0xFFFFC000  }
0x4b: {  	s4 =	sadd.s32 s13, s14;
	s0 =	sand.u32 $0x300, s7;
	_ =	swait.ge [sflag:s30], $0x4000  }
0x4c: {  	s4 =	sor.u32 s0, s4;
	[sflag:s30] =	ssyncset.done $0x0  }
0x4d: {  	s0 =	simm.s32 $0x200;
	s7 =	sshrl.u32 s4, $0x3;
	[sflag:s30] =	ssyncadd.s32 $0xFFFFC000  }
.LBB2_2:
0x4e: {  	[spmem:s2] =	stream.indirect.scatter.add.f32 [tilespmem:s28], [sflag:$0x3], $0x80, s26, s24, $0xb8;
	[tilespmem:$0x1C200] =	vst v63  }
0x4f: {  	s4 =	smov.u32 s0  }
0x50: {  	p0 =	sne.s32 s0, $0x1300;
	s0 =	sadd.s32 $0x100, s0;
	_ =	swait.ge [sflag:s21], $0x4000  }
0x51: {  	[sflag:s21] =	ssyncset.done $0x0  }
0x52: {  	s14 =	sadd.s32 s1, s7;
	[sflag:s21] =	ssyncadd.s32 $0xFFFFC000  }
0x53: {  	[tilespmem:s22], [sflag:$0x3] =	stream.linear.gather [hbm4b:s14+s3], $0x80, $0x38;
	[tilespmem:$0x1C200] =	vst v63  }
0x54: {  	_ =	swait.ge [sflag:s21], $0x80  }
0x55: {  	[sflag:s21] =	ssyncset.done $0x0  }
0x56: {  	s14 =	sadd.s32 s6, s7;
	[sflag:s21] =	ssyncadd.s32 $0xFFFFFF80  }
0x57: {  	[tilespmem:s23], [sflag:$0x3] =	stream.linear.gather [hbm4b:s14+s3], $0x80, $0x38;
	[tilespmem:$0x1C200] =	vst v63  }
0x58: {  	_ =	swait.ge [sflag:s21], $0x80  }
0x59: {  	[sflag:s21] =	ssyncset.done $0x0  }
0x5a: {  	s7 =	sor.u32 $0x10, s7;
	[sflag:s21] =	ssyncadd.s32 $0xFFFFFF80  }
0x5b: {  	[tilespmem:s20], [sflag:$0x1] =	stream.indirect.gather [hbm4b:s5+s24], $0x80, s22, s24, $0xb8;
	[tilespmem:$0x1C200] =	vst v63  }
0x5c: {  	s14 =	sadd.s32 s1, s7  }
0x5d: {  	[tilespmem:s25], [sflag:$0x3] =	stream.linear.gather [hbm4b:s14+s3], $0x80, $0x38;
	[tilespmem:$0x1C200] =	vst v63  }
0x5e: {  	_ =	swait.ge [sflag:s21], $0x80  }
0x5f: {  	[sflag:s21] =	ssyncset.done $0x0  }
0x60: {  	s7 =	sadd.s32 s6, s7;
	[sflag:s21] =	ssyncadd.s32 $0xFFFFFF80  }
0x61: {  	[tilespmem:s26], [sflag:$0x3] =	stream.linear.gather [hbm4b:s7+s3], $0x80, $0x38;
	[tilespmem:$0x1C200] =	vst v63  }
0x62: {  	_ =	swait.ge [sflag:s21], $0x80  }
0x63: {  	[sflag:s21] =	ssyncset.done $0x0  }
0x64: {  	[sflag:s21] =	ssyncadd.s32 $0xFFFFFF80  }
0x65: {  	[tilespmem:s28], [sflag:$0x2] =	stream.indirect.gather [hbm4b:s5+s24], $0x80, s25, s24, $0xb8;
	[tilespmem:$0x1C200] =	vst v63  }
0x66: {  	_ =	swait.ge [sflag:s29], $0x4000  }
0x67: {  	[sflag:s29] =	ssyncset.done $0x0  }
0x68: {  	[sflag:s29] =	ssyncadd.s32 $0xFFFFC000  }
0x69: {  	[spmem:s2] =	stream.indirect.scatter.add.f32 [tilespmem:s20], [sflag:$0x3], $0x80, s23, s24, $0xb8;
	[tilespmem:$0x1C200] =	vst v63  }
0x6a: {  	_ =	swait.ge [sflag:s21], $0x4000  }
.Ltmp0:
0x6b: {  	[sflag:s21] =	ssyncset.done $0x0;
	(pc) =	sbr.rel @p0 .LBB2_2-.Ltmp0, $4  }
0x6c: {  	s7 =	sand.u32 $0x1C00, s4;
	[sflag:s21] =	ssyncadd.s32 $0xFFFFC000  }
0x6d: {  	s4 =	sand.u32 $0x300, s4;
	s7 =	sadd.s32 s13, s7;
	_ =	swait.ge [sflag:s30], $0x4000  }
0x6e: {  	s4 =	sor.u32 s4, s7;
	[sflag:s30] =	ssyncset.done $0x0  }
0x6f: {  	s7 =	sshrl.u32 s4, $0x3;
	[sflag:s30] =	ssyncadd.s32 $0xFFFFC000  }
0x70: {  	[spmem:s2] =	stream.indirect.scatter.add.f32 [tilespmem:s28], [sflag:$0x3], $0x80, s26, s24, $0xb8;
	[tilespmem:$0x1C200] =	vst v63  }
0x71: {  	_ =	swait.ge [sflag:s21], $0x4000  }
0x72: {  	[sflag:s21] =	ssyncset.done $0x0  }
0x73: {  	s0 =	sadd.s32 s1, s7;
	[sflag:s21] =	ssyncadd.s32 $0xFFFFC000  }
0x74: {  	[tilespmem:s22], [sflag:$0x3] =	stream.linear.gather [hbm4b:s0+s3], $0x80, $0x38;
	[tilespmem:$0x1C200] =	vst v63  }
0x75: {  	_ =	swait.ge [sflag:s21], $0x80  }
0x76: {  	[sflag:s21] =	ssyncset.done $0x0  }
0x77: {  	s4 =	sadd.s32 s6, s7;
	[sflag:s21] =	ssyncadd.s32 $0xFFFFFF80  }
0x78: {  	[tilespmem:s23], [sflag:$0x3] =	stream.linear.gather [hbm4b:s4+s3], $0x80, $0x38;
	[tilespmem:$0x1C200] =	vst v63  }
0x79: {  	_ =	swait.ge [sflag:s21], $0x80  }
0x7a: {  	[sflag:s21] =	ssyncset.done $0x0  }
0x7b: {  	s7 =	sor.u32 $0x10, s7;
	[sflag:s21] =	ssyncadd.s32 $0xFFFFFF80  }
0x7c: {  	[tilespmem:s20], [sflag:$0x1] =	stream.indirect.gather [hbm4b:s5+s24], $0x80, s22, s24, $0xb8;
	[tilespmem:$0x1C200] =	vst v63  }
0x7d: {  	s4 =	sadd.s32 s1, s7  }
0x7e: {  	[tilespmem:s25], [sflag:$0x3] =	stream.linear.gather [hbm4b:s4+s3], $0x80, $0x38;
	[tilespmem:$0x1C200] =	vst v63  }
0x7f: {  	_ =	swait.ge [sflag:s21], $0x80  }
0x80: {  	[sflag:s21] =	ssyncset.done $0x0  }
0x81: {  	s0 =	sadd.s32 s6, s7;
	[sflag:s21] =	ssyncadd.s32 $0xFFFFFF80  }
0x82: {  	[tilespmem:s26], [sflag:$0x3] =	stream.linear.gather [hbm4b:s0+s3], $0x80, $0x38;
	[tilespmem:$0x1C200] =	vst v63  }
0x83: {  	_ =	swait.ge [sflag:s21], $0x80  }
0x84: {  	[sflag:s21] =	ssyncset.done $0x0  }
0x85: {  	[sflag:s21] =	ssyncadd.s32 $0xFFFFFF80  }
0x86: {  	[tilespmem:s28], [sflag:$0x2] =	stream.indirect.gather [hbm4b:s5+s24], $0x80, s25, s24, $0xb8;
	[tilespmem:$0x1C200] =	vst v63  }
0x87: {  	_ =	swait.ge [sflag:s29], $0x4000  }
0x88: {  	[sflag:s29] =	ssyncset.done $0x0  }
0x89: {  	[sflag:s29] =	ssyncadd.s32 $0xFFFFC000  }
0x8a: {  	[spmem:s2] =	stream.indirect.scatter.add.f32 [tilespmem:s20], [sflag:$0x3], $0x80, s23, s24, $0xb8;
	[tilespmem:$0x1C200] =	vst v63  }
0x8b: {  	_ =	swait.ge [sflag:s21], $0x4000  }
0x8c: {  	[sflag:s21] =	ssyncset.done $0x0  }
0x8d: {  	[sflag:s21] =	ssyncadd.s32 $0xFFFFC000  }
0x8e: {  	_ =	swait.ge [sflag:s30], $0x4000  }
0x8f: {  	[sflag:s30] =	ssyncset.done $0x0  }
0x90: {  	[sflag:s30] =	ssyncadd.s32 $0xFFFFC000  }
0x91: {  	[spmem:s2] =	stream.indirect.scatter.add.f32 [tilespmem:s28], [sflag:$0x3], $0x80, s26, s24, $0xb8;
	[tilespmem:$0x1C200] =	vst v63  }
0x92: {  	_ =	swait.ge [sflag:s21], $0x4000  }
0x93: {  	[sflag:s21] =	ssyncset.done $0x0  }
0x94: {  	[sflag:s21] =	ssyncadd.s32 $0xFFFFC000  }
0x95: {  	[bflag:$0x0] =	sbarrier.arrive $0xFFFF  }
0x96: {  	[tilespmem:s20], [sflag:$0x3] =	stream.linear.gather [spmem:s8], $0x4000, $0x38;
	[tilespmem:$0x1C200] =	vst v63  }
0x97: {  	_ =	swait.ge [sflag:s21], $0x4000  }
0x98: {  	[sflag:s21] =	ssyncset.done $0x0  }
0x99: {  	s14 =	rddreg [dreg:$0x5];
	[sflag:s21] =	ssyncadd.s32 $0xFFFFC000  }
0x9a: {  	[hbm4b:s14+s3] =	stream.linear.scatter [tilespmem:s20], [sflag:$0x3], $0x4000, $0x38;
	[tilespmem:$0x1C200] =	vst v63  }
0x9b: {  	_ =	swait.ge [sflag:s21], $0x4000  }
0x9c: {  	[sflag:s21] =	ssyncset.done $0x0  }
0x9d: {  	[sflag:s21] =	ssyncadd.s32 $0xFFFFC000  }
0x9e: {  	[tilespmem:s20], [sflag:$0x3] =	stream.linear.gather [spmem:s9], $0x4000, $0x38;
	[tilespmem:$0x1C200] =	vst v63  }
0x9f: {  	_ =	swait.ge [sflag:s21], $0x4000  }
0xa0: {  	[sflag:s21] =	ssyncset.done $0x0  }
0xa1: {  	[sflag:s21] =	ssyncadd.s32 $0xFFFFC000  }
0xa2: {  	[hbm4b:s15+s3] =	stream.linear.scatter [tilespmem:s20], [sflag:$0x3], $0x4000, $0x38;
	[tilespmem:$0x1C200] =	vst v63  }
0xa3: {  	_ =	swait.ge [sflag:s21], $0x4000  }
0xa4: {  	[sflag:s21] =	ssyncset.done $0x0  }
0xa5: {  	[sflag:s21] =	ssyncadd.s32 $0xFFFFC000  }
0xa6: {  	[tilespmem:s20], [sflag:$0x3] =	stream.linear.gather [spmem:s10], $0x4000, $0x38;
	[tilespmem:$0x1C200] =	vst v63  }
0xa7: {  	_ =	swait.ge [sflag:s21], $0x4000  }
0xa8: {  	[sflag:s21] =	ssyncset.done $0x0  }
0xa9: {  	[sflag:s21] =	ssyncadd.s32 $0xFFFFC000  }
0xaa: {  	[hbm4b:s16+s3] =	stream.linear.scatter [tilespmem:s20], [sflag:$0x3], $0x4000, $0x38;
	[tilespmem:$0x1C200] =	vst v63  }
0xab: {  	_ =	swait.ge [sflag:s21], $0x4000  }
0xac: {  	[sflag:s21] =	ssyncset.done $0x0  }
0xad: {  	[sflag:s21] =	ssyncadd.s32 $0xFFFFC000  }
0xae: {  	[tilespmem:s20], [sflag:$0x3] =	stream.linear.gather [spmem:s11], $0x4000, $0x38;
	[tilespmem:$0x1C200] =	vst v63  }
0xaf: {  	_ =	swait.ge [sflag:s21], $0x4000  }
0xb0: {  	[sflag:s21] =	ssyncset.done $0x0  }
0xb1: {  	[sflag:s21] =	ssyncadd.s32 $0xFFFFC000  }
0xb2: {  	[hbm4b:s17+s3] =	stream.linear.scatter [tilespmem:s20], [sflag:$0x3], $0x4000, $0x38;
	[tilespmem:$0x1C200] =	vst v63  }
0xb3: {  	_ =	swait.ge [sflag:s21], $0x4000  }
0xb4: {  	[sflag:s21] =	ssyncset.done $0x0  }
0xb5: {  	[sflag:s21] =	ssyncadd.s32 $0xFFFFC000  }
0xb6: {  	[tilespmem:s20], [sflag:$0x3] =	stream.linear.gather [spmem:s12], $0x4000, $0x38;
	[tilespmem:$0x1C200] =	vst v63  }
0xb7: {  	s31 =	sadd.s32 $0x1, s31;
	_ =	swait.ge [sflag:s21], $0x4000  }
0xb8: {  	p0 =	sne.s32 s31, s19;
	[sflag:s21] =	ssyncset.done $0x0  }
.Ltmp1:
0xb9: {  	[sflag:s21] =	ssyncadd.s32 $0xFFFFC000;
	(pc) =	sbr.rel @p0 .LBB2_1-.Ltmp1, $4  }
0xba: {  	[hbm4b:s18+s3] =	stream.linear.scatter [tilespmem:s20], [sflag:$0x3], $0x4000, $0x38;
	[tilespmem:$0x1C200] =	vst v63  }
0xbb: {  	_ =	swait.ge [sflag:s21], $0x4000  }
0xbc: {  	[sflag:s21] =	ssyncset.done $0x0  }
0xbd: {  	[sflag:s21] =	ssyncadd.s32 $0xFFFFC000  }
0xbe: {  	_ =	sfence.sel $0x180000  }
0xbf: {  	[bflag:$0x0] =	sbarrier.arrive $0xFFFF  }
0xc0: {  	_ =	strace $0x90000047  }
0xc1: {  	s0 =	stileid.u32;
	[bflag:$0x2] =	sbarrier.arrive $0xFFFF  }
0xc2: {  	p0 =	sne.s32 s0, $0x0;
	s0 =	rddreg [dreg:$0x3]  }
0xc3: {  	s0 =	sadd.s32 @!p0 $0x100000, s0  }
0xc4: {  	[sflag:s0] =	ssyncadd.tile.s32 @!p0 $0x1;
	_ =	shalt  }
.Lfunc_end2:
_tile_overlayer_lowered:
.L_overlay_start_2:
0xc5: {  	(tag) =	ssettag $0x2  }
0xc6: {  	s0 =	rddreg [dreg:$0x0];
	s2 =	stileid.u32  }
0xc7: {  	s1 =	rddreg [dreg:$0x1];
	p0 =	sne.s32 s2, $0x0  }
0xc8: {  	s3 =	rddreg [dreg:$0x2];
	[bflag:$0x3] =	sbarrier.arrive $0xFFFF;
	s2 =	simm.s32 @!p0 $0x1C03  }
0xc9: {  	[timem:s3], [sflag:s2] =	dma.local @!p0 [hbm:s0], s1  }
0xca: {  	s0 =	simm.s32 @!p0 $0x3  }
0xcb: {  	_ =	swait.ge @!p0 [sflag:s0], s1  }
0xcc: {  	s1 =	ssub.s32 @!p0 $0x0, s1;
	[sflag:s0] =	ssyncset.done @!p0 $0x0  }
0xcd: {  	[sflag:s0] =	ssyncadd.s32 @!p0 s1  }
0xce: {  	[bflag:$0x3] =	sbarrier.arrive $0xFFFF  }
0xcf: {  	_ =	shalt  }

// kernel: kernel.15.cloned.1.call-start
scs
__scs_entry_jumppad:
0x0: {  	(pc) =	sbr.rel $0x88, $3  }
0x1: {  	(tag) =	ssettag $0x0;
	lr =	simm.s32 $0x1  }
0x2: {  	[smem:$0x3F98] =	sst lr;
	_ =	strace $0xD0000000  }
0x3: {  	_ = 	snop  }
0x4: {  	_ = 	snop  }
0x5: {  	_ = 	snop  }
0x6: {  	_ = 	snop  }
0x7: {  	_ = 	snop  }
__scs_overlays_trampoline_lowered:
0x8: {  	[smem:$0x3FA7] =	sst s0  }
0x9: {  	[smem:$0x3FA8] =	sst s1  }
0xa: {  	[smem:$0x3FA9] =	sst s2  }
0xb: {  	[smem:$0x3FAA] =	sst s3  }
0xc: {  	[smem:$0x3FAB] =	sst s4  }
0xd: {  	[smem:$0x3FAC] =	sst s5  }
0xe: {  	[smem:$0x3FAD] =	sst s6  }
0xf: {  	[smem:$0x3FAE] =	sst s7  }
0x10: {  	[smem:$0x3FAF] =	sst s8  }
0x11: {  	[smem:$0x3FB0] =	sst s9;
	s0 =	simm.s32 @!p0 $0x0  }
0x12: {  	s1 =	sld [smem:$0x3F96];
	s0 =	simm.s32 @p0 $0x1  }
0x13: {  	[smem:$0x3FB1] =	sst s0;
	s0 =	simm.s32 @!p1 $0x0  }
0x14: {  	s2 =	sld [smem:$0x3F95];
	s0 =	simm.s32 @p1 $0x1  }
0x15: {  	[smem:$0x3FB2] =	sst s0;
	s0 =	simm.s32 @!p2 $0x0  }
0x16: {  	s3 =	sld [smem:$0x3FDB];
	s0 =	simm.s32 @p2 $0x1  }
0x17: {  	s4 =	simm.s32 $0x1BF5;
	[smem:$0x3FB4] =	sst s0  }
0x18: {  	s0 =	sld [smem:$0x3F97];
	_ =	swait.ge [sflag:s4], $0x0  }
0x19: {  	s7 =	sld [smem:$0x3F98]  }
0x1a: {  	s8 =	sadd.s32 $0xFFFFE003, lr  }
0x1b: {  	s9 =	sadd.s32 $0xFFFFFEF7, lr;
	s5 =	simm.s32 $0xFFFFFFFF;
	p2 =	slt.u32 s8, $0xFFFFF086  }
0x1c: {  	p1 =	slt.u32 s9, $0xF7A;
	s5 =	simm.s32 @!p2 $0x0  }
0x1d: {  	s5 =	simm.s32 @p1 $0x1;
	p0 =	seq.s32 s7, s2  }
0x1e: {  	s7 =	smul.u32 @!p0 $0xF7A, s2;
	p2 =	seq.s32 @!p0 s5, $0x0  }
0x1f: {  	s9 =	smul.u32 $0xF7A, s1;
	s8 =	simm.s32 @!p0 $0x1BF5;
	p2 =	por !p2, p0  }
0x20: {  	[sflag:s8] =	ssyncset.s32 @!p0 $0xFFFFF086;
	s6 =	sadd.s32 @!p0 s3, s7;
	s7 =	simm.s32 @!p0 $0x108  }
0x21: {  	s3 =	sadd.s32 s3, s9;
	s6 =	sadd.s32 @!p0 $0x88, s6;
	s7 =	simm.s32 @p2 $0x1082  }
0x22: {  	[simem:s7], [sflag:s8] =	dma.local @!p0 [hbm:s6], $0xF7A  }
0x23: {  	s9 =	sor.u32 $0xD0000000, s2;
	s6 =	simm.s32 $0x108;
	_ =	swait.ge @!p0 [sflag:s8], $0x0  }
0x24: {  	s3 =	sadd.s32 $0x88, s3;
	s6 =	simm.s32 @!p1 $0x1082;
	[sflag:s4] =	ssyncset.s32 $0xFFFFF086  }
0x25: {  	[simem:s6], [sflag:s4] =	dma.local [hbm:s3], $0xF7A  }
0x26: {  	[smem:$0x3F98] =	sst s1;
	(tag) =	ssettag s2;
	_ =	strace s9  }
0x27: {  	s1 =	sld [smem:$0x3FA8]  }
0x28: {  	s2 =	sld [smem:$0x3FA9]  }
0x29: {  	s4 =	sld [smem:$0x3FAB]  }
0x2a: {  	p0 =	seq.s32 s5, $0x0;
	s5 =	sld [smem:$0x3FAC]  }
0x2b: {  	s6 =	sld [smem:$0x3FAD]  }
0x2c: {  	s7 =	sld [smem:$0x3FAE]  }
0x2d: {  	s3 =	simm.s32 $0x108;
	s8 =	sld [smem:$0x3FAF]  }
0x2e: {  	s3 =	simm.s32 @!p0 $0x1082;
	s9 =	sld [smem:$0x3FB0]  }
0x2f: {  	lr =	sadd.s32 s0, s3;
	s0 =	sld [smem:$0x3FA7]  }
0x30: {  	s3 =	sld [smem:$0x3FAA]  }
0x31: {  	[smem:$0x3FB3] =	sst s10  }
0x32: {  	s10 =	sld [smem:$0x3FB1];
	_ =	sdelay $0x3  }
0x33: {  	p0 =	seq.s32 s10, $0x1;
	s10 =	sld [smem:$0x3FB3];
	_ =	sdelay $0x3  }
0x34: {  	[smem:$0x3FB3] =	sst s10  }
0x35: {  	s10 =	sld [smem:$0x3FB2];
	_ =	sdelay $0x3  }
0x36: {  	p1 =	seq.s32 s10, $0x1;
	s10 =	sld [smem:$0x3FB3];
	_ =	sdelay $0x3  }
0x37: {  	[smem:$0x3FB3] =	sst s10  }
0x38: {  	s10 =	sld [smem:$0x3FB4]  }
0x39: {  	_ = 	snop;
	(pc) =	sbr.ind lr, $3  }
0x3a: {  	_ = 	snop  }
0x3b: {  	_ = 	snop  }
0x3c: {  	p2 =	seq.s32 s10, $0x1;
	s10 =	sld [smem:$0x3FB3]  }
0x3d: {  	_ =	shalt  }
0x3e: {  	_ =	shalt  }
0x3f: {  	_ =	shalt  }
0x40: {  	_ =	shalt  }
0x41: {  	_ =	shalt  }
0x42: {  	_ =	shalt  }
0x43: {  	_ =	shalt  }
0x44: {  	_ =	shalt  }
0x45: {  	_ =	shalt  }
0x46: {  	_ =	shalt  }
0x47: {  	_ =	shalt  }
0x48: {  	_ =	shalt  }
0x49: {  	_ =	shalt  }
0x4a: {  	_ =	shalt  }
0x4b: {  	_ =	shalt  }
0x4c: {  	_ =	shalt  }
0x4d: {  	_ =	shalt  }
0x4e: {  	_ =	shalt  }
0x4f: {  	_ =	shalt  }
0x50: {  	_ =	shalt  }
0x51: {  	_ =	shalt  }
0x52: {  	_ =	shalt  }
0x53: {  	_ =	shalt  }
0x54: {  	_ =	shalt  }
0x55: {  	_ =	shalt  }
0x56: {  	_ =	shalt  }
0x57: {  	_ =	shalt  }
0x58: {  	_ =	shalt  }
0x59: {  	_ =	shalt  }
0x5a: {  	_ =	shalt  }
0x5b: {  	_ =	shalt  }
0x5c: {  	_ =	shalt  }
0x5d: {  	_ =	shalt  }
0x5e: {  	_ =	shalt  }
0x5f: {  	_ =	shalt  }
0x60: {  	_ =	shalt  }
0x61: {  	_ =	shalt  }
0x62: {  	_ =	shalt  }
0x63: {  	_ =	shalt  }
0x64: {  	_ =	shalt  }
0x65: {  	_ =	shalt  }
0x66: {  	_ =	shalt  }
0x67: {  	_ =	shalt  }
0x68: {  	_ =	shalt  }
0x69: {  	_ =	shalt  }
0x6a: {  	_ =	shalt  }
0x6b: {  	_ =	shalt  }
0x6c: {  	_ =	shalt  }
0x6d: {  	_ =	shalt  }
0x6e: {  	_ =	shalt  }
0x6f: {  	_ =	shalt  }
0x70: {  	_ =	shalt  }
0x71: {  	_ =	shalt  }
0x72: {  	_ =	shalt  }
0x73: {  	_ =	shalt  }
0x74: {  	_ =	shalt  }
0x75: {  	_ =	shalt  }
0x76: {  	_ =	shalt  }
0x77: {  	_ =	shalt  }
0x78: {  	_ =	shalt  }
0x79: {  	_ =	shalt  }
0x7a: {  	_ =	shalt  }
0x7b: {  	_ =	shalt  }
0x7c: {  	_ =	shalt  }
0x7d: {  	_ =	shalt  }
0x7e: {  	_ =	shalt  }
0x7f: {  	_ =	shalt  }
0x80: {  	_ =	shalt  }
0x81: {  	_ =	shalt  }
0x82: {  	_ =	shalt  }
0x83: {  	_ =	shalt  }
0x84: {  	_ =	shalt  }
0x85: {  	_ =	shalt  }
0x86: {  	_ =	shalt  }
0x87: {  	_ =	shalt  }
.Lfunc_end0:
.L_simem_size_0:
called_computation.2_lowered:
.L_overlay_start_0:
0x88: {  	s2 =	sld [smem:$0x3FD9]  }
0x89: {  	s3 =	sld [smem:$0x3FFE];
	_ =	sdelay $0x1  }
0x8a: {  	s1 =	srdreg.scid  }
0x8b: {  	s0 =	sand.u32 $0x1, s1  }
0x8c: {  	s17 =	sshll.u32 s0, $0xA;
	s2 =	sadd.s32 s3, s2  }
0x8d: {  	s2 =	sadd.s32 s2, s17  }
0x8e: {  	[smem:$0x3FBF] =	sst s2  }
0x8f: {  	_ = 	snop  }
0x90: {  	s2 =	sld [smem:$0x3FD0];
	(tm) =	ssettm $0x1  }
0x91: {  	s18 =	sld [smem:$0x3FFB];
	_ =	sdelay $0x3  }
0x92: {  	_ =	strace s18  }
0x93: {  	s3 =	sld [smem:$0x3FFC];
	_ =	sdelay $0x3  }
0x94: {  	_ =	strace s3  }
0x95: {  	s3 =	sld [smem:$0x3FFD];
	_ =	sdelay $0x3  }
0x96: {  	_ =	strace s3  }
0x97: {  	_ =	strace $0x8FFFFFFF  }
0x98: {  	s19 =	sld [smem:$0x3FDB];
	_ =	sdelay $0x1  }
0x99: {  	s4 =	simm.s32 $_scs_section_size  }
0x9a: {  	s5 =	simm.s32 $_size__tile_overlayer_lowered;
	s6 =	simm.s32 $_tile_overlayer_lowered  }
0x9b: {  	s22 =	simm.s32 $0x1BFF;
	s21 =	sshll.u32 s6, $0x1;
	s3 =	sadd.s32 s4, s19  }
0x9c: {  	s7 =	simm.s32 $0x0;
	s20 =	sshll.u32 s5, $0x1;
	s5 =	sadd.s32 s21, s3  }
0x9d: {  	[timem:s7], [sflag:s22] =	dma.local [hbm:s5], s20  }
0x9e: {  	_ =	swait.ge [sflag:s22], s20  }
0x9f: {  	s4 =	ssub.s32 $0x0, s20;
	[sflag:s22] =	ssyncset.done $0x0  }
0xa0: {  	[sflag:s22] =	ssyncadd.s32 s4;
	_ =	sdelay $0x1  }
0xa1: {  	s23 =	simm.s32 $0x1B8B  }
0xa2: {  	_ =	swait.ge [sflag:s23], $0x1  }
0xa3: {  	[sflag:s23] =	ssyncset.done $0x0  }
0xa4: {  	s25 =	simm.s32 $0x1B8E;
	s24 =	sld [smem:$0x3FFE];
	[sflag:s23] =	ssyncadd.s32 $0xFFFFFFFF  }
0xa5: {  	s26 =	simm.s32 $execute0_lowered;
	[smem:$0x3FD2] =	sst s25  }
0xa6: {  	s5 =	sshll.u32 s26, $0x1;
	_ =	strace $0x8000004C;
	[dreg:$0x1] =	wrdreg $0xFFFFFFFF  }
0xa7: {  	s28 =	simm.s32 $_size_execute0_lowered;
	s3 =	sadd.s32 s3, s5;
	[dreg:$0x0] =	wrdreg $0x0  }
0xa8: {  	s5 =	sshll.u32 s28, $0x1;
	[dreg:$0x2] =	wrdreg s3  }
0xa9: {  	[dreg:$0x3] =	wrdreg s5  }
0xaa: {  	[dreg:$0x4] =	wrdreg $0xC0  }
0xab: {  	_ =	task [dreg:s7], $0x5FFFF  }
0xac: {  	[dreg:$0x1] =	wrdreg $0xFFFFFFFF  }
0xad: {  	[dreg:$0x0] =	wrdreg $0x60  }
0xae: {  	[dreg:$0x2] =	wrdreg s24  }
0xaf: {  	[dreg:$0x3] =	wrdreg s2  }
0xb0: {  	[dreg:$0x4] =	wrdreg $0x0  }
0xb1: {  	[dreg:$0x5] =	wrdreg $0x9  }
0xb2: {  	_ =	task.clear_ibuf [dreg:s7], $0x6FFFF;
	_ =	strace $0x9000004C  }
0xb3: {  	s29 =	simm.s32 $0x9;
	_ =	strace $0x8000004E  }
0xb4: {  	_ =	swait.ge [sflag:s29], $0x1  }
0xb5: {  	[sflag:s29] =	ssyncadd.s32 $0xFFFFFFFF  }
0xb6: {  	_ =	strace $0x9000004E  }
0xb7: {  	_ =	sfence  }
0xb8: {  	s30 =	sld [smem:$0x0];
	_ =	sdelay $0x2  }
0xb9: {  	s31 =	sshll.u32 s1, $0xD;
	s1 =	sshrl.u32 s1, $0x2  }
0xba: {  	s3 =	sand.u32 $0x4000, s31;
	s1 =	sadd.s32 s1, s30  }
0xbb: {  	s0 =	sor.u32 s3, s0;
	s1 =	sshll.u32 s1, $0x11  }
0xbc: {  	s0 =	sor.u32 s1, s0  }
0xbd: {  	s0 =	sadd.s32 $0x8F2B, s0  }
0xbe: {  	[sflag:s0] =	ssyncadd.remote.s32 $0x1  }
0xbf: {  	_ =	sfence.sel $0xFFFF  }
0xc0: {  	[dreg:$0x0] =	wrdreg $0xFFFFFFFF;
	(pc) =	sbr.abs _section_cstart, $3  }
0xc1: {  	[dreg:$0x1] =	wrdreg $0xFFFFFFFF  }
0xc2: {  	_ =	task.clear_ibuf [dreg:s7], $0x2FFFF;
	_ =	strace $0x9FFFFFFF  }
0xc3: {  	(tm) =	ssettm $0x7FFFFFFF  }
tec
execute0_lowered:
.L_overlay_start_1:
0x0: {  	(tag) =	ssettag $0x1  }
0x1: {  	s0 =	rddreg [dreg:$0x0]  }
0x2: {  	s1 =	rddreg [dreg:$0x1]  }
0x3: {  	s2 =	rddreg [dreg:$0x2];
	s3 =	simm.s32 $0x0  }
0x4: {  	s4 =	srdreg.scid;
	s10 =	stileid.u32;
	s20 =	simm.s32 $0x14100  }
0x5: {  	s21 =	simm.s32 $0x3;
	s22 =	simm.s32 $0x14000;
	s23 =	simm.s32 $0x14080  }
0x6: {  	s28 =	simm.s32 $0x18200;
	s29 =	simm.s32 $0x1;
	s30 =	simm.s32 $0x2  }
0x7: {  	s31 =	simm.s32 $0x0;
	[smem:$0x7FF] =	sst s3;
	s5 =	sadd.s32 $0x7000, s0  }
0x8: {  	s6 =	sadd.s32 $0x2000, s0;
	s7 =	sadd.s32 $0x33B600, s0;
	s8 =	smul.u32 $0x50000, s10  }
0x9: {  	s4 =	sand.u32 $0x1, s4;
	s0 =	sadd.s32 $0x33BE00, s0;
	s12 =	smul.u32 $0x14000, s10  }
0xa: {  	s25 =	sshll.u32 s10, $0x1;
	_ =	strace $0x8000004D;
	[dreg:$0x4] =	wrdreg s7  }
0xb: {  	s24 =	ssub.s32 $0x2, s4;
	s13 =	sor.u32 s4, s25;
	s4 =	smul.u32 $0x140000, s4  }
0xc: {  	s25 =	simm.s32 $0x18100;
	s9 =	sshrl.u32 s24, $0x1;
	s8 =	sshrl.u32 s8, $0x2  }
0xd: {  	s14 =	sadd.s32 $0x4000, s12;
	s16 =	sadd.s32 $0x8000, s12;
	s17 =	sadd.s32 $0xC000, s12  }
0xe: {  	s18 =	sadd.s32 $0x10000, s12;
	s13 =	smul.u32 $0x1400, s13;
	s7 =	ssub.s32 s24, s9  }
0xf: {  	s8 =	sadd.s32 s8, s2;
	s9 =	sadd.s32 s14, s2;
	s10 =	sadd.s32 s16, s2  }
0x10: {  	s11 =	sadd.s32 s17, s2;
	s15 =	sadd.s32 s12, s4;
	s14 =	sadd.s32 s4, s14  }
0x11: {  	s12 =	sadd.s32 s18, s2;
	s16 =	sadd.s32 s4, s16;
	s17 =	sadd.s32 s4, s17  }
0x12: {  	s4 =	sadd.s32 s4, s18;
	s24 =	simm.s32 $0x80;
	s15 =	sshrl.u32 s15, $0x3  }
0x13: {  	s19 =	sshrl.u32 s14, $0x3;
	s16 =	sshrl.u32 s16, $0x3;
	s17 =	sshrl.u32 s17, $0x3  }
0x14: {  	s4 =	sshrl.u32 s4, $0x3;
	s26 =	sadd.s32 s0, s15;
	s15 =	sadd.s32 s0, s19  }
0x15: {  	s16 =	sadd.s32 s0, s16;
	s17 =	sadd.s32 s0, s17;
	s18 =	sadd.s32 s0, s4  }
0x16: {  	s19 =	smax.u32 s7, $0x1;
	[dreg:$0x5] =	wrdreg s26;
	s26 =	simm.s32 $0x18180  }
.LBB2_1:
0x17: {  	s0 =	rddreg [dreg:$0x4]  }
0x18: {  	[tilespmem:s20], [sflag:$0x3] =	stream.linear.gather [hbm4b:s0+s3], $0x4000, $0x38;
	[tilespmem:$0x1C200] =	vst v63  }
0x19: {  	_ =	swait.ge [sflag:s21], $0x4000  }
0x1a: {  	[sflag:s21] =	ssyncset.done $0x0  }
0x1b: {  	[sflag:s21] =	ssyncadd.s32 $0xFFFFC000  }
0x1c: {  	[spmem:s8] =	stream.linear.scatter [tilespmem:s20], [sflag:$0x3], $0x4000, $0x38;
	[tilespmem:$0x1C200] =	vst v63  }
0x1d: {  	_ =	swait.ge [sflag:s21], $0x4000  }
0x1e: {  	[sflag:s21] =	ssyncset.done $0x0  }
0x1f: {  	[sflag:s21] =	ssyncadd.s32 $0xFFFFC000  }
0x20: {  	[spmem:s9] =	stream.linear.scatter [tilespmem:s20], [sflag:$0x3], $0x4000, $0x38;
	[tilespmem:$0x1C200] =	vst v63  }
0x21: {  	_ =	swait.ge [sflag:s21], $0x4000  }
0x22: {  	[sflag:s21] =	ssyncset.done $0x0  }
0x23: {  	[sflag:s21] =	ssyncadd.s32 $0xFFFFC000  }
0x24: {  	[spmem:s10] =	stream.linear.scatter [tilespmem:s20], [sflag:$0x3], $0x4000, $0x38;
	[tilespmem:$0x1C200] =	vst v63  }
0x25: {  	_ =	swait.ge [sflag:s21], $0x4000  }
0x26: {  	[sflag:s21] =	ssyncset.done $0x0  }
0x27: {  	[sflag:s21] =	ssyncadd.s32 $0xFFFFC000  }
0x28: {  	[spmem:s11] =	stream.linear.scatter [tilespmem:s20], [sflag:$0x3], $0x4000, $0x38;
	[tilespmem:$0x1C200] =	vst v63  }
0x29: {  	_ =	swait.ge [sflag:s21], $0x4000  }
0x2a: {  	[sflag:s21] =	ssyncset.done $0x0  }
0x2b: {  	s7 =	sand.u32 $0x1C00, s3;
	[sflag:s21] =	ssyncadd.s32 $0xFFFFC000  }
0x2c: {  	[spmem:s12] =	stream.linear.scatter [tilespmem:s20], [sflag:$0x3], $0x4000, $0x38;
	[tilespmem:$0x1C200] =	vst v63  }
0x2d: {  	s4 =	sand.u32 $0x300, s3;
	s0 =	sadd.s32 s13, s7;
	_ =	swait.ge [sflag:s21], $0x4000  }
0x2e: {  	s0 =	sor.u32 s4, s0;
	[sflag:s21] =	ssyncset.done $0x0  }
0x2f: {  	s0 =	sshrl.u32 s0, $0x3;
	[sflag:s21] =	ssyncadd.s32 $0xFFFFC000  }
0x30: {  	s14 =	sadd.s32 s1, s0;
	[bflag:$0x0] =	sbarrier.arrive $0xFFFF  }
0x31: {  	[tilespmem:s22], [sflag:$0x3] =	stream.linear.gather [hbm4b:s14+s3], $0x80, $0x38;
	[tilespmem:$0x1C200] =	vst v63  }
0x32: {  	_ =	swait.ge [sflag:s21], $0x80  }
0x33: {  	[sflag:s21] =	ssyncset.done $0x0  }
0x34: {  	s7 =	sadd.s32 s6, s0;
	[sflag:s21] =	ssyncadd.s32 $0xFFFFFF80  }
0x35: {  	[tilespmem:s23], [sflag:$0x3] =	stream.linear.gather [hbm4b:s7+s3], $0x80, $0x38;
	[tilespmem:$0x1C200] =	vst v63  }
0x36: {  	_ =	swait.ge [sflag:s21], $0x80  }
0x37: {  	[sflag:s21] =	ssyncset.done $0x0  }
0x38: {  	s0 =	sor.u32 $0x10, s0;
	[sflag:s21] =	ssyncadd.s32 $0xFFFFFF80  }
0x39: {  	[tilespmem:s20], [sflag:$0x1] =	stream.indirect.gather [hbm4b:s5+s24], $0x80, s22, s24, $0xb8;
	[tilespmem:$0x1C200] =	vst v63  }
0x3a: {  	s14 =	sadd.s32 s1, s0  }
0x3b: {  	[tilespmem:s25], [sflag:$0x3] =	stream.linear.gather [hbm4b:s14+s3], $0x80, $0x38;
	[tilespmem:$0x1C200] =	vst v63  }
0x3c: {  	_ =	swait.ge [sflag:s21], $0x80  }
0x3d: {  	[sflag:s21] =	ssyncset.done $0x0  }
0x3e: {  	s0 =	sadd.s32 s6, s0;
	[sflag:s21] =	ssyncadd.s32 $0xFFFFFF80  }
0x3f: {  	[tilespmem:s26], [sflag:$0x3] =	stream.linear.gather [hbm4b:s0+s3], $0x80, $0x38;
	[tilespmem:$0x1C200] =	vst v63  }
0x40: {  	_ =	swait.ge [sflag:s21], $0x80  }
0x41: {  	[sflag:s21] =	ssyncset.done $0x0  }
0x42: {  	[sflag:s21] =	ssyncadd.s32 $0xFFFFFF80  }
0x43: {  	[tilespmem:s28], [sflag:$0x2] =	stream.indirect.gather [hbm4b:s5+s24], $0x80, s25, s24, $0xb8;
	[tilespmem:$0x1C200] =	vst v63  }
0x44: {  	_ =	swait.ge [sflag:s29], $0x4000  }
0x45: {  	[sflag:s29] =	ssyncset.done $0x0  }
0x46: {  	[sflag:s29] =	ssyncadd.s32 $0xFFFFC000  }
0x47: {  	[spmem:s2] =	stream.indirect.scatter.add.f32 [tilespmem:s20], [sflag:$0x3], $0x80, s23, s24, $0xb8;
	[tilespmem:$0x1C200] =	vst v63  }
0x48: {  	_ =	swait.ge [sflag:s21], $0x4000  }
0x49: {  	s7 =	simm.s32 $0x100;
	[sflag:s21] =	ssyncset.done $0x0  }
0x4a: {  	s14 =	sand.u32 $0x1C00, s7;
	[sflag:s21] =	ssyncadd.s32 $0xFFFFC000  }
0x4b: {  	s4 =	sadd.s32 s13, s14;
	s0 =	sand.u32 $0x300, s7;
	_ =	swait.ge [sflag:s30], $0x4000  }
0x4c: {  	s4 =	sor.u32 s0, s4;
	[sflag:s30] =	ssyncset.done $0x0  }
0x4d: {  	s0 =	simm.s32 $0x200;
	s7 =	sshrl.u32 s4, $0x3;
	[sflag:s30] =	ssyncadd.s32 $0xFFFFC000  }
.LBB2_2:
0x4e: {  	[spmem:s2] =	stream.indirect.scatter.add.f32 [tilespmem:s28], [sflag:$0x3], $0x80, s26, s24, $0xb8;
	[tilespmem:$0x1C200] =	vst v63  }
0x4f: {  	s4 =	smov.u32 s0  }
0x50: {  	p0 =	sne.s32 s0, $0x1300;
	s0 =	sadd.s32 $0x100, s0;
	_ =	swait.ge [sflag:s21], $0x4000  }
0x51: {  	[sflag:s21] =	ssyncset.done $0x0  }
0x52: {  	s14 =	sadd.s32 s1, s7;
	[sflag:s21] =	ssyncadd.s32 $0xFFFFC000  }
0x53: {  	[tilespmem:s22], [sflag:$0x3] =	stream.linear.gather [hbm4b:s14+s3], $0x80, $0x38;
	[tilespmem:$0x1C200] =	vst v63  }
0x54: {  	_ =	swait.ge [sflag:s21], $0x80  }
0x55: {  	[sflag:s21] =	ssyncset.done $0x0  }
0x56: {  	s14 =	sadd.s32 s6, s7;
	[sflag:s21] =	ssyncadd.s32 $0xFFFFFF80  }
0x57: {  	[tilespmem:s23], [sflag:$0x3] =	stream.linear.gather [hbm4b:s14+s3], $0x80, $0x38;
	[tilespmem:$0x1C200] =	vst v63  }
0x58: {  	_ =	swait.ge [sflag:s21], $0x80  }
0x59: {  	[sflag:s21] =	ssyncset.done $0x0  }
0x5a: {  	s7 =	sor.u32 $0x10, s7;
	[sflag:s21] =	ssyncadd.s32 $0xFFFFFF80  }
0x5b: {  	[tilespmem:s20], [sflag:$0x1] =	stream.indirect.gather [hbm4b:s5+s24], $0x80, s22, s24, $0xb8;
	[tilespmem:$0x1C200] =	vst v63  }
0x5c: {  	s14 =	sadd.s32 s1, s7  }
0x5d: {  	[tilespmem:s25], [sflag:$0x3] =	stream.linear.gather [hbm4b:s14+s3], $0x80, $0x38;
	[tilespmem:$0x1C200] =	vst v63  }
0x5e: {  	_ =	swait.ge [sflag:s21], $0x80  }
0x5f: {  	[sflag:s21] =	ssyncset.done $0x0  }
0x60: {  	s7 =	sadd.s32 s6, s7;
	[sflag:s21] =	ssyncadd.s32 $0xFFFFFF80  }
0x61: {  	[tilespmem:s26], [sflag:$0x3] =	stream.linear.gather [hbm4b:s7+s3], $0x80, $0x38;
	[tilespmem:$0x1C200] =	vst v63  }
0x62: {  	_ =	swait.ge [sflag:s21], $0x80  }
0x63: {  	[sflag:s21] =	ssyncset.done $0x0  }
0x64: {  	[sflag:s21] =	ssyncadd.s32 $0xFFFFFF80  }
0x65: {  	[tilespmem:s28], [sflag:$0x2] =	stream.indirect.gather [hbm4b:s5+s24], $0x80, s25, s24, $0xb8;
	[tilespmem:$0x1C200] =	vst v63  }
0x66: {  	_ =	swait.ge [sflag:s29], $0x4000  }
0x67: {  	[sflag:s29] =	ssyncset.done $0x0  }
0x68: {  	[sflag:s29] =	ssyncadd.s32 $0xFFFFC000  }
0x69: {  	[spmem:s2] =	stream.indirect.scatter.add.f32 [tilespmem:s20], [sflag:$0x3], $0x80, s23, s24, $0xb8;
	[tilespmem:$0x1C200] =	vst v63  }
0x6a: {  	_ =	swait.ge [sflag:s21], $0x4000  }
.Ltmp0:
0x6b: {  	[sflag:s21] =	ssyncset.done $0x0;
	(pc) =	sbr.rel @p0 .LBB2_2-.Ltmp0, $4  }
0x6c: {  	s7 =	sand.u32 $0x1C00, s4;
	[sflag:s21] =	ssyncadd.s32 $0xFFFFC000  }
0x6d: {  	s4 =	sand.u32 $0x300, s4;
	s7 =	sadd.s32 s13, s7;
	_ =	swait.ge [sflag:s30], $0x4000  }
0x6e: {  	s4 =	sor.u32 s4, s7;
	[sflag:s30] =	ssyncset.done $0x0  }
0x6f: {  	s7 =	sshrl.u32 s4, $0x3;
	[sflag:s30] =	ssyncadd.s32 $0xFFFFC000  }
0x70: {  	[spmem:s2] =	stream.indirect.scatter.add.f32 [tilespmem:s28], [sflag:$0x3], $0x80, s26, s24, $0xb8;
	[tilespmem:$0x1C200] =	vst v63  }
0x71: {  	_ =	swait.ge [sflag:s21], $0x4000  }
0x72: {  	[sflag:s21] =	ssyncset.done $0x0  }
0x73: {  	s0 =	sadd.s32 s1, s7;
	[sflag:s21] =	ssyncadd.s32 $0xFFFFC000  }
0x74: {  	[tilespmem:s22], [sflag:$0x3] =	stream.linear.gather [hbm4b:s0+s3], $0x80, $0x38;
	[tilespmem:$0x1C200] =	vst v63  }
0x75: {  	_ =	swait.ge [sflag:s21], $0x80  }
0x76: {  	[sflag:s21] =	ssyncset.done $0x0  }
0x77: {  	s4 =	sadd.s32 s6, s7;
	[sflag:s21] =	ssyncadd.s32 $0xFFFFFF80  }
0x78: {  	[tilespmem:s23], [sflag:$0x3] =	stream.linear.gather [hbm4b:s4+s3], $0x80, $0x38;
	[tilespmem:$0x1C200] =	vst v63  }
0x79: {  	_ =	swait.ge [sflag:s21], $0x80  }
0x7a: {  	[sflag:s21] =	ssyncset.done $0x0  }
0x7b: {  	s7 =	sor.u32 $0x10, s7;
	[sflag:s21] =	ssyncadd.s32 $0xFFFFFF80  }
0x7c: {  	[tilespmem:s20], [sflag:$0x1] =	stream.indirect.gather [hbm4b:s5+s24], $0x80, s22, s24, $0xb8;
	[tilespmem:$0x1C200] =	vst v63  }
0x7d: {  	s4 =	sadd.s32 s1, s7  }
0x7e: {  	[tilespmem:s25], [sflag:$0x3] =	stream.linear.gather [hbm4b:s4+s3], $0x80, $0x38;
	[tilespmem:$0x1C200] =	vst v63  }
0x7f: {  	_ =	swait.ge [sflag:s21], $0x80  }
0x80: {  	[sflag:s21] =	ssyncset.done $0x0  }
0x81: {  	s0 =	sadd.s32 s6, s7;
	[sflag:s21] =	ssyncadd.s32 $0xFFFFFF80  }
0x82: {  	[tilespmem:s26], [sflag:$0x3] =	stream.linear.gather [hbm4b:s0+s3], $0x80, $0x38;
	[tilespmem:$0x1C200] =	vst v63  }
0x83: {  	_ =	swait.ge [sflag:s21], $0x80  }
0x84: {  	[sflag:s21] =	ssyncset.done $0x0  }
0x85: {  	[sflag:s21] =	ssyncadd.s32 $0xFFFFFF80  }
0x86: {  	[tilespmem:s28], [sflag:$0x2] =	stream.indirect.gather [hbm4b:s5+s24], $0x80, s25, s24, $0xb8;
	[tilespmem:$0x1C200] =	vst v63  }
0x87: {  	_ =	swait.ge [sflag:s29], $0x4000  }
0x88: {  	[sflag:s29] =	ssyncset.done $0x0  }
0x89: {  	[sflag:s29] =	ssyncadd.s32 $0xFFFFC000  }
0x8a: {  	[spmem:s2] =	stream.indirect.scatter.add.f32 [tilespmem:s20], [sflag:$0x3], $0x80, s23, s24, $0xb8;
	[tilespmem:$0x1C200] =	vst v63  }
0x8b: {  	_ =	swait.ge [sflag:s21], $0x4000  }
0x8c: {  	[sflag:s21] =	ssyncset.done $0x0  }
0x8d: {  	[sflag:s21] =	ssyncadd.s32 $0xFFFFC000  }
0x8e: {  	_ =	swait.ge [sflag:s30], $0x4000  }
0x8f: {  	[sflag:s30] =	ssyncset.done $0x0  }
0x90: {  	[sflag:s30] =	ssyncadd.s32 $0xFFFFC000  }
0x91: {  	[spmem:s2] =	stream.indirect.scatter.add.f32 [tilespmem:s28], [sflag:$0x3], $0x80, s26, s24, $0xb8;
	[tilespmem:$0x1C200] =	vst v63  }
0x92: {  	_ =	swait.ge [sflag:s21], $0x4000  }
0x93: {  	[sflag:s21] =	ssyncset.done $0x0  }
0x94: {  	[sflag:s21] =	ssyncadd.s32 $0xFFFFC000  }
0x95: {  	[bflag:$0x0] =	sbarrier.arrive $0xFFFF  }
0x96: {  	[tilespmem:s20], [sflag:$0x3] =	stream.linear.gather [spmem:s8], $0x4000, $0x38;
	[tilespmem:$0x1C200] =	vst v63  }
0x97: {  	_ =	swait.ge [sflag:s21], $0x4000  }
0x98: {  	[sflag:s21] =	ssyncset.done $0x0  }
0x99: {  	s14 =	rddreg [dreg:$0x5];
	[sflag:s21] =	ssyncadd.s32 $0xFFFFC000  }
0x9a: {  	[hbm4b:s14+s3] =	stream.linear.scatter [tilespmem:s20], [sflag:$0x3], $0x4000, $0x38;
	[tilespmem:$0x1C200] =	vst v63  }
0x9b: {  	_ =	swait.ge [sflag:s21], $0x4000  }
0x9c: {  	[sflag:s21] =	ssyncset.done $0x0  }
0x9d: {  	[sflag:s21] =	ssyncadd.s32 $0xFFFFC000  }
0x9e: {  	[tilespmem:s20], [sflag:$0x3] =	stream.linear.gather [spmem:s9], $0x4000, $0x38;
	[tilespmem:$0x1C200] =	vst v63  }
0x9f: {  	_ =	swait.ge [sflag:s21], $0x4000  }
0xa0: {  	[sflag:s21] =	ssyncset.done $0x0  }
0xa1: {  	[sflag:s21] =	ssyncadd.s32 $0xFFFFC000  }
0xa2: {  	[hbm4b:s15+s3] =	stream.linear.scatter [tilespmem:s20], [sflag:$0x3], $0x4000, $0x38;
	[tilespmem:$0x1C200] =	vst v63  }
0xa3: {  	_ =	swait.ge [sflag:s21], $0x4000  }
0xa4: {  	[sflag:s21] =	ssyncset.done $0x0  }
0xa5: {  	[sflag:s21] =	ssyncadd.s32 $0xFFFFC000  }
0xa6: {  	[tilespmem:s20], [sflag:$0x3] =	stream.linear.gather [spmem:s10], $0x4000, $0x38;
	[tilespmem:$0x1C200] =	vst v63  }
0xa7: {  	_ =	swait.ge [sflag:s21], $0x4000  }
0xa8: {  	[sflag:s21] =	ssyncset.done $0x0  }
0xa9: {  	[sflag:s21] =	ssyncadd.s32 $0xFFFFC000  }
0xaa: {  	[hbm4b:s16+s3] =	stream.linear.scatter [tilespmem:s20], [sflag:$0x3], $0x4000, $0x38;
	[tilespmem:$0x1C200] =	vst v63  }
0xab: {  	_ =	swait.ge [sflag:s21], $0x4000  }
0xac: {  	[sflag:s21] =	ssyncset.done $0x0  }
0xad: {  	[sflag:s21] =	ssyncadd.s32 $0xFFFFC000  }
0xae: {  	[tilespmem:s20], [sflag:$0x3] =	stream.linear.gather [spmem:s11], $0x4000, $0x38;
	[tilespmem:$0x1C200] =	vst v63  }
0xaf: {  	_ =	swait.ge [sflag:s21], $0x4000  }
0xb0: {  	[sflag:s21] =	ssyncset.done $0x0  }
0xb1: {  	[sflag:s21] =	ssyncadd.s32 $0xFFFFC000  }
0xb2: {  	[hbm4b:s17+s3] =	stream.linear.scatter [tilespmem:s20], [sflag:$0x3], $0x4000, $0x38;
	[tilespmem:$0x1C200] =	vst v63  }
0xb3: {  	_ =	swait.ge [sflag:s21], $0x4000  }
0xb4: {  	[sflag:s21] =	ssyncset.done $0x0  }
0xb5: {  	[sflag:s21] =	ssyncadd.s32 $0xFFFFC000  }
0xb6: {  	[tilespmem:s20], [sflag:$0x3] =	stream.linear.gather [spmem:s12], $0x4000, $0x38;
	[tilespmem:$0x1C200] =	vst v63  }
0xb7: {  	s31 =	sadd.s32 $0x1, s31;
	_ =	swait.ge [sflag:s21], $0x4000  }
0xb8: {  	p0 =	sne.s32 s31, s19;
	[sflag:s21] =	ssyncset.done $0x0  }
.Ltmp1:
0xb9: {  	[sflag:s21] =	ssyncadd.s32 $0xFFFFC000;
	(pc) =	sbr.rel @p0 .LBB2_1-.Ltmp1, $4  }
0xba: {  	[hbm4b:s18+s3] =	stream.linear.scatter [tilespmem:s20], [sflag:$0x3], $0x4000, $0x38;
	[tilespmem:$0x1C200] =	vst v63  }
0xbb: {  	_ =	swait.ge [sflag:s21], $0x4000  }
0xbc: {  	[sflag:s21] =	ssyncset.done $0x0  }
0xbd: {  	[sflag:s21] =	ssyncadd.s32 $0xFFFFC000  }
0xbe: {  	_ =	sfence.sel $0x180000  }
0xbf: {  	[bflag:$0x0] =	sbarrier.arrive $0xFFFF  }
0xc0: {  	_ =	strace $0x9000004D  }
0xc1: {  	s0 =	stileid.u32;
	[bflag:$0x2] =	sbarrier.arrive $0xFFFF  }
0xc2: {  	p0 =	sne.s32 s0, $0x0;
	s0 =	rddreg [dreg:$0x3]  }
0xc3: {  	s0 =	sadd.s32 @!p0 $0x100000, s0  }
0xc4: {  	[sflag:s0] =	ssyncadd.tile.s32 @!p0 $0x1;
	_ =	shalt  }
.Lfunc_end2:
_tile_overlayer_lowered:
.L_overlay_start_2:
0xc5: {  	(tag) =	ssettag $0x2  }
0xc6: {  	s0 =	rddreg [dreg:$0x0];
	s2 =	stileid.u32  }
0xc7: {  	s1 =	rddreg [dreg:$0x1];
	p0 =	sne.s32 s2, $0x0  }
0xc8: {  	s3 =	rddreg [dreg:$0x2];
	[bflag:$0x3] =	sbarrier.arrive $0xFFFF;
	s2 =	simm.s32 @!p0 $0x1C03  }
0xc9: {  	[timem:s3], [sflag:s2] =	dma.local @!p0 [hbm:s0], s1  }
0xca: {  	s0 =	simm.s32 @!p0 $0x3  }
0xcb: {  	_ =	swait.ge @!p0 [sflag:s0], s1  }
0xcc: {  	s1 =	ssub.s32 @!p0 $0x0, s1;
	[sflag:s0] =	ssyncset.done @!p0 $0x0  }
0xcd: {  	[sflag:s0] =	ssyncadd.s32 @!p0 s1  }
0xce: {  	[bflag:$0x3] =	sbarrier.arrive $0xFFFF  }
0xcf: {  	_ =	shalt  }

// kernel: kernel.9.cloned.1.call-start
scs
__scs_entry_jumppad:
0x0: {  	(pc) =	sbr.rel $0x88, $3  }
0x1: {  	(tag) =	ssettag $0x0;
	lr =	simm.s32 $0x1  }
0x2: {  	[smem:$0x3F98] =	sst lr;
	_ =	strace $0xD0000000  }
0x3: {  	_ = 	snop  }
0x4: {  	_ = 	snop  }
0x5: {  	_ = 	snop  }
0x6: {  	_ = 	snop  }
0x7: {  	_ = 	snop  }
__scs_overlays_trampoline_lowered:
0x8: {  	[smem:$0x3FA7] =	sst s0  }
0x9: {  	[smem:$0x3FA8] =	sst s1  }
0xa: {  	[smem:$0x3FA9] =	sst s2  }
0xb: {  	[smem:$0x3FAA] =	sst s3  }
0xc: {  	[smem:$0x3FAB] =	sst s4  }
0xd: {  	[smem:$0x3FAC] =	sst s5  }
0xe: {  	[smem:$0x3FAD] =	sst s6  }
0xf: {  	[smem:$0x3FAE] =	sst s7  }
0x10: {  	[smem:$0x3FAF] =	sst s8  }
0x11: {  	[smem:$0x3FB0] =	sst s9;
	s0 =	simm.s32 @!p0 $0x0  }
0x12: {  	s1 =	sld [smem:$0x3F96];
	s0 =	simm.s32 @p0 $0x1  }
0x13: {  	[smem:$0x3FB1] =	sst s0;
	s0 =	simm.s32 @!p1 $0x0  }
0x14: {  	s2 =	sld [smem:$0x3F95];
	s0 =	simm.s32 @p1 $0x1  }
0x15: {  	[smem:$0x3FB2] =	sst s0;
	s0 =	simm.s32 @!p2 $0x0  }
0x16: {  	s3 =	sld [smem:$0x3FDB];
	s0 =	simm.s32 @p2 $0x1  }
0x17: {  	s4 =	simm.s32 $0x1BF5;
	[smem:$0x3FB4] =	sst s0  }
0x18: {  	s0 =	sld [smem:$0x3F97];
	_ =	swait.ge [sflag:s4], $0x0  }
0x19: {  	s7 =	sld [smem:$0x3F98]  }
0x1a: {  	s8 =	sadd.s32 $0xFFFFE003, lr  }
0x1b: {  	s9 =	sadd.s32 $0xFFFFFEF7, lr;
	s5 =	simm.s32 $0xFFFFFFFF;
	p2 =	slt.u32 s8, $0xFFFFF086  }
0x1c: {  	p1 =	slt.u32 s9, $0xF7A;
	s5 =	simm.s32 @!p2 $0x0  }
0x1d: {  	s5 =	simm.s32 @p1 $0x1;
	p0 =	seq.s32 s7, s2  }
0x1e: {  	s7 =	smul.u32 @!p0 $0xF7A, s2;
	p2 =	seq.s32 @!p0 s5, $0x0  }
0x1f: {  	s9 =	smul.u32 $0xF7A, s1;
	s8 =	simm.s32 @!p0 $0x1BF5;
	p2 =	por !p2, p0  }
0x20: {  	[sflag:s8] =	ssyncset.s32 @!p0 $0xFFFFF086;
	s6 =	sadd.s32 @!p0 s3, s7;
	s7 =	simm.s32 @!p0 $0x108  }
0x21: {  	s3 =	sadd.s32 s3, s9;
	s6 =	sadd.s32 @!p0 $0x88, s6;
	s7 =	simm.s32 @p2 $0x1082  }
0x22: {  	[simem:s7], [sflag:s8] =	dma.local @!p0 [hbm:s6], $0xF7A  }
0x23: {  	s9 =	sor.u32 $0xD0000000, s2;
	s6 =	simm.s32 $0x108;
	_ =	swait.ge @!p0 [sflag:s8], $0x0  }
0x24: {  	s3 =	sadd.s32 $0x88, s3;
	s6 =	simm.s32 @!p1 $0x1082;
	[sflag:s4] =	ssyncset.s32 $0xFFFFF086  }
0x25: {  	[simem:s6], [sflag:s4] =	dma.local [hbm:s3], $0xF7A  }
0x26: {  	[smem:$0x3F98] =	sst s1;
	(tag) =	ssettag s2;
	_ =	strace s9  }
0x27: {  	s1 =	sld [smem:$0x3FA8]  }
0x28: {  	s2 =	sld [smem:$0x3FA9]  }
0x29: {  	s4 =	sld [smem:$0x3FAB]  }
0x2a: {  	p0 =	seq.s32 s5, $0x0;
	s5 =	sld [smem:$0x3FAC]  }
0x2b: {  	s6 =	sld [smem:$0x3FAD]  }
0x2c: {  	s7 =	sld [smem:$0x3FAE]  }
0x2d: {  	s3 =	simm.s32 $0x108;
	s8 =	sld [smem:$0x3FAF]  }
0x2e: {  	s3 =	simm.s32 @!p0 $0x1082;
	s9 =	sld [smem:$0x3FB0]  }
0x2f: {  	lr =	sadd.s32 s0, s3;
	s0 =	sld [smem:$0x3FA7]  }
0x30: {  	s3 =	sld [smem:$0x3FAA]  }
0x31: {  	[smem:$0x3FB3] =	sst s10  }
0x32: {  	s10 =	sld [smem:$0x3FB1];
	_ =	sdelay $0x3  }
0x33: {  	p0 =	seq.s32 s10, $0x1;
	s10 =	sld [smem:$0x3FB3];
	_ =	sdelay $0x3  }
0x34: {  	[smem:$0x3FB3] =	sst s10  }
0x35: {  	s10 =	sld [smem:$0x3FB2];
	_ =	sdelay $0x3  }
0x36: {  	p1 =	seq.s32 s10, $0x1;
	s10 =	sld [smem:$0x3FB3];
	_ =	sdelay $0x3  }
0x37: {  	[smem:$0x3FB3] =	sst s10  }
0x38: {  	s10 =	sld [smem:$0x3FB4]  }
0x39: {  	_ = 	snop;
	(pc) =	sbr.ind lr, $3  }
0x3a: {  	_ = 	snop  }
0x3b: {  	_ = 	snop  }
0x3c: {  	p2 =	seq.s32 s10, $0x1;
	s10 =	sld [smem:$0x3FB3]  }
0x3d: {  	_ =	shalt  }
0x3e: {  	_ =	shalt  }
0x3f: {  	_ =	shalt  }
0x40: {  	_ =	shalt  }
0x41: {  	_ =	shalt  }
0x42: {  	_ =	shalt  }
0x43: {  	_ =	shalt  }
0x44: {  	_ =	shalt  }
0x45: {  	_ =	shalt  }
0x46: {  	_ =	shalt  }
0x47: {  	_ =	shalt  }
0x48: {  	_ =	shalt  }
0x49: {  	_ =	shalt  }
0x4a: {  	_ =	shalt  }
0x4b: {  	_ =	shalt  }
0x4c: {  	_ =	shalt  }
0x4d: {  	_ =	shalt  }
0x4e: {  	_ =	shalt  }
0x4f: {  	_ =	shalt  }
0x50: {  	_ =	shalt  }
0x51: {  	_ =	shalt  }
0x52: {  	_ =	shalt  }
0x53: {  	_ =	shalt  }
0x54: {  	_ =	shalt  }
0x55: {  	_ =	shalt  }
0x56: {  	_ =	shalt  }
0x57: {  	_ =	shalt  }
0x58: {  	_ =	shalt  }
0x59: {  	_ =	shalt  }
0x5a: {  	_ =	shalt  }
0x5b: {  	_ =	shalt  }
0x5c: {  	_ =	shalt  }
0x5d: {  	_ =	shalt  }
0x5e: {  	_ =	shalt  }
0x5f: {  	_ =	shalt  }
0x60: {  	_ =	shalt  }
0x61: {  	_ =	shalt  }
0x62: {  	_ =	shalt  }
0x63: {  	_ =	shalt  }
0x64: {  	_ =	shalt  }
0x65: {  	_ =	shalt  }
0x66: {  	_ =	shalt  }
0x67: {  	_ =	shalt  }
0x68: {  	_ =	shalt  }
0x69: {  	_ =	shalt  }
0x6a: {  	_ =	shalt  }
0x6b: {  	_ =	shalt  }
0x6c: {  	_ =	shalt  }
0x6d: {  	_ =	shalt  }
0x6e: {  	_ =	shalt  }
0x6f: {  	_ =	shalt  }
0x70: {  	_ =	shalt  }
0x71: {  	_ =	shalt  }
0x72: {  	_ =	shalt  }
0x73: {  	_ =	shalt  }
0x74: {  	_ =	shalt  }
0x75: {  	_ =	shalt  }
0x76: {  	_ =	shalt  }
0x77: {  	_ =	shalt  }
0x78: {  	_ =	shalt  }
0x79: {  	_ =	shalt  }
0x7a: {  	_ =	shalt  }
0x7b: {  	_ =	shalt  }
0x7c: {  	_ =	shalt  }
0x7d: {  	_ =	shalt  }
0x7e: {  	_ =	shalt  }
0x7f: {  	_ =	shalt  }
0x80: {  	_ =	shalt  }
0x81: {  	_ =	shalt  }
0x82: {  	_ =	shalt  }
0x83: {  	_ =	shalt  }
0x84: {  	_ =	shalt  }
0x85: {  	_ =	shalt  }
0x86: {  	_ =	shalt  }
0x87: {  	_ =	shalt  }
.Lfunc_end0:
.L_simem_size_0:
called_computation_lowered:
.L_overlay_start_0:
0x88: {  	s2 =	sld [smem:$0x3FD9]  }
0x89: {  	s3 =	sld [smem:$0x3FFE];
	_ =	sdelay $0x1  }
0x8a: {  	s1 =	srdreg.scid  }
0x8b: {  	s0 =	sand.u32 $0x1, s1  }
0x8c: {  	s17 =	sshll.u32 s0, $0xA;
	s2 =	sadd.s32 s3, s2  }
0x8d: {  	s2 =	sadd.s32 s2, s17  }
0x8e: {  	[smem:$0x3FBF] =	sst s2  }
0x8f: {  	_ = 	snop  }
0x90: {  	(tm) =	ssettm $0x1  }
0x91: {  	s18 =	sld [smem:$0x3FFB];
	_ =	sdelay $0x3  }
0x92: {  	_ =	strace s18  }
0x93: {  	s2 =	sld [smem:$0x3FFC];
	_ =	sdelay $0x3  }
0x94: {  	_ =	strace s2  }
0x95: {  	s2 =	sld [smem:$0x3FFD];
	_ =	sdelay $0x3  }
0x96: {  	_ =	strace s2  }
0x97: {  	_ =	strace $0x8FFFFFFF  }
0x98: {  	s19 =	sld [smem:$0x3FDB];
	_ =	sdelay $0x1  }
0x99: {  	s20 =	simm.s32 $_scs_section_size  }
0x9a: {  	s4 =	simm.s32 $_size__tile_overlayer_lowered;
	s5 =	simm.s32 $_tile_overlayer_lowered  }
0x9b: {  	s6 =	simm.s32 $0x1BFF;
	s21 =	sshll.u32 s5, $0x1;
	s3 =	sadd.s32 s20, s19  }
0x9c: {  	s22 =	simm.s32 $0x0;
	s4 =	sshll.u32 s4, $0x1;
	s5 =	sadd.s32 s21, s3  }
0x9d: {  	[timem:s22], [sflag:s6] =	dma.local [hbm:s5], s4  }
0x9e: {  	_ =	swait.ge [sflag:s6], s4  }
0x9f: {  	s4 =	ssub.s32 $0x0, s4;
	[sflag:s6] =	ssyncset.done $0x0  }
0xa0: {  	[sflag:s6] =	ssyncadd.s32 s4;
	_ =	sdelay $0x1  }
0xa1: {  	s23 =	simm.s32 $0x1B8B  }
0xa2: {  	_ =	swait.ge [sflag:s23], $0x1  }
0xa3: {  	[sflag:s23] =	ssyncset.done $0x0  }
0xa4: {  	[sflag:s23] =	ssyncadd.s32 $0xFFFFFFFF  }
0xa5: {  	s4 =	sld [smem:$0x0]  }
0xa6: {  	s5 =	sand.u32 $0xFFFFFFFE, s1  }
0xa7: {  	p0 =	sne.s32 s1, s5  }
0xa8: {  	s5 =	sshll.u32 @p0 s5, $0xE  }
0xa9: {  	s5 =	sadd.s32 @p0 $0x11B8D, s5;
	s6 =	sshll.u32 @p0 s4, $0x11  }
0xaa: {  	s5 =	sor.u32 @p0 s6, s5  }
0xab: {  	[sflag:s5] =	ssyncadd.remote.s32 @p0 $0x1;
	_ =	sdelay $0x1  }
0xac: {  	s5 =	simm.s32 @p0 $0x1B8D  }
0xad: {  	_ =	swait.eq @p0 [sflag:s5], $0x1  }
0xae: {  	[sflag:s5] =	ssyncadd.s32 @p0 $0xFFFFFFFF  }
0xaf: {  	s6 =	sshll.u32 @!p0 s1, $0xE  }
0xb0: {  	s6 =	sor.u32 @!p0 $0x4000, s6;
	s5 =	simm.s32 @!p0 $0x1B8D  }
0xb1: {  	s4 =	sshll.u32 @!p0 s4, $0x11;
	s6 =	sadd.s32 @!p0 $0x11B8D, s6;
	_ =	swait.eq @!p0 [sflag:s5], $0x1  }
0xb2: {  	s4 =	sor.u32 @!p0 s4, s6;
	[sflag:s5] =	ssyncadd.s32 @!p0 $0xFFFFFFFF  }
0xb3: {  	s25 =	simm.s32 $0x1B8E;
	s24 =	sld [smem:$0x3FFE];
	[sflag:s4] =	ssyncadd.remote.s32 @!p0 $0x1  }
0xb4: {  	s26 =	simm.s32 $execute0_lowered;
	[smem:$0x3FD2] =	sst s25  }
0xb5: {  	s5 =	sshll.u32 s26, $0x1;
	_ =	strace $0x80000049;
	[dreg:$0x1] =	wrdreg $0xFFFFFFFF  }
0xb6: {  	s28 =	simm.s32 $_size_execute0_lowered;
	s3 =	sadd.s32 s3, s5;
	[dreg:$0x0] =	wrdreg $0x0  }
0xb7: {  	s5 =	sshll.u32 s28, $0x1;
	[dreg:$0x2] =	wrdreg s3  }
0xb8: {  	[dreg:$0x3] =	wrdreg s5  }
0xb9: {  	[dreg:$0x4] =	wrdreg $0xC0  }
0xba: {  	_ =	task [dreg:s22], $0x5FFFF  }
0xbb: {  	[dreg:$0x1] =	wrdreg $0xFFFFFFFF  }
0xbc: {  	[dreg:$0x0] =	wrdreg $0x60  }
0xbd: {  	[dreg:$0x2] =	wrdreg s24  }
0xbe: {  	[dreg:$0x3] =	wrdreg $0x0  }
0xbf: {  	[dreg:$0x4] =	wrdreg $0x9  }
0xc0: {  	_ =	task.clear_ibuf [dreg:s22], $0x5FFFF;
	_ =	strace $0x90000049  }
0xc1: {  	s29 =	simm.s32 $0x9;
	_ =	strace $0x8000004B  }
0xc2: {  	_ =	swait.ge [sflag:s29], $0x1  }
0xc3: {  	[sflag:s29] =	ssyncadd.s32 $0xFFFFFFFF  }
0xc4: {  	_ =	strace $0x9000004B  }
0xc5: {  	_ =	sfence  }
0xc6: {  	s30 =	sld [smem:$0x0];
	_ =	sdelay $0x2  }
0xc7: {  	s31 =	sshll.u32 s1, $0xD;
	s1 =	sshrl.u32 s1, $0x2  }
0xc8: {  	s4 =	sand.u32 $0x4000, s31;
	s1 =	sadd.s32 s1, s30  }
0xc9: {  	s0 =	sor.u32 s4, s0;
	s1 =	sshll.u32 s1, $0x11  }
0xca: {  	s0 =	sor.u32 s1, s0  }
0xcb: {  	s0 =	sadd.s32 $0x8F2B, s0  }
0xcc: {  	[sflag:s0] =	ssyncadd.remote.s32 $0x1  }
0xcd: {  	_ =	sfence.sel $0xFFFF  }
0xce: {  	[dreg:$0x0] =	wrdreg $0xFFFFFFFF;
	(pc) =	sbr.abs _section_cstart, $3  }
0xcf: {  	[dreg:$0x1] =	wrdreg $0xFFFFFFFF  }
0xd0: {  	_ =	task.clear_ibuf [dreg:s22], $0x2FFFF;
	_ =	strace $0x9FFFFFFF  }
0xd1: {  	(tm) =	ssettm $0x7FFFFFFF  }
tec
execute0_lowered:
.L_overlay_start_1:
0x0: {  	(tag) =	ssettag $0x1  }
0x1: {  	s7 =	rddreg [dreg:$0x0]  }
0x2: {  	s1 =	rddreg [dreg:$0x1]  }
0x3: {  	s0 =	rddreg [dreg:$0x2];
	s2 =	simm.s32 $0x0;
	s6 =	srdreg.scid  }
0x4: {  	s3 =	stileid.u32;
	s22 =	simm.s32 $0x80;
	s23 =	simm.s32 $0x0  }
0x5: {  	[smem:$0x7FF] =	sst s2;
	s4 =	sadd.s32 $0x2000, s7;
	s5 =	sadd.s32 $0x33B600, s7  }
0x6: {  	s8 =	sand.u32 $0x1, s6;
	s6 =	sadd.s32 $0x38BE00, s7;
	s10 =	smul.u32 $0x50000, s3  }
0x7: {  	s17 =	sadd.s32 $0x38C600, s7;
	s11 =	smul.u32 $0x14000, s3;
	s30 =	sshll.u32 s3, $0x1  }
0x8: {  	_ =	strace $0x8000004A;
	s9 =	ssub.s32 $0x2, s8;
	s12 =	sor.u32 s8, s30  }
0x9: {  	s19 =	smul.u32 $0x140000, s8;
	s29 =	sshrl.u32 s9, $0x1;
	s31 =	sshrl.u32 s10, $0x2  }
0xa: {  	s13 =	sadd.s32 $0x4000, s11;
	s15 =	sadd.s32 $0x8000, s11;
	s16 =	sadd.s32 $0xC000, s11  }
0xb: {  	s20 =	sadd.s32 $0x10000, s11;
	s12 =	smul.u32 $0x1400, s12;
	s18 =	ssub.s32 s9, s29  }
0xc: {  	s7 =	sadd.s32 s31, s1;
	s8 =	sadd.s32 s13, s1;
	s9 =	sadd.s32 s15, s1  }
0xd: {  	s10 =	sadd.s32 s16, s1;
	s14 =	sadd.s32 s11, s19;
	s13 =	sadd.s32 s19, s13  }
0xe: {  	s11 =	sadd.s32 s20, s1;
	s15 =	sadd.s32 s19, s15;
	s16 =	sadd.s32 s19, s16  }
0xf: {  	s19 =	sadd.s32 s19, s20;
	s20 =	simm.s32 $0x1;
	s14 =	sshrl.u32 s14, $0x3  }
0x10: {  	s21 =	sshrl.u32 s13, $0x3;
	s15 =	sshrl.u32 s15, $0x3;
	s16 =	sshrl.u32 s16, $0x3  }
0x11: {  	s19 =	sshrl.u32 s19, $0x3;
	s18 =	smax.u32 s18, $0x1;
	s13 =	sadd.s32 s17, s14  }
0x12: {  	s14 =	sadd.s32 s17, s21;
	s15 =	sadd.s32 s17, s15;
	s16 =	sadd.s32 s17, s16  }
0x13: {  	s17 =	sadd.s32 s17, s19;
	s19 =	simm.s32 $0x14080;
	s21 =	simm.s32 $0x14000  }
.LBB2_1:
0x14: {  	[tilespmem:s19], [sflag:$0x1] =	stream.linear.gather [hbm4b:s5+s2], $0x4000, $0x38;
	[tilespmem:$0x18080] =	vst v63  }
0x15: {  	_ =	swait.ge [sflag:s20], $0x4000  }
0x16: {  	[sflag:s20] =	ssyncset.done $0x0  }
0x17: {  	[sflag:s20] =	ssyncadd.s32 $0xFFFFC000  }
0x18: {  	[spmem:s7] =	stream.linear.scatter [tilespmem:s19], [sflag:$0x1], $0x4000, $0x38;
	[tilespmem:$0x18080] =	vst v63  }
0x19: {  	_ =	swait.ge [sflag:s20], $0x4000  }
0x1a: {  	[sflag:s20] =	ssyncset.done $0x0  }
0x1b: {  	[sflag:s20] =	ssyncadd.s32 $0xFFFFC000  }
0x1c: {  	[spmem:s8] =	stream.linear.scatter [tilespmem:s19], [sflag:$0x1], $0x4000, $0x38;
	[tilespmem:$0x18080] =	vst v63  }
0x1d: {  	_ =	swait.ge [sflag:s20], $0x4000  }
0x1e: {  	[sflag:s20] =	ssyncset.done $0x0  }
0x1f: {  	[sflag:s20] =	ssyncadd.s32 $0xFFFFC000  }
0x20: {  	[spmem:s9] =	stream.linear.scatter [tilespmem:s19], [sflag:$0x1], $0x4000, $0x38;
	[tilespmem:$0x18080] =	vst v63  }
0x21: {  	_ =	swait.ge [sflag:s20], $0x4000  }
0x22: {  	[sflag:s20] =	ssyncset.done $0x0  }
0x23: {  	[sflag:s20] =	ssyncadd.s32 $0xFFFFC000  }
0x24: {  	[spmem:s10] =	stream.linear.scatter [tilespmem:s19], [sflag:$0x1], $0x4000, $0x38;
	[tilespmem:$0x18080] =	vst v63  }
0x25: {  	_ =	swait.ge [sflag:s20], $0x4000  }
0x26: {  	[sflag:s20] =	ssyncset.done $0x0  }
0x27: {  	[sflag:s20] =	ssyncadd.s32 $0xFFFFC000  }
0x28: {  	[spmem:s11] =	stream.linear.scatter [tilespmem:s19], [sflag:$0x1], $0x4000, $0x38;
	[tilespmem:$0x18080] =	vst v63  }
0x29: {  	_ =	swait.ge [sflag:s20], $0x4000  }
0x2a: {  	[sflag:s20] =	ssyncset.done $0x0  }
0x2b: {  	s24 =	sand.u32 $0x1C00, s2;
	[sflag:s20] =	ssyncadd.s32 $0xFFFFC000  }
0x2c: {  	[tilespmem:s19], [sflag:$0x1] =	stream.linear.gather [hbm4b:s6+s2], $0x4000, $0x38;
	[tilespmem:$0x18080] =	vst v63  }
0x2d: {  	s25 =	sand.u32 $0x380, s2;
	s24 =	sadd.s32 s12, s24;
	_ =	swait.ge [sflag:s20], $0x4000  }
0x2e: {  	s24 =	sor.u32 s25, s24;
	[sflag:s20] =	ssyncset.done $0x0  }
0x2f: {  	s24 =	sshrl.u32 s24, $0x3;
	[sflag:s20] =	ssyncadd.s32 $0xFFFFC000  }
0x30: {  	s24 =	sadd.s32 s4, s24;
	[bflag:$0x0] =	sbarrier.arrive $0xFFFF  }
0x31: {  	[tilespmem:s21], [sflag:$0x1] =	stream.linear.gather [hbm4b:s24+s2], $0x80, $0x38;
	[tilespmem:$0x18080] =	vst v63  }
0x32: {  	_ =	swait.ge [sflag:s20], $0x80  }
0x33: {  	s30 =	simm.s32 $0x80;
	[sflag:s20] =	ssyncset.done $0x0  }
0x34: {  	s31 =	sand.u32 $0x1C00, s30;
	[sflag:s20] =	ssyncadd.s32 $0xFFFFFF80  }
0x35: {  	[spmem:s1] =	stream.indirect.scatter.add.f32 [tilespmem:s19], [sflag:$0x1], $0x80, s21, s22, $0xb8;
	[tilespmem:$0x18080] =	vst v63  }
0x36: {  	s26 =	sand.u32 $0x380, s30;
	s25 =	sadd.s32 s12, s31;
	_ =	swait.ge [sflag:s20], $0x4000  }
0x37: {  	s25 =	sor.u32 s26, s25;
	s24 =	simm.s32 $0x100;
	[sflag:s20] =	ssyncset.done $0x0  }
.LBB2_2:
0x38: {  	s25 =	sshrl.u32 s25, $0x3  }
0x39: {  	[sflag:s20] =	ssyncadd.s32 $0xFFFFC000;
	s26 =	smov.u32 s24;
	s28 =	sadd.s32 $0x80, s24  }
0x3a: {  	p0 =	sne.s32 s24, $0x1380;
	s24 =	sadd.s32 s4, s25  }
0x3b: {  	[tilespmem:s21], [sflag:$0x1] =	stream.linear.gather [hbm4b:s24+s2], $0x80, $0x38;
	[tilespmem:$0x18080] =	vst v63  }
0x3c: {  	_ =	swait.ge [sflag:s20], $0x80  }
.Ltmp0:
0x3d: {  	[sflag:s20] =	ssyncset.done $0x0;
	(pc) =	sbr.rel @p0 .LBB2_2-.Ltmp0, $4  }
0x3e: {  	s24 =	sand.u32 $0x1C00, s26;
	[sflag:s20] =	ssyncadd.s32 $0xFFFFFF80  }
0x3f: {  	[spmem:s1] =	stream.indirect.scatter.add.f32 [tilespmem:s19], [sflag:$0x1], $0x80, s21, s22, $0xb8;
	[tilespmem:$0x18080] =	vst v63  }
0x40: {  	s25 =	sand.u32 $0x380, s26;
	s24 =	sadd.s32 s12, s24;
	_ =	swait.ge [sflag:s20], $0x4000  }
0x41: {  	s25 =	sor.u32 s25, s24;
	s24 =	smov.u32 s28;
	[sflag:s20] =	ssyncset.done $0x0  }
0x42: {  	s24 =	sshrl.u32 s25, $0x3  }
0x43: {  	[sflag:s20] =	ssyncadd.s32 $0xFFFFC000;
	s24 =	sadd.s32 s4, s24  }
0x44: {  	[tilespmem:s21], [sflag:$0x1] =	stream.linear.gather [hbm4b:s24+s2], $0x80, $0x38;
	[tilespmem:$0x18080] =	vst v63  }
0x45: {  	_ =	swait.ge [sflag:s20], $0x80  }
0x46: {  	[sflag:s20] =	ssyncset.done $0x0  }
0x47: {  	[sflag:s20] =	ssyncadd.s32 $0xFFFFFF80  }
0x48: {  	[spmem:s1] =	stream.indirect.scatter.add.f32 [tilespmem:s19], [sflag:$0x1], $0x80, s21, s22, $0xb8;
	[tilespmem:$0x18080] =	vst v63  }
0x49: {  	_ =	swait.ge [sflag:s20], $0x4000  }
0x4a: {  	[sflag:s20] =	ssyncset.done $0x0  }
0x4b: {  	[sflag:s20] =	ssyncadd.s32 $0xFFFFC000  }
0x4c: {  	[bflag:$0x0] =	sbarrier.arrive $0xFFFF  }
0x4d: {  	[tilespmem:s19], [sflag:$0x1] =	stream.linear.gather [spmem:s7], $0x4000, $0x38;
	[tilespmem:$0x18080] =	vst v63  }
0x4e: {  	_ =	swait.ge [sflag:s20], $0x4000  }
0x4f: {  	[sflag:s20] =	ssyncset.done $0x0  }
0x50: {  	[sflag:s20] =	ssyncadd.s32 $0xFFFFC000  }
0x51: {  	[hbm4b:s13+s2] =	stream.linear.scatter [tilespmem:s19], [sflag:$0x1], $0x4000, $0x38;
	[tilespmem:$0x18080] =	vst v63  }
0x52: {  	_ =	swait.ge [sflag:s20], $0x4000  }
0x53: {  	[sflag:s20] =	ssyncset.done $0x0  }
0x54: {  	[sflag:s20] =	ssyncadd.s32 $0xFFFFC000  }
0x55: {  	[tilespmem:s19], [sflag:$0x1] =	stream.linear.gather [spmem:s8], $0x4000, $0x38;
	[tilespmem:$0x18080] =	vst v63  }
0x56: {  	_ =	swait.ge [sflag:s20], $0x4000  }
0x57: {  	[sflag:s20] =	ssyncset.done $0x0  }
0x58: {  	[sflag:s20] =	ssyncadd.s32 $0xFFFFC000  }
0x59: {  	[hbm4b:s14+s2] =	stream.linear.scatter [tilespmem:s19], [sflag:$0x1], $0x4000, $0x38;
	[tilespmem:$0x18080] =	vst v63  }
0x5a: {  	_ =	swait.ge [sflag:s20], $0x4000  }
0x5b: {  	[sflag:s20] =	ssyncset.done $0x0  }
0x5c: {  	[sflag:s20] =	ssyncadd.s32 $0xFFFFC000  }
0x5d: {  	[tilespmem:s19], [sflag:$0x1] =	stream.linear.gather [spmem:s9], $0x4000, $0x38;
	[tilespmem:$0x18080] =	vst v63  }
0x5e: {  	_ =	swait.ge [sflag:s20], $0x4000  }
0x5f: {  	[sflag:s20] =	ssyncset.done $0x0  }
0x60: {  	[sflag:s20] =	ssyncadd.s32 $0xFFFFC000  }
0x61: {  	[hbm4b:s15+s2] =	stream.linear.scatter [tilespmem:s19], [sflag:$0x1], $0x4000, $0x38;
	[tilespmem:$0x18080] =	vst v63  }
0x62: {  	_ =	swait.ge [sflag:s20], $0x4000  }
0x63: {  	[sflag:s20] =	ssyncset.done $0x0  }
0x64: {  	[sflag:s20] =	ssyncadd.s32 $0xFFFFC000  }
0x65: {  	[tilespmem:s19], [sflag:$0x1] =	stream.linear.gather [spmem:s10], $0x4000, $0x38;
	[tilespmem:$0x18080] =	vst v63  }
0x66: {  	_ =	swait.ge [sflag:s20], $0x4000  }
0x67: {  	[sflag:s20] =	ssyncset.done $0x0  }
0x68: {  	[sflag:s20] =	ssyncadd.s32 $0xFFFFC000  }
0x69: {  	[hbm4b:s16+s2] =	stream.linear.scatter [tilespmem:s19], [sflag:$0x1], $0x4000, $0x38;
	[tilespmem:$0x18080] =	vst v63  }
0x6a: {  	_ =	swait.ge [sflag:s20], $0x4000  }
0x6b: {  	[sflag:s20] =	ssyncset.done $0x0  }
0x6c: {  	[sflag:s20] =	ssyncadd.s32 $0xFFFFC000  }
0x6d: {  	[tilespmem:s19], [sflag:$0x1] =	stream.linear.gather [spmem:s11], $0x4000, $0x38;
	[tilespmem:$0x18080] =	vst v63  }
0x6e: {  	s23 =	sadd.s32 $0x1, s23;
	_ =	swait.ge [sflag:s20], $0x4000  }
0x6f: {  	p0 =	sne.s32 s23, s18;
	[sflag:s20] =	ssyncset.done $0x0  }
.Ltmp1:
0x70: {  	[sflag:s20] =	ssyncadd.s32 $0xFFFFC000;
	(pc) =	sbr.rel @p0 .LBB2_1-.Ltmp1, $4  }
0x71: {  	[hbm4b:s17+s2] =	stream.linear.scatter [tilespmem:s19], [sflag:$0x1], $0x4000, $0x38;
	[tilespmem:$0x18080] =	vst v63  }
0x72: {  	_ =	swait.ge [sflag:s20], $0x4000  }
0x73: {  	[sflag:s20] =	ssyncset.done $0x0  }
0x74: {  	[sflag:s20] =	ssyncadd.s32 $0xFFFFC000  }
0x75: {  	_ =	sfence.sel $0x180000  }
0x76: {  	[bflag:$0x0] =	sbarrier.arrive $0xFFFF  }
0x77: {  	p0 =	sne.s32 s3, $0x0;
	_ =	strace $0x9000004A  }
0x78: {  	s0 =	sadd.s32 @!p0 $0x100000, s0;
	[bflag:$0x2] =	sbarrier.arrive $0xFFFF  }
0x79: {  	[sflag:s0] =	ssyncadd.tile.s32 @!p0 $0x1;
	_ =	shalt  }
.Lfunc_end2:
_tile_overlayer_lowered:
.L_overlay_start_2:
0x7a: {  	(tag) =	ssettag $0x2  }
0x7b: {  	s0 =	rddreg [dreg:$0x0];
	s2 =	stileid.u32  }
0x7c: {  	s1 =	rddreg [dreg:$0x1];
	p0 =	sne.s32 s2, $0x0  }
0x7d: {  	s3 =	rddreg [dreg:$0x2];
	[bflag:$0x3] =	sbarrier.arrive $0xFFFF;
	s2 =	simm.s32 @!p0 $0x1C01  }
0x7e: {  	[timem:s3], [sflag:s2] =	dma.local @!p0 [hbm:s0], s1  }
0x7f: {  	s0 =	simm.s32 @!p0 $0x1  }
0x80: {  	_ =	swait.ge @!p0 [sflag:s0], s1  }
0x81: {  	s1 =	ssub.s32 @!p0 $0x0, s1;
	[sflag:s0] =	ssyncset.done @!p0 $0x0  }
0x82: {  	[sflag:s0] =	ssyncadd.s32 @!p0 s1  }
0x83: {  	[bflag:$0x3] =	sbarrier.arrive $0xFFFF  }
0x84: {  	_ =	shalt  }

</sc_bundles>
